<compile_context>
chip_gen: v7x
topology: tpu7x:2x2x1
jax: 0.10.2.dev20260603
libtpu: 0.0.44.dev20260713+nightly
codegen_flags: <defaults>
</compile_context>

<pallas_src>
import functools

import jax
import jax.numpy as jnp
from jax import lax
from jax.experimental import pallas as pl
from jax.experimental.pallas import tpu as pltpu
from jax.experimental.pallas import tpu_sc as plsc

F32 = jnp.float32
I32 = jnp.int32

NN = 10000
EE = 320000
DIN = 128
HID = 64
NG = 64
NMETA = 27

NC, NS = 2, 16
NW = NC * NS
CH = 128
KCH = 80
CHG = 1
NCHK = KCH // CHG
EPAD = NW * KCH * CH
NSP = 10016
RPT = NSP // NS
DW = 8
NBUF = 8

_mesh = plsc.VectorSubcoreMesh(
    core_axis_name="c", subcore_axis_name="s", num_cores=NC, num_subcores=NS)


@functools.partial(
    pl.kernel,
    out_type=(jax.ShapeDtypeStruct((NSP, DW), F32),
              jax.ShapeDtypeStruct((NSP, DW), F32)),
    mesh=_mesh,
    scratch_types=[
        pltpu.VMEM((KCH * CH,), I32),
        pltpu.VMEM((CH, DW), F32),
        pltpu.VMEM_SHARED((NSP, DW), F32),
        pltpu.SemaphoreType.DMA,
    ],
    compiler_params=pltpu.CompilerParams(use_tc_tiling_on_sc=False),
)
def _sc_degree(dst_hbm, zeros_hbm, ones_hbm, deg0_hbm, deg1_hbm,
               dstv, onesv, deg_sh, sem):
    cid = lax.axis_index("c")
    sid = lax.axis_index("s")
    wid = cid * NS + sid
    pltpu.sync_copy(zeros_hbm.at[pl.ds(sid * RPT, RPT)],
                    deg_sh.at[pl.ds(sid * RPT, RPT)])
    pltpu.sync_copy(ones_hbm, onesv)
    pltpu.async_copy(dst_hbm.at[wid], dstv, sem).wait()
    plsc.subcore_barrier()

    def body(j, carry):
        pltpu.async_copy(onesv, deg_sh.at[dstv.at[pl.ds(j * CH, CH)]],
                         sem, add=True)

        @pl.when(j >= 8)
        def _():
            pltpu.make_async_copy(onesv, deg_sh.at[dstv.at[pl.ds(0, CH)]],
                                  sem).wait()

        return carry

    lax.fori_loop(0, KCH, body, 0)
    for _ in range(8):
        pltpu.make_async_copy(onesv, deg_sh.at[dstv.at[pl.ds(0, CH)]],
                              sem).wait()
    plsc.subcore_barrier()

    @pl.when(cid == 0)
    def _():
        pltpu.sync_copy(deg_sh.at[pl.ds(sid * RPT, RPT)],
                        deg0_hbm.at[pl.ds(sid * RPT, RPT)])

    @pl.when(cid == 1)
    def _():
        pltpu.sync_copy(deg_sh.at[pl.ds(sid * RPT, RPT)],
                        deg1_hbm.at[pl.ds(sid * RPT, RPT)])


@functools.partial(
    pl.kernel,
    out_type=(jax.ShapeDtypeStruct((NSP, HID), F32),
              jax.ShapeDtypeStruct((NSP, HID), F32)),
    mesh=_mesh,
    scratch_types=[
        pltpu.VMEM((KCH * CH,), I32),
        pltpu.VMEM((KCH * CH,), I32),
        [pltpu.VMEM((CHG * CH, HID), F32) for _ in range(NBUF)],
        pltpu.VMEM_SHARED((NSP, HID), F32),
        [pltpu.SemaphoreType.DMA for _ in range(NBUF)],
        [pltpu.SemaphoreType.DMA for _ in range(NBUF)],
        pltpu.SemaphoreType.DMA,
    ],
    compiler_params=pltpu.CompilerParams(use_tc_tiling_on_sc=False),
)
def _sc_edge_pass(src_hbm, dst_hbm, u_hbm, zeros_hbm, s0_hbm, s1_hbm,
                  srcv, dstv, bufs, s_sh, gsems, ssems, semi):
    cid = lax.axis_index("c")
    sid = lax.axis_index("s")
    wid = cid * NS + sid
    pltpu.async_copy(src_hbm.at[wid], srcv, semi).wait()
    for b in range(NBUF):
        pltpu.async_copy(u_hbm.at[srcv.at[pl.ds(b * CHG * CH, CHG * CH)]], bufs[b],
                         gsems[b])
    pltpu.async_copy(dst_hbm.at[wid], dstv, semi).wait()
    pltpu.sync_copy(zeros_hbm.at[pl.ds(sid * RPT, RPT)],
                    s_sh.at[pl.ds(sid * RPT, RPT)])
    plsc.subcore_barrier()


    def body(i, carry):
        j0 = NBUF * i
        for b in range(NBUF):
            j = j0 + b

            @pl.when(j < NCHK)
            def _(b=b, j=j):
                pltpu.make_async_copy(
                    u_hbm.at[srcv.at[pl.ds(j * CHG * CH, CHG * CH)]], bufs[b],
                    gsems[b]).wait()
                pltpu.async_copy(bufs[b], s_sh.at[dstv.at[pl.ds(j * CHG * CH, CHG * CH)]],
                                 ssems[b], add=True)

        for b in range(NBUF):
            j = j0 + b

            @pl.when(j + NBUF < NCHK)
            def _(b=b, j=j):
                pltpu.make_async_copy(bufs[b], s_sh.at[dstv.at[pl.ds(0, CHG * CH)]],
                                      ssems[b]).wait()
                pltpu.async_copy(
                    u_hbm.at[srcv.at[pl.ds((j + NBUF) * CHG * CH, CHG * CH)]], bufs[b],
                    gsems[b])

        return carry

    lax.fori_loop(0, (NCHK + NBUF - 1) // NBUF, body, 0)
    for b in range(NBUF):
        pltpu.make_async_copy(bufs[b], s_sh.at[dstv.at[pl.ds(0, CHG * CH)]],
                              ssems[b]).wait()
    plsc.subcore_barrier()

    @pl.when(cid == 0)
    def _():
        pltpu.sync_copy(s_sh.at[pl.ds(sid * RPT, RPT)],
                        s0_hbm.at[pl.ds(sid * RPT, RPT)])

    @pl.when(cid == 1)
    def _():
        pltpu.sync_copy(s_sh.at[pl.ds(sid * RPT, RPT)],
                        s1_hbm.at[pl.ds(sid * RPT, RPT)])


_RB = 400
_NB = NN // _RB


def _tc_b_body(x_ref, d0_ref, d1_ref, w1_ref, h_ref, u_ref, dis_ref):
    deg = d0_ref[:, 0:1] + d1_ref[:, 0:1] + 1.0
    dis = lax.rsqrt(deg)
    h = jnp.dot(x_ref[...], w1_ref[...], preferred_element_type=F32)
    h_ref[...] = h
    u_ref[...] = h * dis
    dis_ref[...] = dis


def _tc_stage_b(x, deg0, deg1, w1):
    return pl.pallas_call(
        _tc_b_body,
        grid=(_NB,),
        in_specs=[
            pl.BlockSpec((_RB, DIN), lambda i: (i, 0)),
            pl.BlockSpec((_RB, DW), lambda i: (i, 0)),
            pl.BlockSpec((_RB, DW), lambda i: (i, 0)),
            pl.BlockSpec((DIN, HID), lambda i: (0, 0)),
        ],
        out_specs=[
            pl.BlockSpec((_RB, HID), lambda i: (i, 0)),
            pl.BlockSpec((_RB, HID), lambda i: (i, 0)),
            pl.BlockSpec((_RB, 1), lambda i: (i, 0)),
        ],
        out_shape=[
            jax.ShapeDtypeStruct((NN, HID), F32),
            jax.ShapeDtypeStruct((NN, HID), F32),
            jax.ShapeDtypeStruct((NN, 1), F32),
        ],
    )(x, deg0, deg1, w1)


def _tc_d_body(s0_ref, s1_ref, h1_ref, dis_ref, b1_ref, w2_ref,
               h2_ref, u2_ref):
    dis = dis_ref[...]
    a = dis * (s0_ref[...] + s1_ref[...]) + dis * dis * h1_ref[...] \
        + b1_ref[...]
    a = jnp.maximum(a, 0.0)
    h2 = jnp.dot(a, w2_ref[...], preferred_element_type=F32)
    h2_ref[...] = h2
    u2_ref[...] = h2 * dis


def _tc_stage_d(s0, s1, h1, dis, b1, w2):
    return pl.pallas_call(
        _tc_d_body,
        grid=(_NB,),
        in_specs=[
            pl.BlockSpec((_RB, HID), lambda i: (i, 0)),
            pl.BlockSpec((_RB, HID), lambda i: (i, 0)),
            pl.BlockSpec((_RB, HID), lambda i: (i, 0)),
            pl.BlockSpec((_RB, 1), lambda i: (i, 0)),
            pl.BlockSpec((1, HID), lambda i: (0, 0)),
            pl.BlockSpec((HID, HID), lambda i: (0, 0)),
        ],
        out_specs=[
            pl.BlockSpec((_RB, HID), lambda i: (i, 0)),
            pl.BlockSpec((_RB, HID), lambda i: (i, 0)),
        ],
        out_shape=[
            jax.ShapeDtypeStruct((NN, HID), F32),
            jax.ShapeDtypeStruct((NN, HID), F32),
        ],
    )(s0, s1, h1, dis, b1, w2)


def _tc_f_body(s0_ref, s1_ref, h2_ref, dis_ref, b2_ref, batch_ref, meta_ref,
               wh1a_ref, wh1b_ref, bh1_ref, wh2_ref, bh2_ref,
               out_ref, acc_e, acc_c):
    i = pl.program_id(0)

    @pl.when(i == 0)
    def _():
        acc_e[...] = jnp.zeros((NG, HID), F32)
        acc_c[...] = jnp.zeros((NG, HID), F32)

    dis = dis_ref[...]
    a = dis * (s0_ref[...] + s1_ref[...]) + dis * dis * h2_ref[...] \
        + b2_ref[...]
    a = jnp.maximum(a, 0.0)
    gids = lax.broadcasted_iota(I32, (_RB, NG), 1)
    onehot = (batch_ref[...] == gids).astype(F32)
    dn = (((0,), (0,)), ((), ()))
    acc_e[...] += lax.dot_general(onehot, a, dn,
                                  preferred_element_type=F32)
    acc_c[...] += lax.dot_general(onehot, jnp.ones((_RB, HID), F32), dn,
                                  preferred_element_type=F32)

    @pl.when(i == _NB - 1)
    def _():
        emb = acc_e[...] / jnp.maximum(acc_c[...], 1.0)
        z = jnp.dot(emb, wh1a_ref[...], preferred_element_type=F32) \
            + jnp.dot(meta_ref[...], wh1b_ref[...],
                      preferred_element_type=F32) + bh1_ref[...]
        z = jnp.maximum(z, 0.0)
        out_ref[...] = jnp.dot(z, wh2_ref[...],
                               preferred_element_type=F32) + bh2_ref[...]


def _tc_stage_f(s0, s1, h2, dis, b2, batch2, meta, wh1a, wh1b, bh1, wh2, bh2):
    return pl.pallas_call(
        _tc_f_body,
        grid=(_NB,),
        in_specs=[
            pl.BlockSpec((_RB, HID), lambda i: (i, 0)),
            pl.BlockSpec((_RB, HID), lambda i: (i, 0)),
            pl.BlockSpec((_RB, HID), lambda i: (i, 0)),
            pl.BlockSpec((_RB, 1), lambda i: (i, 0)),
            pl.BlockSpec((1, HID), lambda i: (0, 0)),
            pl.BlockSpec((_RB, 1), lambda i: (i, 0)),
            pl.BlockSpec((NG, NMETA), lambda i: (0, 0)),
            pl.BlockSpec((HID, HID), lambda i: (0, 0)),
            pl.BlockSpec((NMETA, HID), lambda i: (0, 0)),
            pl.BlockSpec((1, HID), lambda i: (0, 0)),
            pl.BlockSpec((HID, 1), lambda i: (0, 0)),
            pl.BlockSpec((1, 1), lambda i: (0, 0)),
        ],
        out_specs=pl.BlockSpec((NG, 1), lambda i: (0, 0)),
        out_shape=jax.ShapeDtypeStruct((NG, 1), F32),
        scratch_shapes=[
            pltpu.VMEM((NG, HID), F32),
            pltpu.VMEM((NG, HID), F32),
        ],
    )(s0, s1, h2, dis, b2, batch2, meta, wh1a, wh1b, bh1, wh2, bh2)


def kernel(x, edge_index, batch, metadata, W1, b1, W2, b2, Wh1, bh1, Wh2, bh2):
    ppw = KCH * CH - EE // NW
    pad_src = ((jnp.arange(NW * ppw, dtype=I32) * 131) % NN).reshape(NW, ppw)
    pad_dst = (NN + (jnp.arange(NW * ppw, dtype=I32) % 16)).reshape(NW, ppw)
    src3 = jnp.concatenate([edge_index[0].reshape(NW, EE // NW), pad_src], 1)
    dst3 = jnp.concatenate([edge_index[1].reshape(NW, EE // NW), pad_dst], 1)

    zeros_h = jnp.zeros((NSP, HID), F32)
    zeros_d = jnp.zeros((NSP, DW), F32)
    ones_d = jnp.ones((CH, DW), F32)

    deg0, deg1 = _sc_degree(dst3, zeros_d, ones_d)
    h1, u1, dis = _tc_stage_b(x, deg0, deg1, W1)
    s10, s11 = _sc_edge_pass(src3, dst3, u1, zeros_h)
    h2, u2 = _tc_stage_d(s10, s11, h1, dis, b1.reshape(1, HID), W2)
    s20, s21 = _sc_edge_pass(src3, dst3, u2, zeros_h)
    out = _tc_stage_f(s20, s21, h2, dis, b2.reshape(1, HID),
                      batch.reshape(NN, 1), metadata,
                      Wh1[:HID], Wh1[HID:], bh1.reshape(1, HID),
                      Wh2, bh2.reshape(1, 1))
    return out

# --- scband reference (transcript-rebuilt; emitter-appended) ---
"""Pipeline reference for scband-tiny-hybrid-xg-72722386256531 (READ-ONLY COPY).

The authoritative reference and input builder live on the scoring server;
editing this copy changes nothing except your own understanding.
"""

import jax, jax.numpy as jnp
import numpy as np

N = 10000
E = 320000
DIN = 128
H = 64
META = 27
G = 64


def setup_inputs(seed: int = 0) -> dict:
    key = jax.random.key(seed)
    ks = jax.random.split(key, 13)
    x = jax.random.normal(ks[0], (N, DIN), dtype=jnp.float32)
    edge_index = jax.random.randint(ks[1], (2, E), 0, N, dtype=jnp.int32)
    batch = jnp.sort(jax.random.randint(ks[2], (N,), 0, G, dtype=jnp.int32))
    metadata = jax.random.normal(ks[3], (G, META), dtype=jnp.float32)
    # GCNConv 1: in=DIN -> out=H
    W1 = jax.random.normal(ks[4], (DIN, H), dtype=jnp.float32) / np.sqrt(DIN)
    b1 = jnp.zeros((H,), dtype=jnp.float32)
    # GCNConv 2: in=H -> out=H
    W2 = jax.random.normal(ks[5], (H, H), dtype=jnp.float32) / np.sqrt(H)
    b2 = jnp.zeros((H,), dtype=jnp.float32)
    # Head: Linear(H+META, H), ReLU, Dropout(eval=identity), Linear(H, 1)
    Wh1 = jax.random.normal(ks[6], (H + META, H), dtype=jnp.float32) / np.sqrt(H + META)
    bh1 = jnp.zeros((H,), dtype=jnp.float32)
    Wh2 = jax.random.normal(ks[7], (H, 1), dtype=jnp.float32) / np.sqrt(H)
    bh2 = jnp.zeros((1,), dtype=jnp.float32)
    return {
        "x": x, "edge_index": edge_index, "batch": batch, "metadata": metadata,
        "W1": W1, "b1": b1, "W2": W2, "b2": b2,
        "Wh1": Wh1, "bh1": bh1, "Wh2": Wh2, "bh2": bh2,
    }


def _gcn_conv(x, edge_index, W, b):
    # PyG GCNConv default: add self-loops, symmetric normalization D^-1/2 (A+I) D^-1/2 X W + b
    num_nodes = x.shape[0]
    src = edge_index[0]
    dst = edge_index[1]
    loop = jnp.arange(num_nodes, dtype=src.dtype)
    src = jnp.concatenate([src, loop])
    dst = jnp.concatenate([dst, loop])
    ones = jnp.ones(src.shape[0], dtype=x.dtype)
    deg = jax.ops.segment_sum(ones, dst, num_segments=num_nodes)
    dis = jnp.where(deg > 0, jax.lax.rsqrt(jnp.maximum(deg, 1e-12)), 0.0)
    norm = dis[src] * dis[dst]
    h = x @ W
    msg = h[src] * norm[:, None]
    out = jax.ops.segment_sum(msg, dst, num_segments=num_nodes)
    return out + b


def reference(x, edge_index, batch, metadata, W1, b1, W2, b2, Wh1, bh1, Wh2, bh2):
    h = jax.nn.relu(_gcn_conv(x, edge_index, W1, b1))
    h = jax.nn.relu(_gcn_conv(h, edge_index, W2, b2))
    # global_mean_pool over `batch` segment ids
    s = jax.ops.segment_sum(h, batch, num_segments=G)
    cnt = jax.ops.segment_sum(jnp.ones(h.shape[0], dtype=h.dtype), batch, num_segments=G)
    emb = s / jnp.maximum(cnt, 1.0)[:, None]
    z = jnp.concatenate([emb, metadata], axis=1)
    z = jax.nn.relu(z @ Wh1 + bh1)
    # Dropout is identity in eval mode
    out = z @ Wh2 + bh2
    return out

if __name__ == "__main__":
    import jax
    _d = setup_inputs()
    print(jax.jit(kernel)(*tuple(_d.values())))

</pallas_src>

<mosaic_0001>
#map = affine_map<(d0, d1) -> (0, 0)>
module attributes {stable_mosaic.version = 14 : i64} {
  func.func @_sc_degree(%arg0: i32, %arg1: i32, %arg2: memref<32x10240xi32, #tpu.memory_space<hbm>>, %arg3: memref<10016x8xf32, #tpu.memory_space<hbm>>, %arg4: memref<128x8xf32, #tpu.memory_space<hbm>>, %arg5: memref<10016x8xf32, #tpu.memory_space<hbm>>, %arg6: memref<10016x8xf32, #tpu.memory_space<hbm>>, %arg7: memref<10240xi32, #tpu.memory_space<vmem>>, %arg8: memref<128x8xf32, #tpu.memory_space<vmem>>, %arg9: memref<10016x8xf32, #tpu.memory_space<vmem_shared>>, %arg10: memref<!tpu.dma_semaphore, #tpu.memory_space<semaphore_mem>>) attributes {dimension_semantics = [#tpu.dimension_semantics<core_parallel>, #tpu.dimension_semantics<subcore_parallel>], iteration_bounds = array<i64: 2, 16>, scalar_prefetch = 0 : i64, scratch_operands = 4 : i64, tpu.core_type = #tpu.core_type<sc_vector_subcore>, window_params = [{transform_indices = #map}, {transform_indices = #map}, {transform_indices = #map}, {transform_indices = #map}, {transform_indices = #map}]} {
    %mul3A = arith.constant 16 : i32
    %mul3A_0 = arith.muli %arg0, %mul3A : i32
    %add3A = arith.addi %mul3A_0, %arg1 : i32
    %mul3A_1 = arith.constant 626 : i32
    %mul3A_2 = arith.muli %arg1, %mul3A_1 : i32
    %mul3A_3 = arith.constant 626 : i32
    %mul3A_4 = arith.muli %arg1, %mul3A_3 : i32
    "tpu.region"() ({
      %run_scoped3A = tpu.sem_alloc : memref<!tpu.dma_semaphore, #tpu.memory_space<semaphore_mem>>
      %dma_start3A_68 = arith.constant 0 : i32
      %dma_start3A_69 = tpu.memref_slice %arg9[%mul3A_4, %dma_start3A_68] : memref<10016x8xf32, #tpu.memory_space<vmem_shared>> -> memref<626x8xf32, #tpu.memory_space<vmem_shared>>
      %dma_start3A_70 = arith.constant 0 : i32
      %dma_start3A_71 = tpu.memref_slice %arg3[%mul3A_2, %dma_start3A_70] : memref<10016x8xf32, #tpu.memory_space<hbm>> -> memref<626x8xf32, #tpu.memory_space<hbm>>
      tpu.enqueue_dma source(%dma_start3A_71 : memref<626x8xf32, #tpu.memory_space<hbm>>) target(%dma_start3A_69 : memref<626x8xf32, #tpu.memory_space<vmem_shared>>) target_semaphore(%run_scoped3A : memref<!tpu.dma_semaphore, #tpu.memory_space<semaphore_mem>>)
      %dma_wait3A_72 = arith.constant 0 : i32
      %dma_wait3A_73 = tpu.memref_slice %arg9[%mul3A_4, %dma_wait3A_72] : memref<10016x8xf32, #tpu.memory_space<vmem_shared>> -> memref<626x8xf32, #tpu.memory_space<vmem_shared>>
      %dma_wait3A_74 = arith.constant 0 : i32
      %dma_wait3A_75 = tpu.memref_slice %arg3[%mul3A_2, %dma_wait3A_74] : memref<10016x8xf32, #tpu.memory_space<hbm>> -> memref<626x8xf32, #tpu.memory_space<hbm>>
      tpu.wait_dma2 semaphore(%run_scoped3A : memref<!tpu.dma_semaphore, #tpu.memory_space<semaphore_mem>>) src(%dma_wait3A_75 : memref<626x8xf32, #tpu.memory_space<hbm>>) dst(%dma_wait3A_73 : memref<626x8xf32, #tpu.memory_space<vmem_shared>>)
      tpu.yield
    }) : () -> ()
    "tpu.region"() ({
      %run_scoped3A = tpu.sem_alloc : memref<!tpu.dma_semaphore, #tpu.memory_space<semaphore_mem>>
      tpu.enqueue_dma source(%arg4 : memref<128x8xf32, #tpu.memory_space<hbm>>) target(%arg8 : memref<128x8xf32, #tpu.memory_space<vmem>>) target_semaphore(%run_scoped3A : memref<!tpu.dma_semaphore, #tpu.memory_space<semaphore_mem>>)
      tpu.wait_dma2 semaphore(%run_scoped3A : memref<!tpu.dma_semaphore, #tpu.memory_space<semaphore_mem>>) src(%arg4 : memref<128x8xf32, #tpu.memory_space<hbm>>) dst(%arg8 : memref<128x8xf32, #tpu.memory_space<vmem>>)
      tpu.yield
    }) : () -> ()
    %dma_start3A = arith.constant 0 : i32
    %dma_start3A_5 = tpu.memref_slice %arg2[%add3A, %dma_start3A] : memref<32x10240xi32, #tpu.memory_space<hbm>> -> memref<1x10240xi32, #tpu.memory_space<hbm>>
    %dma_start3A_6 = tpu.memref_squeeze %dma_start3A_5 : memref<1x10240xi32, #tpu.memory_space<hbm>> -> memref<10240xi32, #tpu.memory_space<hbm>>
    %dma_start3A_7 = arith.constant 0 : i32
    %dma_start3A_8 = tpu.memref_slice %arg2[%add3A, %dma_start3A_7] : memref<32x10240xi32, #tpu.memory_space<hbm>> -> memref<1x10240xi32, #tpu.memory_space<hbm>>
    %dma_start3A_9 = tpu.memref_squeeze %dma_start3A_8 : memref<1x10240xi32, #tpu.memory_space<hbm>> -> memref<10240xi32, #tpu.memory_space<hbm>>
    tpu.enqueue_dma source(%dma_start3A_9 : memref<10240xi32, #tpu.memory_space<hbm>>) target(%arg7 : memref<10240xi32, #tpu.memory_space<vmem>>) target_semaphore(%arg10 : memref<!tpu.dma_semaphore, #tpu.memory_space<semaphore_mem>>)
    %dma_wait3A = arith.constant 0 : i32
    %dma_wait3A_10 = tpu.memref_slice %arg2[%add3A, %dma_wait3A] : memref<32x10240xi32, #tpu.memory_space<hbm>> -> memref<1x10240xi32, #tpu.memory_space<hbm>>
    %dma_wait3A_11 = tpu.memref_squeeze %dma_wait3A_10 : memref<1x10240xi32, #tpu.memory_space<hbm>> -> memref<10240xi32, #tpu.memory_space<hbm>>
    %dma_wait3A_12 = arith.constant 0 : i32
    %dma_wait3A_13 = tpu.memref_slice %arg2[%add3A, %dma_wait3A_12] : memref<32x10240xi32, #tpu.memory_space<hbm>> -> memref<1x10240xi32, #tpu.memory_space<hbm>>
    %dma_wait3A_14 = tpu.memref_squeeze %dma_wait3A_13 : memref<1x10240xi32, #tpu.memory_space<hbm>> -> memref<10240xi32, #tpu.memory_space<hbm>>
    tpu.wait_dma2 semaphore(%arg10 : memref<!tpu.dma_semaphore, #tpu.memory_space<semaphore_mem>>) src(%dma_wait3A_14 : memref<10240xi32, #tpu.memory_space<hbm>>) dst(%arg7 : memref<10240xi32, #tpu.memory_space<vmem>>)
    %barrier3A = arith.constant 0 : index
    tpu.barrier barrier_id(%barrier3A)
    %scan3A = arith.constant 0 : i32
    %scan3A_15 = arith.constant 0 : i32
    %scan3A_16 = arith.constant 80 : i32
    %scan3A_17 = arith.addi %scan3A_15, %scan3A_16 : i32
    %scan3A_18 = arith.constant 1 : i32
    scf.for %scan3A_68 = %scan3A_15 to %scan3A_17 step %scan3A_18  : i32 {
      %mul3A_69 = arith.constant 128 : i32
      %mul3A_70 = arith.muli %scan3A_68, %mul3A_69 : i32
      %dma_start3A_71 = tpu.memref_slice %arg7[%mul3A_70] : memref<10240xi32, #tpu.memory_space<vmem>> -> memref<128xi32, #tpu.memory_space<vmem>>
      %dma_start3A_72 = arith.constant 0 : i32
      %dma_start3A_73 = arith.constant 0 : i32
      %dma_start3A_74 = tpu.memref_slice %arg9[%dma_start3A_72, %dma_start3A_73] : memref<10016x8xf32, #tpu.memory_space<vmem_shared>> -> memref<10016x8xf32, #tpu.memory_space<vmem_shared>>
      tpu.enqueue_indirect_dma source(%arg8 : memref<128x8xf32, #tpu.memory_space<vmem>>) target(%dma_start3A_74 : memref<10016x8xf32, #tpu.memory_space<vmem_shared>>) offsets(%dma_start3A_71 : memref<128xi32, #tpu.memory_space<vmem>>) semaphore(%arg10 : memref<!tpu.dma_semaphore, #tpu.memory_space<semaphore_mem>>) {add = true}
      %ge3A = arith.constant 8 : i32
      %ge3A_75 = arith.cmpi sge, %scan3A_68, %ge3A : i32
      %convert_element_type3A_76 = arith.extui %ge3A_75 : i1 to i32
      %cond3A_77 = arith.constant 0 : i32
      %cond3A_78 = arith.cmpi ne, %convert_element_type3A_76, %cond3A_77 : i32
      scf.if %cond3A_78 {
        %dma_wait3A_79 = arith.constant 0 : i32
        %dma_wait3A_80 = tpu.memref_slice %arg7[%dma_wait3A_79] : memref<10240xi32, #tpu.memory_space<vmem>> -> memref<128xi32, #tpu.memory_space<vmem>>
        %dma_wait3A_81 = arith.constant 0 : i32
        %dma_wait3A_82 = arith.constant 0 : i32
        %dma_wait3A_83 = tpu.memref_slice %arg9[%dma_wait3A_81, %dma_wait3A_82] : memref<10016x8xf32, #tpu.memory_space<vmem_shared>> -> memref<10016x8xf32, #tpu.memory_space<vmem_shared>>
        tpu.wait_indirect_dma semaphore(%arg10 : memref<!tpu.dma_semaphore, #tpu.memory_space<semaphore_mem>>) src(%arg8 : memref<128x8xf32, #tpu.memory_space<vmem>>) dst(%dma_wait3A_83 : memref<10016x8xf32, #tpu.memory_space<vmem_shared>>)
      } else {
      }
    }
    %scan3A_19 = arith.constant 80 : i32
    %dma_wait3A_20 = arith.constant 0 : i32
    %dma_wait3A_21 = tpu.memref_slice %arg7[%dma_wait3A_20] : memref<10240xi32, #tpu.memory_space<vmem>> -> memref<128xi32, #tpu.memory_space<vmem>>
    %dma_wait3A_22 = arith.constant 0 : i32
    %dma_wait3A_23 = arith.constant 0 : i32
    %dma_wait3A_24 = tpu.memref_slice %arg9[%dma_wait3A_22, %dma_wait3A_23] : memref<10016x8xf32, #tpu.memory_space<vmem_shared>> -> memref<10016x8xf32, #tpu.memory_space<vmem_shared>>
    tpu.wait_indirect_dma semaphore(%arg10 : memref<!tpu.dma_semaphore, #tpu.memory_space<semaphore_mem>>) src(%arg8 : memref<128x8xf32, #tpu.memory_space<vmem>>) dst(%dma_wait3A_24 : memref<10016x8xf32, #tpu.memory_space<vmem_shared>>)
    %dma_wait3A_25 = arith.constant 0 : i32
    %dma_wait3A_26 = tpu.memref_slice %arg7[%dma_wait3A_25] : memref<10240xi32, #tpu.memory_space<vmem>> -> memref<128xi32, #tpu.memory_space<vmem>>
    %dma_wait3A_27 = arith.constant 0 : i32
    %dma_wait3A_28 = arith.constant 0 : i32
    %dma_wait3A_29 = tpu.memref_slice %arg9[%dma_wait3A_27, %dma_wait3A_28] : memref<10016x8xf32, #tpu.memory_space<vmem_shared>> -> memref<10016x8xf32, #tpu.memory_space<vmem_shared>>
    tpu.wait_indirect_dma semaphore(%arg10 : memref<!tpu.dma_semaphore, #tpu.memory_space<semaphore_mem>>) src(%arg8 : memref<128x8xf32, #tpu.memory_space<vmem>>) dst(%dma_wait3A_29 : memref<10016x8xf32, #tpu.memory_space<vmem_shared>>)
    %dma_wait3A_30 = arith.constant 0 : i32
    %dma_wait3A_31 = tpu.memref_slice %arg7[%dma_wait3A_30] : memref<10240xi32, #tpu.memory_space<vmem>> -> memref<128xi32, #tpu.memory_space<vmem>>
    %dma_wait3A_32 = arith.constant 0 : i32
    %dma_wait3A_33 = arith.constant 0 : i32
    %dma_wait3A_34 = tpu.memref_slice %arg9[%dma_wait3A_32, %dma_wait3A_33] : memref<10016x8xf32, #tpu.memory_space<vmem_shared>> -> memref<10016x8xf32, #tpu.memory_space<vmem_shared>>
    tpu.wait_indirect_dma semaphore(%arg10 : memref<!tpu.dma_semaphore, #tpu.memory_space<semaphore_mem>>) src(%arg8 : memref<128x8xf32, #tpu.memory_space<vmem>>) dst(%dma_wait3A_34 : memref<10016x8xf32, #tpu.memory_space<vmem_shared>>)
    %dma_wait3A_35 = arith.constant 0 : i32
    %dma_wait3A_36 = tpu.memref_slice %arg7[%dma_wait3A_35] : memref<10240xi32, #tpu.memory_space<vmem>> -> memref<128xi32, #tpu.memory_space<vmem>>
    %dma_wait3A_37 = arith.constant 0 : i32
    %dma_wait3A_38 = arith.constant 0 : i32
    %dma_wait3A_39 = tpu.memref_slice %arg9[%dma_wait3A_37, %dma_wait3A_38] : memref<10016x8xf32, #tpu.memory_space<vmem_shared>> -> memref<10016x8xf32, #tpu.memory_space<vmem_shared>>
    tpu.wait_indirect_dma semaphore(%arg10 : memref<!tpu.dma_semaphore, #tpu.memory_space<semaphore_mem>>) src(%arg8 : memref<128x8xf32, #tpu.memory_space<vmem>>) dst(%dma_wait3A_39 : memref<10016x8xf32, #tpu.memory_space<vmem_shared>>)
    %dma_wait3A_40 = arith.constant 0 : i32
    %dma_wait3A_41 = tpu.memref_slice %arg7[%dma_wait3A_40] : memref<10240xi32, #tpu.memory_space<vmem>> -> memref<128xi32, #tpu.memory_space<vmem>>
    %dma_wait3A_42 = arith.constant 0 : i32
    %dma_wait3A_43 = arith.constant 0 : i32
    %dma_wait3A_44 = tpu.memref_slice %arg9[%dma_wait3A_42, %dma_wait3A_43] : memref<10016x8xf32, #tpu.memory_space<vmem_shared>> -> memref<10016x8xf32, #tpu.memory_space<vmem_shared>>
    tpu.wait_indirect_dma semaphore(%arg10 : memref<!tpu.dma_semaphore, #tpu.memory_space<semaphore_mem>>) src(%arg8 : memref<128x8xf32, #tpu.memory_space<vmem>>) dst(%dma_wait3A_44 : memref<10016x8xf32, #tpu.memory_space<vmem_shared>>)
    %dma_wait3A_45 = arith.constant 0 : i32
    %dma_wait3A_46 = tpu.memref_slice %arg7[%dma_wait3A_45] : memref<10240xi32, #tpu.memory_space<vmem>> -> memref<128xi32, #tpu.memory_space<vmem>>
    %dma_wait3A_47 = arith.constant 0 : i32
    %dma_wait3A_48 = arith.constant 0 : i32
    %dma_wait3A_49 = tpu.memref_slice %arg9[%dma_wait3A_47, %dma_wait3A_48] : memref<10016x8xf32, #tpu.memory_space<vmem_shared>> -> memref<10016x8xf32, #tpu.memory_space<vmem_shared>>
    tpu.wait_indirect_dma semaphore(%arg10 : memref<!tpu.dma_semaphore, #tpu.memory_space<semaphore_mem>>) src(%arg8 : memref<128x8xf32, #tpu.memory_space<vmem>>) dst(%dma_wait3A_49 : memref<10016x8xf32, #tpu.memory_space<vmem_shared>>)
    %dma_wait3A_50 = arith.constant 0 : i32
    %dma_wait3A_51 = tpu.memref_slice %arg7[%dma_wait3A_50] : memref<10240xi32, #tpu.memory_space<vmem>> -> memref<128xi32, #tpu.memory_space<vmem>>
    %dma_wait3A_52 = arith.constant 0 : i32
    %dma_wait3A_53 = arith.constant 0 : i32
    %dma_wait3A_54 = tpu.memref_slice %arg9[%dma_wait3A_52, %dma_wait3A_53] : memref<10016x8xf32, #tpu.memory_space<vmem_shared>> -> memref<10016x8xf32, #tpu.memory_space<vmem_shared>>
    tpu.wait_indirect_dma semaphore(%arg10 : memref<!tpu.dma_semaphore, #tpu.memory_space<semaphore_mem>>) src(%arg8 : memref<128x8xf32, #tpu.memory_space<vmem>>) dst(%dma_wait3A_54 : memref<10016x8xf32, #tpu.memory_space<vmem_shared>>)
    %dma_wait3A_55 = arith.constant 0 : i32
    %dma_wait3A_56 = tpu.memref_slice %arg7[%dma_wait3A_55] : memref<10240xi32, #tpu.memory_space<vmem>> -> memref<128xi32, #tpu.memory_space<vmem>>
    %dma_wait3A_57 = arith.constant 0 : i32
    %dma_wait3A_58 = arith.constant 0 : i32
    %dma_wait3A_59 = tpu.memref_slice %arg9[%dma_wait3A_57, %dma_wait3A_58] : memref<10016x8xf32, #tpu.memory_space<vmem_shared>> -> memref<10016x8xf32, #tpu.memory_space<vmem_shared>>
    tpu.wait_indirect_dma semaphore(%arg10 : memref<!tpu.dma_semaphore, #tpu.memory_space<semaphore_mem>>) src(%arg8 : memref<128x8xf32, #tpu.memory_space<vmem>>) dst(%dma_wait3A_59 : memref<10016x8xf32, #tpu.memory_space<vmem_shared>>)
    %barrier3A_60 = arith.constant 0 : index
    tpu.barrier barrier_id(%barrier3A_60)
    %eq3A = arith.constant 0 : i32
    %eq3A_61 = arith.cmpi eq, %arg0, %eq3A : i32
    %convert_element_type3A = arith.extui %eq3A_61 : i1 to i32
    %cond3A = arith.constant 0 : i32
    %cond3A_62 = arith.cmpi ne, %convert_element_type3A, %cond3A : i32
    scf.if %cond3A_62 {
      %mul3A_68 = arith.constant 626 : i32
      %mul3A_69 = arith.muli %arg1, %mul3A_68 : i32
      %mul3A_70 = arith.constant 626 : i32
      %mul3A_71 = arith.muli %arg1, %mul3A_70 : i32
      "tpu.region"() ({
        %run_scoped3A = tpu.sem_alloc : memref<!tpu.dma_semaphore, #tpu.memory_space<semaphore_mem>>
        %dma_start3A_72 = arith.constant 0 : i32
        %dma_start3A_73 = tpu.memref_slice %arg5[%mul3A_71, %dma_start3A_72] : memref<10016x8xf32, #tpu.memory_space<hbm>> -> memref<626x8xf32, #tpu.memory_space<hbm>>
        %dma_start3A_74 = arith.constant 0 : i32
        %dma_start3A_75 = tpu.memref_slice %arg9[%mul3A_69, %dma_start3A_74] : memref<10016x8xf32, #tpu.memory_space<vmem_shared>> -> memref<626x8xf32, #tpu.memory_space<vmem_shared>>
        tpu.enqueue_dma source(%dma_start3A_75 : memref<626x8xf32, #tpu.memory_space<vmem_shared>>) target(%dma_start3A_73 : memref<626x8xf32, #tpu.memory_space<hbm>>) target_semaphore(%run_scoped3A : memref<!tpu.dma_semaphore, #tpu.memory_space<semaphore_mem>>)
        %dma_wait3A_76 = arith.constant 0 : i32
        %dma_wait3A_77 = tpu.memref_slice %arg5[%mul3A_71, %dma_wait3A_76] : memref<10016x8xf32, #tpu.memory_space<hbm>> -> memref<626x8xf32, #tpu.memory_space<hbm>>
        %dma_wait3A_78 = arith.constant 0 : i32
        %dma_wait3A_79 = tpu.memref_slice %arg9[%mul3A_69, %dma_wait3A_78] : memref<10016x8xf32, #tpu.memory_space<vmem_shared>> -> memref<626x8xf32, #tpu.memory_space<vmem_shared>>
        tpu.wait_dma2 semaphore(%run_scoped3A : memref<!tpu.dma_semaphore, #tpu.memory_space<semaphore_mem>>) src(%dma_wait3A_79 : memref<626x8xf32, #tpu.memory_space<vmem_shared>>) dst(%dma_wait3A_77 : memref<626x8xf32, #tpu.memory_space<hbm>>)
        tpu.yield
      }) : () -> ()
    } else {
    }
    %eq3A_63 = arith.constant 1 : i32
    %eq3A_64 = arith.cmpi eq, %arg0, %eq3A_63 : i32
    %convert_element_type3A_65 = arith.extui %eq3A_64 : i1 to i32
    %cond3A_66 = arith.constant 0 : i32
    %cond3A_67 = arith.cmpi ne, %convert_element_type3A_65, %cond3A_66 : i32
    scf.if %cond3A_67 {
      %mul3A_68 = arith.constant 626 : i32
      %mul3A_69 = arith.muli %arg1, %mul3A_68 : i32
      %mul3A_70 = arith.constant 626 : i32
      %mul3A_71 = arith.muli %arg1, %mul3A_70 : i32
      "tpu.region"() ({
        %run_scoped3A = tpu.sem_alloc : memref<!tpu.dma_semaphore, #tpu.memory_space<semaphore_mem>>
        %dma_start3A_72 = arith.constant 0 : i32
        %dma_start3A_73 = tpu.memref_slice %arg6[%mul3A_71, %dma_start3A_72] : memref<10016x8xf32, #tpu.memory_space<hbm>> -> memref<626x8xf32, #tpu.memory_space<hbm>>
        %dma_start3A_74 = arith.constant 0 : i32
        %dma_start3A_75 = tpu.memref_slice %arg9[%mul3A_69, %dma_start3A_74] : memref<10016x8xf32, #tpu.memory_space<vmem_shared>> -> memref<626x8xf32, #tpu.memory_space<vmem_shared>>
        tpu.enqueue_dma source(%dma_start3A_75 : memref<626x8xf32, #tpu.memory_space<vmem_shared>>) target(%dma_start3A_73 : memref<626x8xf32, #tpu.memory_space<hbm>>) target_semaphore(%run_scoped3A : memref<!tpu.dma_semaphore, #tpu.memory_space<semaphore_mem>>)
        %dma_wait3A_76 = arith.constant 0 : i32
        %dma_wait3A_77 = tpu.memref_slice %arg6[%mul3A_71, %dma_wait3A_76] : memref<10016x8xf32, #tpu.memory_space<hbm>> -> memref<626x8xf32, #tpu.memory_space<hbm>>
        %dma_wait3A_78 = arith.constant 0 : i32
        %dma_wait3A_79 = tpu.memref_slice %arg9[%mul3A_69, %dma_wait3A_78] : memref<10016x8xf32, #tpu.memory_space<vmem_shared>> -> memref<626x8xf32, #tpu.memory_space<vmem_shared>>
        tpu.wait_dma2 semaphore(%run_scoped3A : memref<!tpu.dma_semaphore, #tpu.memory_space<semaphore_mem>>) src(%dma_wait3A_79 : memref<626x8xf32, #tpu.memory_space<vmem_shared>>) dst(%dma_wait3A_77 : memref<626x8xf32, #tpu.memory_space<hbm>>)
        tpu.yield
      }) : () -> ()
    } else {
    }
    return
  }
}

#map = affine_map<(d0, d1) -> (0, 0)>
module attributes {stable_mosaic.version = 14 : i64} {
  func.func @_sc_edge_pass(%arg0: i32, %arg1: i32, %arg2: memref<32x10240xi32, #tpu.memory_space<hbm>>, %arg3: memref<32x10240xi32, #tpu.memory_space<hbm>>, %arg4: memref<10000x64xf32, #tpu.memory_space<hbm>>, %arg5: memref<10016x64xf32, #tpu.memory_space<hbm>>, %arg6: memref<10016x64xf32, #tpu.memory_space<hbm>>, %arg7: memref<10016x64xf32, #tpu.memory_space<hbm>>, %arg8: memref<10240xi32, #tpu.memory_space<vmem>>, %arg9: memref<10240xi32, #tpu.memory_space<vmem>>, %arg10: memref<128x64xf32, #tpu.memory_space<vmem>>, %arg11: memref<128x64xf32, #tpu.memory_space<vmem>>, %arg12: memref<128x64xf32, #tpu.memory_space<vmem>>, %arg13: memref<128x64xf32, #tpu.memory_space<vmem>>, %arg14: memref<128x64xf32, #tpu.memory_space<vmem>>, %arg15: memref<128x64xf32, #tpu.memory_space<vmem>>, %arg16: memref<128x64xf32, #tpu.memory_space<vmem>>, %arg17: memref<128x64xf32, #tpu.memory_space<vmem>>, %arg18: memref<10016x64xf32, #tpu.memory_space<vmem_shared>>, %arg19: memref<!tpu.dma_semaphore, #tpu.memory_space<semaphore_mem>>, %arg20: memref<!tpu.dma_semaphore, #tpu.memory_space<semaphore_mem>>, %arg21: memref<!tpu.dma_semaphore, #tpu.memory_space<semaphore_mem>>, %arg22: memref<!tpu.dma_semaphore, #tpu.memory_space<semaphore_mem>>, %arg23: memref<!tpu.dma_semaphore, #tpu.memory_space<semaphore_mem>>, %arg24: memref<!tpu.dma_semaphore, #tpu.memory_space<semaphore_mem>>, %arg25: memref<!tpu.dma_semaphore, #tpu.memory_space<semaphore_mem>>, %arg26: memref<!tpu.dma_semaphore, #tpu.memory_space<semaphore_mem>>, %arg27: memref<!tpu.dma_semaphore, #tpu.memory_space<semaphore_mem>>, %arg28: memref<!tpu.dma_semaphore, #tpu.memory_space<semaphore_mem>>, %arg29: memref<!tpu.dma_semaphore, #tpu.memory_space<semaphore_mem>>, %arg30: memref<!tpu.dma_semaphore, #tpu.memory_space<semaphore_mem>>, %arg31: memref<!tpu.dma_semaphore, #tpu.memory_space<semaphore_mem>>, %arg32: memref<!tpu.dma_semaphore, #tpu.memory_space<semaphore_mem>>, %arg33: memref<!tpu.dma_semaphore, #tpu.memory_space<semaphore_mem>>, %arg34: memref<!tpu.dma_semaphore, #tpu.memory_space<semaphore_mem>>, %arg35: memref<!tpu.dma_semaphore, #tpu.memory_space<semaphore_mem>>) attributes {dimension_semantics = [#tpu.dimension_semantics<core_parallel>, #tpu.dimension_semantics<subcore_parallel>], iteration_bounds = array<i64: 2, 16>, scalar_prefetch = 0 : i64, scratch_operands = 28 : i64, tpu.core_type = #tpu.core_type<sc_vector_subcore>, window_params = [{transform_indices = #map}, {transform_indices = #map}, {transform_indices = #map}, {transform_indices = #map}, {transform_indices = #map}, {transform_indices = #map}]} {
    %mul3A = arith.constant 16 : i32
    %mul3A_0 = arith.muli %arg0, %mul3A : i32
    %add3A = arith.addi %mul3A_0, %arg1 : i32
    %dma_start3A = arith.constant 0 : i32
    %dma_start3A_1 = tpu.memref_slice %arg2[%add3A, %dma_start3A] : memref<32x10240xi32, #tpu.memory_space<hbm>> -> memref<1x10240xi32, #tpu.memory_space<hbm>>
    %dma_start3A_2 = tpu.memref_squeeze %dma_start3A_1 : memref<1x10240xi32, #tpu.memory_space<hbm>> -> memref<10240xi32, #tpu.memory_space<hbm>>
    %dma_start3A_3 = arith.constant 0 : i32
    %dma_start3A_4 = tpu.memref_slice %arg2[%add3A, %dma_start3A_3] : memref<32x10240xi32, #tpu.memory_space<hbm>> -> memref<1x10240xi32, #tpu.memory_space<hbm>>
    %dma_start3A_5 = tpu.memref_squeeze %dma_start3A_4 : memref<1x10240xi32, #tpu.memory_space<hbm>> -> memref<10240xi32, #tpu.memory_space<hbm>>
    tpu.enqueue_dma source(%dma_start3A_5 : memref<10240xi32, #tpu.memory_space<hbm>>) target(%arg8 : memref<10240xi32, #tpu.memory_space<vmem>>) target_semaphore(%arg35 : memref<!tpu.dma_semaphore, #tpu.memory_space<semaphore_mem>>)
    %dma_wait3A = arith.constant 0 : i32
    %dma_wait3A_6 = tpu.memref_slice %arg2[%add3A, %dma_wait3A] : memref<32x10240xi32, #tpu.memory_space<hbm>> -> memref<1x10240xi32, #tpu.memory_space<hbm>>
    %dma_wait3A_7 = tpu.memref_squeeze %dma_wait3A_6 : memref<1x10240xi32, #tpu.memory_space<hbm>> -> memref<10240xi32, #tpu.memory_space<hbm>>
    %dma_wait3A_8 = arith.constant 0 : i32
    %dma_wait3A_9 = tpu.memref_slice %arg2[%add3A, %dma_wait3A_8] : memref<32x10240xi32, #tpu.memory_space<hbm>> -> memref<1x10240xi32, #tpu.memory_space<hbm>>
    %dma_wait3A_10 = tpu.memref_squeeze %dma_wait3A_9 : memref<1x10240xi32, #tpu.memory_space<hbm>> -> memref<10240xi32, #tpu.memory_space<hbm>>
    tpu.wait_dma2 semaphore(%arg35 : memref<!tpu.dma_semaphore, #tpu.memory_space<semaphore_mem>>) src(%dma_wait3A_10 : memref<10240xi32, #tpu.memory_space<hbm>>) dst(%arg8 : memref<10240xi32, #tpu.memory_space<vmem>>)
    %dma_start3A_11 = arith.constant 0 : i32
    %dma_start3A_12 = tpu.memref_slice %arg8[%dma_start3A_11] : memref<10240xi32, #tpu.memory_space<vmem>> -> memref<128xi32, #tpu.memory_space<vmem>>
    %dma_start3A_13 = arith.constant 0 : i32
    %dma_start3A_14 = arith.constant 0 : i32
    %dma_start3A_15 = tpu.memref_slice %arg4[%dma_start3A_13, %dma_start3A_14] : memref<10000x64xf32, #tpu.memory_space<hbm>> -> memref<10000x64xf32, #tpu.memory_space<hbm>>
    tpu.enqueue_indirect_dma source(%dma_start3A_15 : memref<10000x64xf32, #tpu.memory_space<hbm>>) target(%arg10 : memref<128x64xf32, #tpu.memory_space<vmem>>) offsets(%dma_start3A_12 : memref<128xi32, #tpu.memory_space<vmem>>) semaphore(%arg19 : memref<!tpu.dma_semaphore, #tpu.memory_space<semaphore_mem>>)
    %dma_start3A_16 = arith.constant 128 : i32
    %dma_start3A_17 = tpu.memref_slice %arg8[%dma_start3A_16] : memref<10240xi32, #tpu.memory_space<vmem>> -> memref<128xi32, #tpu.memory_space<vmem>>
    %dma_start3A_18 = arith.constant 0 : i32
    %dma_start3A_19 = arith.constant 0 : i32
    %dma_start3A_20 = tpu.memref_slice %arg4[%dma_start3A_18, %dma_start3A_19] : memref<10000x64xf32, #tpu.memory_space<hbm>> -> memref<10000x64xf32, #tpu.memory_space<hbm>>
    tpu.enqueue_indirect_dma source(%dma_start3A_20 : memref<10000x64xf32, #tpu.memory_space<hbm>>) target(%arg11 : memref<128x64xf32, #tpu.memory_space<vmem>>) offsets(%dma_start3A_17 : memref<128xi32, #tpu.memory_space<vmem>>) semaphore(%arg20 : memref<!tpu.dma_semaphore, #tpu.memory_space<semaphore_mem>>)
    %dma_start3A_21 = arith.constant 256 : i32
    %dma_start3A_22 = tpu.memref_slice %arg8[%dma_start3A_21] : memref<10240xi32, #tpu.memory_space<vmem>> -> memref<128xi32, #tpu.memory_space<vmem>>
    %dma_start3A_23 = arith.constant 0 : i32
    %dma_start3A_24 = arith.constant 0 : i32
    %dma_start3A_25 = tpu.memref_slice %arg4[%dma_start3A_23, %dma_start3A_24] : memref<10000x64xf32, #tpu.memory_space<hbm>> -> memref<10000x64xf32, #tpu.memory_space<hbm>>
    tpu.enqueue_indirect_dma source(%dma_start3A_25 : memref<10000x64xf32, #tpu.memory_space<hbm>>) target(%arg12 : memref<128x64xf32, #tpu.memory_space<vmem>>) offsets(%dma_start3A_22 : memref<128xi32, #tpu.memory_space<vmem>>) semaphore(%arg21 : memref<!tpu.dma_semaphore, #tpu.memory_space<semaphore_mem>>)
    %dma_start3A_26 = arith.constant 384 : i32
    %dma_start3A_27 = tpu.memref_slice %arg8[%dma_start3A_26] : memref<10240xi32, #tpu.memory_space<vmem>> -> memref<128xi32, #tpu.memory_space<vmem>>
    %dma_start3A_28 = arith.constant 0 : i32
    %dma_start3A_29 = arith.constant 0 : i32
    %dma_start3A_30 = tpu.memref_slice %arg4[%dma_start3A_28, %dma_start3A_29] : memref<10000x64xf32, #tpu.memory_space<hbm>> -> memref<10000x64xf32, #tpu.memory_space<hbm>>
    tpu.enqueue_indirect_dma source(%dma_start3A_30 : memref<10000x64xf32, #tpu.memory_space<hbm>>) target(%arg13 : memref<128x64xf32, #tpu.memory_space<vmem>>) offsets(%dma_start3A_27 : memref<128xi32, #tpu.memory_space<vmem>>) semaphore(%arg22 : memref<!tpu.dma_semaphore, #tpu.memory_space<semaphore_mem>>)
    %dma_start3A_31 = arith.constant 512 : i32
    %dma_start3A_32 = tpu.memref_slice %arg8[%dma_start3A_31] : memref<10240xi32, #tpu.memory_space<vmem>> -> memref<128xi32, #tpu.memory_space<vmem>>
    %dma_start3A_33 = arith.constant 0 : i32
    %dma_start3A_34 = arith.constant 0 : i32
    %dma_start3A_35 = tpu.memref_slice %arg4[%dma_start3A_33, %dma_start3A_34] : memref<10000x64xf32, #tpu.memory_space<hbm>> -> memref<10000x64xf32, #tpu.memory_space<hbm>>
    tpu.enqueue_indirect_dma source(%dma_start3A_35 : memref<10000x64xf32, #tpu.memory_space<hbm>>) target(%arg14 : memref<128x64xf32, #tpu.memory_space<vmem>>) offsets(%dma_start3A_32 : memref<128xi32, #tpu.memory_space<vmem>>) semaphore(%arg23 : memref<!tpu.dma_semaphore, #tpu.memory_space<semaphore_mem>>)
    %dma_start3A_36 = arith.constant 640 : i32
    %dma_start3A_37 = tpu.memref_slice %arg8[%dma_start3A_36] : memref<10240xi32, #tpu.memory_space<vmem>> -> memref<128xi32, #tpu.memory_space<vmem>>
    %dma_start3A_38 = arith.constant 0 : i32
    %dma_start3A_39 = arith.constant 0 : i32
    %dma_start3A_40 = tpu.memref_slice %arg4[%dma_start3A_38, %dma_start3A_39] : memref<10000x64xf32, #tpu.memory_space<hbm>> -> memref<10000x64xf32, #tpu.memory_space<hbm>>
    tpu.enqueue_indirect_dma source(%dma_start3A_40 : memref<10000x64xf32, #tpu.memory_space<hbm>>) target(%arg15 : memref<128x64xf32, #tpu.memory_space<vmem>>) offsets(%dma_start3A_37 : memref<128xi32, #tpu.memory_space<vmem>>) semaphore(%arg24 : memref<!tpu.dma_semaphore, #tpu.memory_space<semaphore_mem>>)
    %dma_start3A_41 = arith.constant 768 : i32
    %dma_start3A_42 = tpu.memref_slice %arg8[%dma_start3A_41] : memref<10240xi32, #tpu.memory_space<vmem>> -> memref<128xi32, #tpu.memory_space<vmem>>
    %dma_start3A_43 = arith.constant 0 : i32
    %dma_start3A_44 = arith.constant 0 : i32
    %dma_start3A_45 = tpu.memref_slice %arg4[%dma_start3A_43, %dma_start3A_44] : memref<10000x64xf32, #tpu.memory_space<hbm>> -> memref<10000x64xf32, #tpu.memory_space<hbm>>
    tpu.enqueue_indirect_dma source(%dma_start3A_45 : memref<10000x64xf32, #tpu.memory_space<hbm>>) target(%arg16 : memref<128x64xf32, #tpu.memory_space<vmem>>) offsets(%dma_start3A_42 : memref<128xi32, #tpu.memory_space<vmem>>) semaphore(%arg25 : memref<!tpu.dma_semaphore, #tpu.memory_space<semaphore_mem>>)
    %dma_start3A_46 = arith.constant 896 : i32
    %dma_start3A_47 = tpu.memref_slice %arg8[%dma_start3A_46] : memref<10240xi32, #tpu.memory_space<vmem>> -> memref<128xi32, #tpu.memory_space<vmem>>
    %dma_start3A_48 = arith.constant 0 : i32
    %dma_start3A_49 = arith.constant 0 : i32
    %dma_start3A_50 = tpu.memref_slice %arg4[%dma_start3A_48, %dma_start3A_49] : memref<10000x64xf32, #tpu.memory_space<hbm>> -> memref<10000x64xf32, #tpu.memory_space<hbm>>
    tpu.enqueue_indirect_dma source(%dma_start3A_50 : memref<10000x64xf32, #tpu.memory_space<hbm>>) target(%arg17 : memref<128x64xf32, #tpu.memory_space<vmem>>) offsets(%dma_start3A_47 : memref<128xi32, #tpu.memory_space<vmem>>) semaphore(%arg26 : memref<!tpu.dma_semaphore, #tpu.memory_space<semaphore_mem>>)
    %dma_start3A_51 = arith.constant 0 : i32
    %dma_start3A_52 = tpu.memref_slice %arg3[%add3A, %dma_start3A_51] : memref<32x10240xi32, #tpu.memory_space<hbm>> -> memref<1x10240xi32, #tpu.memory_space<hbm>>
    %dma_start3A_53 = tpu.memref_squeeze %dma_start3A_52 : memref<1x10240xi32, #tpu.memory_space<hbm>> -> memref<10240xi32, #tpu.memory_space<hbm>>
    %dma_start3A_54 = arith.constant 0 : i32
    %dma_start3A_55 = tpu.memref_slice %arg3[%add3A, %dma_start3A_54] : memref<32x10240xi32, #tpu.memory_space<hbm>> -> memref<1x10240xi32, #tpu.memory_space<hbm>>
    %dma_start3A_56 = tpu.memref_squeeze %dma_start3A_55 : memref<1x10240xi32, #tpu.memory_space<hbm>> -> memref<10240xi32, #tpu.memory_space<hbm>>
    tpu.enqueue_dma source(%dma_start3A_56 : memref<10240xi32, #tpu.memory_space<hbm>>) target(%arg9 : memref<10240xi32, #tpu.memory_space<vmem>>) target_semaphore(%arg35 : memref<!tpu.dma_semaphore, #tpu.memory_space<semaphore_mem>>)
    %dma_wait3A_57 = arith.constant 0 : i32
    %dma_wait3A_58 = tpu.memref_slice %arg3[%add3A, %dma_wait3A_57] : memref<32x10240xi32, #tpu.memory_space<hbm>> -> memref<1x10240xi32, #tpu.memory_space<hbm>>
    %dma_wait3A_59 = tpu.memref_squeeze %dma_wait3A_58 : memref<1x10240xi32, #tpu.memory_space<hbm>> -> memref<10240xi32, #tpu.memory_space<hbm>>
    %dma_wait3A_60 = arith.constant 0 : i32
    %dma_wait3A_61 = tpu.memref_slice %arg3[%add3A, %dma_wait3A_60] : memref<32x10240xi32, #tpu.memory_space<hbm>> -> memref<1x10240xi32, #tpu.memory_space<hbm>>
    %dma_wait3A_62 = tpu.memref_squeeze %dma_wait3A_61 : memref<1x10240xi32, #tpu.memory_space<hbm>> -> memref<10240xi32, #tpu.memory_space<hbm>>
    tpu.wait_dma2 semaphore(%arg35 : memref<!tpu.dma_semaphore, #tpu.memory_space<semaphore_mem>>) src(%dma_wait3A_62 : memref<10240xi32, #tpu.memory_space<hbm>>) dst(%arg9 : memref<10240xi32, #tpu.memory_space<vmem>>)
    %mul3A_63 = arith.constant 626 : i32
    %mul3A_64 = arith.muli %arg1, %mul3A_63 : i32
    %mul3A_65 = arith.constant 626 : i32
    %mul3A_66 = arith.muli %arg1, %mul3A_65 : i32
    "tpu.region"() ({
      %run_scoped3A = tpu.sem_alloc : memref<!tpu.dma_semaphore, #tpu.memory_space<semaphore_mem>>
      %dma_start3A_120 = arith.constant 0 : i32
      %dma_start3A_121 = tpu.memref_slice %arg18[%mul3A_66, %dma_start3A_120] : memref<10016x64xf32, #tpu.memory_space<vmem_shared>> -> memref<626x64xf32, #tpu.memory_space<vmem_shared>>
      %dma_start3A_122 = arith.constant 0 : i32
      %dma_start3A_123 = tpu.memref_slice %arg5[%mul3A_64, %dma_start3A_122] : memref<10016x64xf32, #tpu.memory_space<hbm>> -> memref<626x64xf32, #tpu.memory_space<hbm>>
      tpu.enqueue_dma source(%dma_start3A_123 : memref<626x64xf32, #tpu.memory_space<hbm>>) target(%dma_start3A_121 : memref<626x64xf32, #tpu.memory_space<vmem_shared>>) target_semaphore(%run_scoped3A : memref<!tpu.dma_semaphore, #tpu.memory_space<semaphore_mem>>)
      %dma_wait3A_124 = arith.constant 0 : i32
      %dma_wait3A_125 = tpu.memref_slice %arg18[%mul3A_66, %dma_wait3A_124] : memref<10016x64xf32, #tpu.memory_space<vmem_shared>> -> memref<626x64xf32, #tpu.memory_space<vmem_shared>>
      %dma_wait3A_126 = arith.constant 0 : i32
      %dma_wait3A_127 = tpu.memref_slice %arg5[%mul3A_64, %dma_wait3A_126] : memref<10016x64xf32, #tpu.memory_space<hbm>> -> memref<626x64xf32, #tpu.memory_space<hbm>>
      tpu.wait_dma2 semaphore(%run_scoped3A : memref<!tpu.dma_semaphore, #tpu.memory_space<semaphore_mem>>) src(%dma_wait3A_127 : memref<626x64xf32, #tpu.memory_space<hbm>>) dst(%dma_wait3A_125 : memref<626x64xf32, #tpu.memory_space<vmem_shared>>)
      tpu.yield
    }) : () -> ()
    %barrier3A = arith.constant 0 : index
    tpu.barrier barrier_id(%barrier3A)
    %scan3A = arith.constant 0 : i32
    %scan3A_67 = arith.constant 0 : i32
    %scan3A_68 = arith.constant 10 : i32
    %scan3A_69 = arith.addi %scan3A_67, %scan3A_68 : i32
    %scan3A_70 = arith.constant 1 : i32
    scf.for %scan3A_120 = %scan3A_67 to %scan3A_69 step %scan3A_70  : i32 {
      %mul3A_121 = arith.constant 8 : i32
      %mul3A_122 = arith.muli %mul3A_121, %scan3A_120 : i32
      %add3A_123 = arith.constant 0 : i32
      %add3A_124 = arith.addi %mul3A_122, %add3A_123 : i32
      %lt3A = arith.constant 80 : i32
      %lt3A_125 = arith.cmpi slt, %add3A_124, %lt3A : i32
      %convert_element_type3A_126 = arith.extui %lt3A_125 : i1 to i32
      %cond3A_127 = arith.constant 0 : i32
      %cond3A_128 = arith.cmpi ne, %convert_element_type3A_126, %cond3A_127 : i32
      scf.if %cond3A_128 {
        %mul3A_250 = arith.constant 1 : i32
        %mul3A_251 = arith.muli %add3A_124, %mul3A_250 : i32
        %mul3A_252 = arith.constant 128 : i32
        %mul3A_253 = arith.muli %mul3A_251, %mul3A_252 : i32
        %dma_wait3A_254 = tpu.memref_slice %arg8[%mul3A_253] : memref<10240xi32, #tpu.memory_space<vmem>> -> memref<128xi32, #tpu.memory_space<vmem>>
        %dma_wait3A_255 = arith.constant 0 : i32
        %dma_wait3A_256 = arith.constant 0 : i32
        %dma_wait3A_257 = tpu.memref_slice %arg4[%dma_wait3A_255, %dma_wait3A_256] : memref<10000x64xf32, #tpu.memory_space<hbm>> -> memref<10000x64xf32, #tpu.memory_space<hbm>>
        tpu.wait_indirect_dma semaphore(%arg19 : memref<!tpu.dma_semaphore, #tpu.memory_space<semaphore_mem>>) src(%dma_wait3A_257 : memref<10000x64xf32, #tpu.memory_space<hbm>>) dst(%arg10 : memref<128x64xf32, #tpu.memory_space<vmem>>)
        %mul3A_258 = arith.constant 1 : i32
        %mul3A_259 = arith.muli %add3A_124, %mul3A_258 : i32
        %mul3A_260 = arith.constant 128 : i32
        %mul3A_261 = arith.muli %mul3A_259, %mul3A_260 : i32
        %dma_start3A_262 = tpu.memref_slice %arg9[%mul3A_261] : memref<10240xi32, #tpu.memory_space<vmem>> -> memref<128xi32, #tpu.memory_space<vmem>>
        %dma_start3A_263 = arith.constant 0 : i32
        %dma_start3A_264 = arith.constant 0 : i32
        %dma_start3A_265 = tpu.memref_slice %arg18[%dma_start3A_263, %dma_start3A_264] : memref<10016x64xf32, #tpu.memory_space<vmem_shared>> -> memref<10016x64xf32, #tpu.memory_space<vmem_shared>>
        tpu.enqueue_indirect_dma source(%arg10 : memref<128x64xf32, #tpu.memory_space<vmem>>) target(%dma_start3A_265 : memref<10016x64xf32, #tpu.memory_space<vmem_shared>>) offsets(%dma_start3A_262 : memref<128xi32, #tpu.memory_space<vmem>>) semaphore(%arg27 : memref<!tpu.dma_semaphore, #tpu.memory_space<semaphore_mem>>) {add = true}
      } else {
      }
      %add3A_129 = arith.constant 1 : i32
      %add3A_130 = arith.addi %mul3A_122, %add3A_129 : i32
      %lt3A_131 = arith.constant 80 : i32
      %lt3A_132 = arith.cmpi slt, %add3A_130, %lt3A_131 : i32
      %convert_element_type3A_133 = arith.extui %lt3A_132 : i1 to i32
      %cond3A_134 = arith.constant 0 : i32
      %cond3A_135 = arith.cmpi ne, %convert_element_type3A_133, %cond3A_134 : i32
      scf.if %cond3A_135 {
        %mul3A_250 = arith.constant 1 : i32
        %mul3A_251 = arith.muli %add3A_130, %mul3A_250 : i32
        %mul3A_252 = arith.constant 128 : i32
        %mul3A_253 = arith.muli %mul3A_251, %mul3A_252 : i32
        %dma_wait3A_254 = tpu.memref_slice %arg8[%mul3A_253] : memref<10240xi32, #tpu.memory_space<vmem>> -> memref<128xi32, #tpu.memory_space<vmem>>
        %dma_wait3A_255 = arith.constant 0 : i32
        %dma_wait3A_256 = arith.constant 0 : i32
        %dma_wait3A_257 = tpu.memref_slice %arg4[%dma_wait3A_255, %dma_wait3A_256] : memref<10000x64xf32, #tpu.memory_space<hbm>> -> memref<10000x64xf32, #tpu.memory_space<hbm>>
        tpu.wait_indirect_dma semaphore(%arg20 : memref<!tpu.dma_semaphore, #tpu.memory_space<semaphore_mem>>) src(%dma_wait3A_257 : memref<10000x64xf32, #tpu.memory_space<hbm>>) dst(%arg11 : memref<128x64xf32, #tpu.memory_space<vmem>>)
        %mul3A_258 = arith.constant 1 : i32
        %mul3A_259 = arith.muli %add3A_130, %mul3A_258 : i32
        %mul3A_260 = arith.constant 128 : i32
        %mul3A_261 = arith.muli %mul3A_259, %mul3A_260 : i32
        %dma_start3A_262 = tpu.memref_slice %arg9[%mul3A_261] : memref<10240xi32, #tpu.memory_space<vmem>> -> memref<128xi32, #tpu.memory_space<vmem>>
        %dma_start3A_263 = arith.constant 0 : i32
        %dma_start3A_264 = arith.constant 0 : i32
        %dma_start3A_265 = tpu.memref_slice %arg18[%dma_start3A_263, %dma_start3A_264] : memref<10016x64xf32, #tpu.memory_space<vmem_shared>> -> memref<10016x64xf32, #tpu.memory_space<vmem_shared>>
        tpu.enqueue_indirect_dma source(%arg11 : memref<128x64xf32, #tpu.memory_space<vmem>>) target(%dma_start3A_265 : memref<10016x64xf32, #tpu.memory_space<vmem_shared>>) offsets(%dma_start3A_262 : memref<128xi32, #tpu.memory_space<vmem>>) semaphore(%arg28 : memref<!tpu.dma_semaphore, #tpu.memory_space<semaphore_mem>>) {add = true}
      } else {
      }
      %add3A_136 = arith.constant 2 : i32
      %add3A_137 = arith.addi %mul3A_122, %add3A_136 : i32
      %lt3A_138 = arith.constant 80 : i32
      %lt3A_139 = arith.cmpi slt, %add3A_137, %lt3A_138 : i32
      %convert_element_type3A_140 = arith.extui %lt3A_139 : i1 to i32
      %cond3A_141 = arith.constant 0 : i32
      %cond3A_142 = arith.cmpi ne, %convert_element_type3A_140, %cond3A_141 : i32
      scf.if %cond3A_142 {
        %mul3A_250 = arith.constant 1 : i32
        %mul3A_251 = arith.muli %add3A_137, %mul3A_250 : i32
        %mul3A_252 = arith.constant 128 : i32
        %mul3A_253 = arith.muli %mul3A_251, %mul3A_252 : i32
        %dma_wait3A_254 = tpu.memref_slice %arg8[%mul3A_253] : memref<10240xi32, #tpu.memory_space<vmem>> -> memref<128xi32, #tpu.memory_space<vmem>>
        %dma_wait3A_255 = arith.constant 0 : i32
        %dma_wait3A_256 = arith.constant 0 : i32
        %dma_wait3A_257 = tpu.memref_slice %arg4[%dma_wait3A_255, %dma_wait3A_256] : memref<10000x64xf32, #tpu.memory_space<hbm>> -> memref<10000x64xf32, #tpu.memory_space<hbm>>
        tpu.wait_indirect_dma semaphore(%arg21 : memref<!tpu.dma_semaphore, #tpu.memory_space<semaphore_mem>>) src(%dma_wait3A_257 : memref<10000x64xf32, #tpu.memory_space<hbm>>) dst(%arg12 : memref<128x64xf32, #tpu.memory_space<vmem>>)
        %mul3A_258 = arith.constant 1 : i32
        %mul3A_259 = arith.muli %add3A_137, %mul3A_258 : i32
        %mul3A_260 = arith.constant 128 : i32
        %mul3A_261 = arith.muli %mul3A_259, %mul3A_260 : i32
        %dma_start3A_262 = tpu.memref_slice %arg9[%mul3A_261] : memref<10240xi32, #tpu.memory_space<vmem>> -> memref<128xi32, #tpu.memory_space<vmem>>
        %dma_start3A_263 = arith.constant 0 : i32
        %dma_start3A_264 = arith.constant 0 : i32
        %dma_start3A_265 = tpu.memref_slice %arg18[%dma_start3A_263, %dma_start3A_264] : memref<10016x64xf32, #tpu.memory_space<vmem_shared>> -> memref<10016x64xf32, #tpu.memory_space<vmem_shared>>
        tpu.enqueue_indirect_dma source(%arg12 : memref<128x64xf32, #tpu.memory_space<vmem>>) target(%dma_start3A_265 : memref<10016x64xf32, #tpu.memory_space<vmem_shared>>) offsets(%dma_start3A_262 : memref<128xi32, #tpu.memory_space<vmem>>) semaphore(%arg29 : memref<!tpu.dma_semaphore, #tpu.memory_space<semaphore_mem>>) {add = true}
      } else {
      }
      %add3A_143 = arith.constant 3 : i32
      %add3A_144 = arith.addi %mul3A_122, %add3A_143 : i32
      %lt3A_145 = arith.constant 80 : i32
      %lt3A_146 = arith.cmpi slt, %add3A_144, %lt3A_145 : i32
      %convert_element_type3A_147 = arith.extui %lt3A_146 : i1 to i32
      %cond3A_148 = arith.constant 0 : i32
      %cond3A_149 = arith.cmpi ne, %convert_element_type3A_147, %cond3A_148 : i32
      scf.if %cond3A_149 {
        %mul3A_250 = arith.constant 1 : i32
        %mul3A_251 = arith.muli %add3A_144, %mul3A_250 : i32
        %mul3A_252 = arith.constant 128 : i32
        %mul3A_253 = arith.muli %mul3A_251, %mul3A_252 : i32
        %dma_wait3A_254 = tpu.memref_slice %arg8[%mul3A_253] : memref<10240xi32, #tpu.memory_space<vmem>> -> memref<128xi32, #tpu.memory_space<vmem>>
        %dma_wait3A_255 = arith.constant 0 : i32
        %dma_wait3A_256 = arith.constant 0 : i32
        %dma_wait3A_257 = tpu.memref_slice %arg4[%dma_wait3A_255, %dma_wait3A_256] : memref<10000x64xf32, #tpu.memory_space<hbm>> -> memref<10000x64xf32, #tpu.memory_space<hbm>>
        tpu.wait_indirect_dma semaphore(%arg22 : memref<!tpu.dma_semaphore, #tpu.memory_space<semaphore_mem>>) src(%dma_wait3A_257 : memref<10000x64xf32, #tpu.memory_space<hbm>>) dst(%arg13 : memref<128x64xf32, #tpu.memory_space<vmem>>)
        %mul3A_258 = arith.constant 1 : i32
        %mul3A_259 = arith.muli %add3A_144, %mul3A_258 : i32
        %mul3A_260 = arith.constant 128 : i32
        %mul3A_261 = arith.muli %mul3A_259, %mul3A_260 : i32
        %dma_start3A_262 = tpu.memref_slice %arg9[%mul3A_261] : memref<10240xi32, #tpu.memory_space<vmem>> -> memref<128xi32, #tpu.memory_space<vmem>>
        %dma_start3A_263 = arith.constant 0 : i32
        %dma_start3A_264 = arith.constant 0 : i32
        %dma_start3A_265 = tpu.memref_slice %arg18[%dma_start3A_263, %dma_start3A_264] : memref<10016x64xf32, #tpu.memory_space<vmem_shared>> -> memref<10016x64xf32, #tpu.memory_space<vmem_shared>>
        tpu.enqueue_indirect_dma source(%arg13 : memref<128x64xf32, #tpu.memory_space<vmem>>) target(%dma_start3A_265 : memref<10016x64xf32, #tpu.memory_space<vmem_shared>>) offsets(%dma_start3A_262 : memref<128xi32, #tpu.memory_space<vmem>>) semaphore(%arg30 : memref<!tpu.dma_semaphore, #tpu.memory_space<semaphore_mem>>) {add = true}
      } else {
      }
      %add3A_150 = arith.constant 4 : i32
      %add3A_151 = arith.addi %mul3A_122, %add3A_150 : i32
      %lt3A_152 = arith.constant 80 : i32
      %lt3A_153 = arith.cmpi slt, %add3A_151, %lt3A_152 : i32
      %convert_element_type3A_154 = arith.extui %lt3A_153 : i1 to i32
      %cond3A_155 = arith.constant 0 : i32
      %cond3A_156 = arith.cmpi ne, %convert_element_type3A_154, %cond3A_155 : i32
      scf.if %cond3A_156 {
        %mul3A_250 = arith.constant 1 : i32
        %mul3A_251 = arith.muli %add3A_151, %mul3A_250 : i32
        %mul3A_252 = arith.constant 128 : i32
        %mul3A_253 = arith.muli %mul3A_251, %mul3A_252 : i32
        %dma_wait3A_254 = tpu.memref_slice %arg8[%mul3A_253] : memref<10240xi32, #tpu.memory_space<vmem>> -> memref<128xi32, #tpu.memory_space<vmem>>
        %dma_wait3A_255 = arith.constant 0 : i32
        %dma_wait3A_256 = arith.constant 0 : i32
        %dma_wait3A_257 = tpu.memref_slice %arg4[%dma_wait3A_255, %dma_wait3A_256] : memref<10000x64xf32, #tpu.memory_space<hbm>> -> memref<10000x64xf32, #tpu.memory_space<hbm>>
        tpu.wait_indirect_dma semaphore(%arg23 : memref<!tpu.dma_semaphore, #tpu.memory_space<semaphore_mem>>) src(%dma_wait3A_257 : memref<10000x64xf32, #tpu.memory_space<hbm>>) dst(%arg14 : memref<128x64xf32, #tpu.memory_space<vmem>>)
        %mul3A_258 = arith.constant 1 : i32
        %mul3A_259 = arith.muli %add3A_151, %mul3A_258 : i32
        %mul3A_260 = arith.constant 128 : i32
        %mul3A_261 = arith.muli %mul3A_259, %mul3A_260 : i32
        %dma_start3A_262 = tpu.memref_slice %arg9[%mul3A_261] : memref<10240xi32, #tpu.memory_space<vmem>> -> memref<128xi32, #tpu.memory_space<vmem>>
        %dma_start3A_263 = arith.constant 0 : i32
        %dma_start3A_264 = arith.constant 0 : i32
        %dma_start3A_265 = tpu.memref_slice %arg18[%dma_start3A_263, %dma_start3A_264] : memref<10016x64xf32, #tpu.memory_space<vmem_shared>> -> memref<10016x64xf32, #tpu.memory_space<vmem_shared>>
        tpu.enqueue_indirect_dma source(%arg14 : memref<128x64xf32, #tpu.memory_space<vmem>>) target(%dma_start3A_265 : memref<10016x64xf32, #tpu.memory_space<vmem_shared>>) offsets(%dma_start3A_262 : memref<128xi32, #tpu.memory_space<vmem>>) semaphore(%arg31 : memref<!tpu.dma_semaphore, #tpu.memory_space<semaphore_mem>>) {add = true}
      } else {
      }
      %add3A_157 = arith.constant 5 : i32
      %add3A_158 = arith.addi %mul3A_122, %add3A_157 : i32
      %lt3A_159 = arith.constant 80 : i32
      %lt3A_160 = arith.cmpi slt, %add3A_158, %lt3A_159 : i32
      %convert_element_type3A_161 = arith.extui %lt3A_160 : i1 to i32
      %cond3A_162 = arith.constant 0 : i32
      %cond3A_163 = arith.cmpi ne, %convert_element_type3A_161, %cond3A_162 : i32
      scf.if %cond3A_163 {
        %mul3A_250 = arith.constant 1 : i32
        %mul3A_251 = arith.muli %add3A_158, %mul3A_250 : i32
        %mul3A_252 = arith.constant 128 : i32
        %mul3A_253 = arith.muli %mul3A_251, %mul3A_252 : i32
        %dma_wait3A_254 = tpu.memref_slice %arg8[%mul3A_253] : memref<10240xi32, #tpu.memory_space<vmem>> -> memref<128xi32, #tpu.memory_space<vmem>>
        %dma_wait3A_255 = arith.constant 0 : i32
        %dma_wait3A_256 = arith.constant 0 : i32
        %dma_wait3A_257 = tpu.memref_slice %arg4[%dma_wait3A_255, %dma_wait3A_256] : memref<10000x64xf32, #tpu.memory_space<hbm>> -> memref<10000x64xf32, #tpu.memory_space<hbm>>
        tpu.wait_indirect_dma semaphore(%arg24 : memref<!tpu.dma_semaphore, #tpu.memory_space<semaphore_mem>>) src(%dma_wait3A_257 : memref<10000x64xf32, #tpu.memory_space<hbm>>) dst(%arg15 : memref<128x64xf32, #tpu.memory_space<vmem>>)
        %mul3A_258 = arith.constant 1 : i32
        %mul3A_259 = arith.muli %add3A_158, %mul3A_258 : i32
        %mul3A_260 = arith.constant 128 : i32
        %mul3A_261 = arith.muli %mul3A_259, %mul3A_260 : i32
        %dma_start3A_262 = tpu.memref_slice %arg9[%mul3A_261] : memref<10240xi32, #tpu.memory_space<vmem>> -> memref<128xi32, #tpu.memory_space<vmem>>
        %dma_start3A_263 = arith.constant 0 : i32
        %dma_start3A_264 = arith.constant 0 : i32
        %dma_start3A_265 = tpu.memref_slice %arg18[%dma_start3A_263, %dma_start3A_264] : memref<10016x64xf32, #tpu.memory_space<vmem_shared>> -> memref<10016x64xf32, #tpu.memory_space<vmem_shared>>
        tpu.enqueue_indirect_dma source(%arg15 : memref<128x64xf32, #tpu.memory_space<vmem>>) target(%dma_start3A_265 : memref<10016x64xf32, #tpu.memory_space<vmem_shared>>) offsets(%dma_start3A_262 : memref<128xi32, #tpu.memory_space<vmem>>) semaphore(%arg32 : memref<!tpu.dma_semaphore, #tpu.memory_space<semaphore_mem>>) {add = true}
      } else {
      }
      %add3A_164 = arith.constant 6 : i32
      %add3A_165 = arith.addi %mul3A_122, %add3A_164 : i32
      %lt3A_166 = arith.constant 80 : i32
      %lt3A_167 = arith.cmpi slt, %add3A_165, %lt3A_166 : i32
      %convert_element_type3A_168 = arith.extui %lt3A_167 : i1 to i32
      %cond3A_169 = arith.constant 0 : i32
      %cond3A_170 = arith.cmpi ne, %convert_element_type3A_168, %cond3A_169 : i32
      scf.if %cond3A_170 {
        %mul3A_250 = arith.constant 1 : i32
        %mul3A_251 = arith.muli %add3A_165, %mul3A_250 : i32
        %mul3A_252 = arith.constant 128 : i32
        %mul3A_253 = arith.muli %mul3A_251, %mul3A_252 : i32
        %dma_wait3A_254 = tpu.memref_slice %arg8[%mul3A_253] : memref<10240xi32, #tpu.memory_space<vmem>> -> memref<128xi32, #tpu.memory_space<vmem>>
        %dma_wait3A_255 = arith.constant 0 : i32
        %dma_wait3A_256 = arith.constant 0 : i32
        %dma_wait3A_257 = tpu.memref_slice %arg4[%dma_wait3A_255, %dma_wait3A_256] : memref<10000x64xf32, #tpu.memory_space<hbm>> -> memref<10000x64xf32, #tpu.memory_space<hbm>>
        tpu.wait_indirect_dma semaphore(%arg25 : memref<!tpu.dma_semaphore, #tpu.memory_space<semaphore_mem>>) src(%dma_wait3A_257 : memref<10000x64xf32, #tpu.memory_space<hbm>>) dst(%arg16 : memref<128x64xf32, #tpu.memory_space<vmem>>)
        %mul3A_258 = arith.constant 1 : i32
        %mul3A_259 = arith.muli %add3A_165, %mul3A_258 : i32
        %mul3A_260 = arith.constant 128 : i32
        %mul3A_261 = arith.muli %mul3A_259, %mul3A_260 : i32
        %dma_start3A_262 = tpu.memref_slice %arg9[%mul3A_261] : memref<10240xi32, #tpu.memory_space<vmem>> -> memref<128xi32, #tpu.memory_space<vmem>>
        %dma_start3A_263 = arith.constant 0 : i32
        %dma_start3A_264 = arith.constant 0 : i32
        %dma_start3A_265 = tpu.memref_slice %arg18[%dma_start3A_263, %dma_start3A_264] : memref<10016x64xf32, #tpu.memory_space<vmem_shared>> -> memref<10016x64xf32, #tpu.memory_space<vmem_shared>>
        tpu.enqueue_indirect_dma source(%arg16 : memref<128x64xf32, #tpu.memory_space<vmem>>) target(%dma_start3A_265 : memref<10016x64xf32, #tpu.memory_space<vmem_shared>>) offsets(%dma_start3A_262 : memref<128xi32, #tpu.memory_space<vmem>>) semaphore(%arg33 : memref<!tpu.dma_semaphore, #tpu.memory_space<semaphore_mem>>) {add = true}
      } else {
      }
      %add3A_171 = arith.constant 7 : i32
      %add3A_172 = arith.addi %mul3A_122, %add3A_171 : i32
      %lt3A_173 = arith.constant 80 : i32
      %lt3A_174 = arith.cmpi slt, %add3A_172, %lt3A_173 : i32
      %convert_element_type3A_175 = arith.extui %lt3A_174 : i1 to i32
      %cond3A_176 = arith.constant 0 : i32
      %cond3A_177 = arith.cmpi ne, %convert_element_type3A_175, %cond3A_176 : i32
      scf.if %cond3A_177 {
        %mul3A_250 = arith.constant 1 : i32
        %mul3A_251 = arith.muli %add3A_172, %mul3A_250 : i32
        %mul3A_252 = arith.constant 128 : i32
        %mul3A_253 = arith.muli %mul3A_251, %mul3A_252 : i32
        %dma_wait3A_254 = tpu.memref_slice %arg8[%mul3A_253] : memref<10240xi32, #tpu.memory_space<vmem>> -> memref<128xi32, #tpu.memory_space<vmem>>
        %dma_wait3A_255 = arith.constant 0 : i32
        %dma_wait3A_256 = arith.constant 0 : i32
        %dma_wait3A_257 = tpu.memref_slice %arg4[%dma_wait3A_255, %dma_wait3A_256] : memref<10000x64xf32, #tpu.memory_space<hbm>> -> memref<10000x64xf32, #tpu.memory_space<hbm>>
        tpu.wait_indirect_dma semaphore(%arg26 : memref<!tpu.dma_semaphore, #tpu.memory_space<semaphore_mem>>) src(%dma_wait3A_257 : memref<10000x64xf32, #tpu.memory_space<hbm>>) dst(%arg17 : memref<128x64xf32, #tpu.memory_space<vmem>>)
        %mul3A_258 = arith.constant 1 : i32
        %mul3A_259 = arith.muli %add3A_172, %mul3A_258 : i32
        %mul3A_260 = arith.constant 128 : i32
        %mul3A_261 = arith.muli %mul3A_259, %mul3A_260 : i32
        %dma_start3A_262 = tpu.memref_slice %arg9[%mul3A_261] : memref<10240xi32, #tpu.memory_space<vmem>> -> memref<128xi32, #tpu.memory_space<vmem>>
        %dma_start3A_263 = arith.constant 0 : i32
        %dma_start3A_264 = arith.constant 0 : i32
        %dma_start3A_265 = tpu.memref_slice %arg18[%dma_start3A_263, %dma_start3A_264] : memref<10016x64xf32, #tpu.memory_space<vmem_shared>> -> memref<10016x64xf32, #tpu.memory_space<vmem_shared>>
        tpu.enqueue_indirect_dma source(%arg17 : memref<128x64xf32, #tpu.memory_space<vmem>>) target(%dma_start3A_265 : memref<10016x64xf32, #tpu.memory_space<vmem_shared>>) offsets(%dma_start3A_262 : memref<128xi32, #tpu.memory_space<vmem>>) semaphore(%arg34 : memref<!tpu.dma_semaphore, #tpu.memory_space<semaphore_mem>>) {add = true}
      } else {
      }
      %add3A_178 = arith.constant 0 : i32
      %add3A_179 = arith.addi %mul3A_122, %add3A_178 : i32
      %add3A_180 = arith.constant 8 : i32
      %add3A_181 = arith.addi %add3A_179, %add3A_180 : i32
      %lt3A_182 = arith.constant 80 : i32
      %lt3A_183 = arith.cmpi slt, %add3A_181, %lt3A_182 : i32
      %convert_element_type3A_184 = arith.extui %lt3A_183 : i1 to i32
      %cond3A_185 = arith.constant 0 : i32
      %cond3A_186 = arith.cmpi ne, %convert_element_type3A_184, %cond3A_185 : i32
      scf.if %cond3A_186 {
        %dma_wait3A_250 = arith.constant 0 : i32
        %dma_wait3A_251 = tpu.memref_slice %arg9[%dma_wait3A_250] : memref<10240xi32, #tpu.memory_space<vmem>> -> memref<128xi32, #tpu.memory_space<vmem>>
        %dma_wait3A_252 = arith.constant 0 : i32
        %dma_wait3A_253 = arith.constant 0 : i32
        %dma_wait3A_254 = tpu.memref_slice %arg18[%dma_wait3A_252, %dma_wait3A_253] : memref<10016x64xf32, #tpu.memory_space<vmem_shared>> -> memref<10016x64xf32, #tpu.memory_space<vmem_shared>>
        tpu.wait_indirect_dma semaphore(%arg27 : memref<!tpu.dma_semaphore, #tpu.memory_space<semaphore_mem>>) src(%arg10 : memref<128x64xf32, #tpu.memory_space<vmem>>) dst(%dma_wait3A_254 : memref<10016x64xf32, #tpu.memory_space<vmem_shared>>)
        %add3A_255 = arith.constant 8 : i32
        %add3A_256 = arith.addi %add3A_179, %add3A_255 : i32
        %mul3A_257 = arith.constant 1 : i32
        %mul3A_258 = arith.muli %add3A_256, %mul3A_257 : i32
        %mul3A_259 = arith.constant 128 : i32
        %mul3A_260 = arith.muli %mul3A_258, %mul3A_259 : i32
        %dma_start3A_261 = tpu.memref_slice %arg8[%mul3A_260] : memref<10240xi32, #tpu.memory_space<vmem>> -> memref<128xi32, #tpu.memory_space<vmem>>
        %dma_start3A_262 = arith.constant 0 : i32
        %dma_start3A_263 = arith.constant 0 : i32
        %dma_start3A_264 = tpu.memref_slice %arg4[%dma_start3A_262, %dma_start3A_263] : memref<10000x64xf32, #tpu.memory_space<hbm>> -> memref<10000x64xf32, #tpu.memory_space<hbm>>
        tpu.enqueue_indirect_dma source(%dma_start3A_264 : memref<10000x64xf32, #tpu.memory_space<hbm>>) target(%arg10 : memref<128x64xf32, #tpu.memory_space<vmem>>) offsets(%dma_start3A_261 : memref<128xi32, #tpu.memory_space<vmem>>) semaphore(%arg19 : memref<!tpu.dma_semaphore, #tpu.memory_space<semaphore_mem>>)
      } else {
      }
      %add3A_187 = arith.constant 1 : i32
      %add3A_188 = arith.addi %mul3A_122, %add3A_187 : i32
      %add3A_189 = arith.constant 8 : i32
      %add3A_190 = arith.addi %add3A_188, %add3A_189 : i32
      %lt3A_191 = arith.constant 80 : i32
      %lt3A_192 = arith.cmpi slt, %add3A_190, %lt3A_191 : i32
      %convert_element_type3A_193 = arith.extui %lt3A_192 : i1 to i32
      %cond3A_194 = arith.constant 0 : i32
      %cond3A_195 = arith.cmpi ne, %convert_element_type3A_193, %cond3A_194 : i32
      scf.if %cond3A_195 {
        %dma_wait3A_250 = arith.constant 0 : i32
        %dma_wait3A_251 = tpu.memref_slice %arg9[%dma_wait3A_250] : memref<10240xi32, #tpu.memory_space<vmem>> -> memref<128xi32, #tpu.memory_space<vmem>>
        %dma_wait3A_252 = arith.constant 0 : i32
        %dma_wait3A_253 = arith.constant 0 : i32
        %dma_wait3A_254 = tpu.memref_slice %arg18[%dma_wait3A_252, %dma_wait3A_253] : memref<10016x64xf32, #tpu.memory_space<vmem_shared>> -> memref<10016x64xf32, #tpu.memory_space<vmem_shared>>
        tpu.wait_indirect_dma semaphore(%arg28 : memref<!tpu.dma_semaphore, #tpu.memory_space<semaphore_mem>>) src(%arg11 : memref<128x64xf32, #tpu.memory_space<vmem>>) dst(%dma_wait3A_254 : memref<10016x64xf32, #tpu.memory_space<vmem_shared>>)
        %add3A_255 = arith.constant 8 : i32
        %add3A_256 = arith.addi %add3A_188, %add3A_255 : i32
        %mul3A_257 = arith.constant 1 : i32
        %mul3A_258 = arith.muli %add3A_256, %mul3A_257 : i32
        %mul3A_259 = arith.constant 128 : i32
        %mul3A_260 = arith.muli %mul3A_258, %mul3A_259 : i32
        %dma_start3A_261 = tpu.memref_slice %arg8[%mul3A_260] : memref<10240xi32, #tpu.memory_space<vmem>> -> memref<128xi32, #tpu.memory_space<vmem>>
        %dma_start3A_262 = arith.constant 0 : i32
        %dma_start3A_263 = arith.constant 0 : i32
        %dma_start3A_264 = tpu.memref_slice %arg4[%dma_start3A_262, %dma_start3A_263] : memref<10000x64xf32, #tpu.memory_space<hbm>> -> memref<10000x64xf32, #tpu.memory_space<hbm>>
        tpu.enqueue_indirect_dma source(%dma_start3A_264 : memref<10000x64xf32, #tpu.memory_space<hbm>>) target(%arg11 : memref<128x64xf32, #tpu.memory_space<vmem>>) offsets(%dma_start3A_261 : memref<128xi32, #tpu.memory_space<vmem>>) semaphore(%arg20 : memref<!tpu.dma_semaphore, #tpu.memory_space<semaphore_mem>>)
      } else {
      }
      %add3A_196 = arith.constant 2 : i32
      %add3A_197 = arith.addi %mul3A_122, %add3A_196 : i32
      %add3A_198 = arith.constant 8 : i32
      %add3A_199 = arith.addi %add3A_197, %add3A_198 : i32
      %lt3A_200 = arith.constant 80 : i32
      %lt3A_201 = arith.cmpi slt, %add3A_199, %lt3A_200 : i32
      %convert_element_type3A_202 = arith.extui %lt3A_201 : i1 to i32
      %cond3A_203 = arith.constant 0 : i32
      %cond3A_204 = arith.cmpi ne, %convert_element_type3A_202, %cond3A_203 : i32
      scf.if %cond3A_204 {
        %dma_wait3A_250 = arith.constant 0 : i32
        %dma_wait3A_251 = tpu.memref_slice %arg9[%dma_wait3A_250] : memref<10240xi32, #tpu.memory_space<vmem>> -> memref<128xi32, #tpu.memory_space<vmem>>
        %dma_wait3A_252 = arith.constant 0 : i32
        %dma_wait3A_253 = arith.constant 0 : i32
        %dma_wait3A_254 = tpu.memref_slice %arg18[%dma_wait3A_252, %dma_wait3A_253] : memref<10016x64xf32, #tpu.memory_space<vmem_shared>> -> memref<10016x64xf32, #tpu.memory_space<vmem_shared>>
        tpu.wait_indirect_dma semaphore(%arg29 : memref<!tpu.dma_semaphore, #tpu.memory_space<semaphore_mem>>) src(%arg12 : memref<128x64xf32, #tpu.memory_space<vmem>>) dst(%dma_wait3A_254 : memref<10016x64xf32, #tpu.memory_space<vmem_shared>>)
        %add3A_255 = arith.constant 8 : i32
        %add3A_256 = arith.addi %add3A_197, %add3A_255 : i32
        %mul3A_257 = arith.constant 1 : i32
        %mul3A_258 = arith.muli %add3A_256, %mul3A_257 : i32
        %mul3A_259 = arith.constant 128 : i32
        %mul3A_260 = arith.muli %mul3A_258, %mul3A_259 : i32
        %dma_start3A_261 = tpu.memref_slice %arg8[%mul3A_260] : memref<10240xi32, #tpu.memory_space<vmem>> -> memref<128xi32, #tpu.memory_space<vmem>>
        %dma_start3A_262 = arith.constant 0 : i32
        %dma_start3A_263 = arith.constant 0 : i32
        %dma_start3A_264 = tpu.memref_slice %arg4[%dma_start3A_262, %dma_start3A_263] : memref<10000x64xf32, #tpu.memory_space<hbm>> -> memref<10000x64xf32, #tpu.memory_space<hbm>>
        tpu.enqueue_indirect_dma source(%dma_start3A_264 : memref<10000x64xf32, #tpu.memory_space<hbm>>) target(%arg12 : memref<128x64xf32, #tpu.memory_space<vmem>>) offsets(%dma_start3A_261 : memref<128xi32, #tpu.memory_space<vmem>>) semaphore(%arg21 : memref<!tpu.dma_semaphore, #tpu.memory_space<semaphore_mem>>)
      } else {
      }
      %add3A_205 = arith.constant 3 : i32
      %add3A_206 = arith.addi %mul3A_122, %add3A_205 : i32
      %add3A_207 = arith.constant 8 : i32
      %add3A_208 = arith.addi %add3A_206, %add3A_207 : i32
      %lt3A_209 = arith.constant 80 : i32
      %lt3A_210 = arith.cmpi slt, %add3A_208, %lt3A_209 : i32
      %convert_element_type3A_211 = arith.extui %lt3A_210 : i1 to i32
      %cond3A_212 = arith.constant 0 : i32
      %cond3A_213 = arith.cmpi ne, %convert_element_type3A_211, %cond3A_212 : i32
      scf.if %cond3A_213 {
        %dma_wait3A_250 = arith.constant 0 : i32
        %dma_wait3A_251 = tpu.memref_slice %arg9[%dma_wait3A_250] : memref<10240xi32, #tpu.memory_space<vmem>> -> memref<128xi32, #tpu.memory_space<vmem>>
        %dma_wait3A_252 = arith.constant 0 : i32
        %dma_wait3A_253 = arith.constant 0 : i32
        %dma_wait3A_254 = tpu.memref_slice %arg18[%dma_wait3A_252, %dma_wait3A_253] : memref<10016x64xf32, #tpu.memory_space<vmem_shared>> -> memref<10016x64xf32, #tpu.memory_space<vmem_shared>>
        tpu.wait_indirect_dma semaphore(%arg30 : memref<!tpu.dma_semaphore, #tpu.memory_space<semaphore_mem>>) src(%arg13 : memref<128x64xf32, #tpu.memory_space<vmem>>) dst(%dma_wait3A_254 : memref<10016x64xf32, #tpu.memory_space<vmem_shared>>)
        %add3A_255 = arith.constant 8 : i32
        %add3A_256 = arith.addi %add3A_206, %add3A_255 : i32
        %mul3A_257 = arith.constant 1 : i32
        %mul3A_258 = arith.muli %add3A_256, %mul3A_257 : i32
        %mul3A_259 = arith.constant 128 : i32
        %mul3A_260 = arith.muli %mul3A_258, %mul3A_259 : i32
        %dma_start3A_261 = tpu.memref_slice %arg8[%mul3A_260] : memref<10240xi32, #tpu.memory_space<vmem>> -> memref<128xi32, #tpu.memory_space<vmem>>
        %dma_start3A_262 = arith.constant 0 : i32
        %dma_start3A_263 = arith.constant 0 : i32
        %dma_start3A_264 = tpu.memref_slice %arg4[%dma_start3A_262, %dma_start3A_263] : memref<10000x64xf32, #tpu.memory_space<hbm>> -> memref<10000x64xf32, #tpu.memory_space<hbm>>
        tpu.enqueue_indirect_dma source(%dma_start3A_264 : memref<10000x64xf32, #tpu.memory_space<hbm>>) target(%arg13 : memref<128x64xf32, #tpu.memory_space<vmem>>) offsets(%dma_start3A_261 : memref<128xi32, #tpu.memory_space<vmem>>) semaphore(%arg22 : memref<!tpu.dma_semaphore, #tpu.memory_space<semaphore_mem>>)
      } else {
      }
      %add3A_214 = arith.constant 4 : i32
      %add3A_215 = arith.addi %mul3A_122, %add3A_214 : i32
      %add3A_216 = arith.constant 8 : i32
      %add3A_217 = arith.addi %add3A_215, %add3A_216 : i32
      %lt3A_218 = arith.constant 80 : i32
      %lt3A_219 = arith.cmpi slt, %add3A_217, %lt3A_218 : i32
      %convert_element_type3A_220 = arith.extui %lt3A_219 : i1 to i32
      %cond3A_221 = arith.constant 0 : i32
      %cond3A_222 = arith.cmpi ne, %convert_element_type3A_220, %cond3A_221 : i32
      scf.if %cond3A_222 {
        %dma_wait3A_250 = arith.constant 0 : i32
        %dma_wait3A_251 = tpu.memref_slice %arg9[%dma_wait3A_250] : memref<10240xi32, #tpu.memory_space<vmem>> -> memref<128xi32, #tpu.memory_space<vmem>>
        %dma_wait3A_252 = arith.constant 0 : i32
        %dma_wait3A_253 = arith.constant 0 : i32
        %dma_wait3A_254 = tpu.memref_slice %arg18[%dma_wait3A_252, %dma_wait3A_253] : memref<10016x64xf32, #tpu.memory_space<vmem_shared>> -> memref<10016x64xf32, #tpu.memory_space<vmem_shared>>
        tpu.wait_indirect_dma semaphore(%arg31 : memref<!tpu.dma_semaphore, #tpu.memory_space<semaphore_mem>>) src(%arg14 : memref<128x64xf32, #tpu.memory_space<vmem>>) dst(%dma_wait3A_254 : memref<10016x64xf32, #tpu.memory_space<vmem_shared>>)
        %add3A_255 = arith.constant 8 : i32
        %add3A_256 = arith.addi %add3A_215, %add3A_255 : i32
        %mul3A_257 = arith.constant 1 : i32
        %mul3A_258 = arith.muli %add3A_256, %mul3A_257 : i32
        %mul3A_259 = arith.constant 128 : i32
        %mul3A_260 = arith.muli %mul3A_258, %mul3A_259 : i32
        %dma_start3A_261 = tpu.memref_slice %arg8[%mul3A_260] : memref<10240xi32, #tpu.memory_space<vmem>> -> memref<128xi32, #tpu.memory_space<vmem>>
        %dma_start3A_262 = arith.constant 0 : i32
        %dma_start3A_263 = arith.constant 0 : i32
        %dma_start3A_264 = tpu.memref_slice %arg4[%dma_start3A_262, %dma_start3A_263] : memref<10000x64xf32, #tpu.memory_space<hbm>> -> memref<10000x64xf32, #tpu.memory_space<hbm>>
        tpu.enqueue_indirect_dma source(%dma_start3A_264 : memref<10000x64xf32, #tpu.memory_space<hbm>>) target(%arg14 : memref<128x64xf32, #tpu.memory_space<vmem>>) offsets(%dma_start3A_261 : memref<128xi32, #tpu.memory_space<vmem>>) semaphore(%arg23 : memref<!tpu.dma_semaphore, #tpu.memory_space<semaphore_mem>>)
      } else {
      }
      %add3A_223 = arith.constant 5 : i32
      %add3A_224 = arith.addi %mul3A_122, %add3A_223 : i32
      %add3A_225 = arith.constant 8 : i32
      %add3A_226 = arith.addi %add3A_224, %add3A_225 : i32
      %lt3A_227 = arith.constant 80 : i32
      %lt3A_228 = arith.cmpi slt, %add3A_226, %lt3A_227 : i32
      %convert_element_type3A_229 = arith.extui %lt3A_228 : i1 to i32
      %cond3A_230 = arith.constant 0 : i32
      %cond3A_231 = arith.cmpi ne, %convert_element_type3A_229, %cond3A_230 : i32
      scf.if %cond3A_231 {
        %dma_wait3A_250 = arith.constant 0 : i32
        %dma_wait3A_251 = tpu.memref_slice %arg9[%dma_wait3A_250] : memref<10240xi32, #tpu.memory_space<vmem>> -> memref<128xi32, #tpu.memory_space<vmem>>
        %dma_wait3A_252 = arith.constant 0 : i32
        %dma_wait3A_253 = arith.constant 0 : i32
        %dma_wait3A_254 = tpu.memref_slice %arg18[%dma_wait3A_252, %dma_wait3A_253] : memref<10016x64xf32, #tpu.memory_space<vmem_shared>> -> memref<10016x64xf32, #tpu.memory_space<vmem_shared>>
        tpu.wait_indirect_dma semaphore(%arg32 : memref<!tpu.dma_semaphore, #tpu.memory_space<semaphore_mem>>) src(%arg15 : memref<128x64xf32, #tpu.memory_space<vmem>>) dst(%dma_wait3A_254 : memref<10016x64xf32, #tpu.memory_space<vmem_shared>>)
        %add3A_255 = arith.constant 8 : i32
        %add3A_256 = arith.addi %add3A_224, %add3A_255 : i32
        %mul3A_257 = arith.constant 1 : i32
        %mul3A_258 = arith.muli %add3A_256, %mul3A_257 : i32
        %mul3A_259 = arith.constant 128 : i32
        %mul3A_260 = arith.muli %mul3A_258, %mul3A_259 : i32
        %dma_start3A_261 = tpu.memref_slice %arg8[%mul3A_260] : memref<10240xi32, #tpu.memory_space<vmem>> -> memref<128xi32, #tpu.memory_space<vmem>>
        %dma_start3A_262 = arith.constant 0 : i32
        %dma_start3A_263 = arith.constant 0 : i32
        %dma_start3A_264 = tpu.memref_slice %arg4[%dma_start3A_262, %dma_start3A_263] : memref<10000x64xf32, #tpu.memory_space<hbm>> -> memref<10000x64xf32, #tpu.memory_space<hbm>>
        tpu.enqueue_indirect_dma source(%dma_start3A_264 : memref<10000x64xf32, #tpu.memory_space<hbm>>) target(%arg15 : memref<128x64xf32, #tpu.memory_space<vmem>>) offsets(%dma_start3A_261 : memref<128xi32, #tpu.memory_space<vmem>>) semaphore(%arg24 : memref<!tpu.dma_semaphore, #tpu.memory_space<semaphore_mem>>)
      } else {
      }
      %add3A_232 = arith.constant 6 : i32
      %add3A_233 = arith.addi %mul3A_122, %add3A_232 : i32
      %add3A_234 = arith.constant 8 : i32
      %add3A_235 = arith.addi %add3A_233, %add3A_234 : i32
      %lt3A_236 = arith.constant 80 : i32
      %lt3A_237 = arith.cmpi slt, %add3A_235, %lt3A_236 : i32
      %convert_element_type3A_238 = arith.extui %lt3A_237 : i1 to i32
      %cond3A_239 = arith.constant 0 : i32
      %cond3A_240 = arith.cmpi ne, %convert_element_type3A_238, %cond3A_239 : i32
      scf.if %cond3A_240 {
        %dma_wait3A_250 = arith.constant 0 : i32
        %dma_wait3A_251 = tpu.memref_slice %arg9[%dma_wait3A_250] : memref<10240xi32, #tpu.memory_space<vmem>> -> memref<128xi32, #tpu.memory_space<vmem>>
        %dma_wait3A_252 = arith.constant 0 : i32
        %dma_wait3A_253 = arith.constant 0 : i32
        %dma_wait3A_254 = tpu.memref_slice %arg18[%dma_wait3A_252, %dma_wait3A_253] : memref<10016x64xf32, #tpu.memory_space<vmem_shared>> -> memref<10016x64xf32, #tpu.memory_space<vmem_shared>>
        tpu.wait_indirect_dma semaphore(%arg33 : memref<!tpu.dma_semaphore, #tpu.memory_space<semaphore_mem>>) src(%arg16 : memref<128x64xf32, #tpu.memory_space<vmem>>) dst(%dma_wait3A_254 : memref<10016x64xf32, #tpu.memory_space<vmem_shared>>)
        %add3A_255 = arith.constant 8 : i32
        %add3A_256 = arith.addi %add3A_233, %add3A_255 : i32
        %mul3A_257 = arith.constant 1 : i32
        %mul3A_258 = arith.muli %add3A_256, %mul3A_257 : i32
        %mul3A_259 = arith.constant 128 : i32
        %mul3A_260 = arith.muli %mul3A_258, %mul3A_259 : i32
        %dma_start3A_261 = tpu.memref_slice %arg8[%mul3A_260] : memref<10240xi32, #tpu.memory_space<vmem>> -> memref<128xi32, #tpu.memory_space<vmem>>
        %dma_start3A_262 = arith.constant 0 : i32
        %dma_start3A_263 = arith.constant 0 : i32
        %dma_start3A_264 = tpu.memref_slice %arg4[%dma_start3A_262, %dma_start3A_263] : memref<10000x64xf32, #tpu.memory_space<hbm>> -> memref<10000x64xf32, #tpu.memory_space<hbm>>
        tpu.enqueue_indirect_dma source(%dma_start3A_264 : memref<10000x64xf32, #tpu.memory_space<hbm>>) target(%arg16 : memref<128x64xf32, #tpu.memory_space<vmem>>) offsets(%dma_start3A_261 : memref<128xi32, #tpu.memory_space<vmem>>) semaphore(%arg25 : memref<!tpu.dma_semaphore, #tpu.memory_space<semaphore_mem>>)
      } else {
      }
      %add3A_241 = arith.constant 7 : i32
      %add3A_242 = arith.addi %mul3A_122, %add3A_241 : i32
      %add3A_243 = arith.constant 8 : i32
      %add3A_244 = arith.addi %add3A_242, %add3A_243 : i32
      %lt3A_245 = arith.constant 80 : i32
      %lt3A_246 = arith.cmpi slt, %add3A_244, %lt3A_245 : i32
      %convert_element_type3A_247 = arith.extui %lt3A_246 : i1 to i32
      %cond3A_248 = arith.constant 0 : i32
      %cond3A_249 = arith.cmpi ne, %convert_element_type3A_247, %cond3A_248 : i32
      scf.if %cond3A_249 {
        %dma_wait3A_250 = arith.constant 0 : i32
        %dma_wait3A_251 = tpu.memref_slice %arg9[%dma_wait3A_250] : memref<10240xi32, #tpu.memory_space<vmem>> -> memref<128xi32, #tpu.memory_space<vmem>>
        %dma_wait3A_252 = arith.constant 0 : i32
        %dma_wait3A_253 = arith.constant 0 : i32
        %dma_wait3A_254 = tpu.memref_slice %arg18[%dma_wait3A_252, %dma_wait3A_253] : memref<10016x64xf32, #tpu.memory_space<vmem_shared>> -> memref<10016x64xf32, #tpu.memory_space<vmem_shared>>
        tpu.wait_indirect_dma semaphore(%arg34 : memref<!tpu.dma_semaphore, #tpu.memory_space<semaphore_mem>>) src(%arg17 : memref<128x64xf32, #tpu.memory_space<vmem>>) dst(%dma_wait3A_254 : memref<10016x64xf32, #tpu.memory_space<vmem_shared>>)
        %add3A_255 = arith.constant 8 : i32
        %add3A_256 = arith.addi %add3A_242, %add3A_255 : i32
        %mul3A_257 = arith.constant 1 : i32
        %mul3A_258 = arith.muli %add3A_256, %mul3A_257 : i32
        %mul3A_259 = arith.constant 128 : i32
        %mul3A_260 = arith.muli %mul3A_258, %mul3A_259 : i32
        %dma_start3A_261 = tpu.memref_slice %arg8[%mul3A_260] : memref<10240xi32, #tpu.memory_space<vmem>> -> memref<128xi32, #tpu.memory_space<vmem>>
        %dma_start3A_262 = arith.constant 0 : i32
        %dma_start3A_263 = arith.constant 0 : i32
        %dma_start3A_264 = tpu.memref_slice %arg4[%dma_start3A_262, %dma_start3A_263] : memref<10000x64xf32, #tpu.memory_space<hbm>> -> memref<10000x64xf32, #tpu.memory_space<hbm>>
        tpu.enqueue_indirect_dma source(%dma_start3A_264 : memref<10000x64xf32, #tpu.memory_space<hbm>>) target(%arg17 : memref<128x64xf32, #tpu.memory_space<vmem>>) offsets(%dma_start3A_261 : memref<128xi32, #tpu.memory_space<vmem>>) semaphore(%arg26 : memref<!tpu.dma_semaphore, #tpu.memory_space<semaphore_mem>>)
      } else {
      }
    }
    %scan3A_71 = arith.constant 10 : i32
    %dma_wait3A_72 = arith.constant 0 : i32
    %dma_wait3A_73 = tpu.memref_slice %arg9[%dma_wait3A_72] : memref<10240xi32, #tpu.memory_space<vmem>> -> memref<128xi32, #tpu.memory_space<vmem>>
    %dma_wait3A_74 = arith.constant 0 : i32
    %dma_wait3A_75 = arith.constant 0 : i32
    %dma_wait3A_76 = tpu.memref_slice %arg18[%dma_wait3A_74, %dma_wait3A_75] : memref<10016x64xf32, #tpu.memory_space<vmem_shared>> -> memref<10016x64xf32, #tpu.memory_space<vmem_shared>>
    tpu.wait_indirect_dma semaphore(%arg27 : memref<!tpu.dma_semaphore, #tpu.memory_space<semaphore_mem>>) src(%arg10 : memref<128x64xf32, #tpu.memory_space<vmem>>) dst(%dma_wait3A_76 : memref<10016x64xf32, #tpu.memory_space<vmem_shared>>)
    %dma_wait3A_77 = arith.constant 0 : i32
    %dma_wait3A_78 = tpu.memref_slice %arg9[%dma_wait3A_77] : memref<10240xi32, #tpu.memory_space<vmem>> -> memref<128xi32, #tpu.memory_space<vmem>>
    %dma_wait3A_79 = arith.constant 0 : i32
    %dma_wait3A_80 = arith.constant 0 : i32
    %dma_wait3A_81 = tpu.memref_slice %arg18[%dma_wait3A_79, %dma_wait3A_80] : memref<10016x64xf32, #tpu.memory_space<vmem_shared>> -> memref<10016x64xf32, #tpu.memory_space<vmem_shared>>
    tpu.wait_indirect_dma semaphore(%arg28 : memref<!tpu.dma_semaphore, #tpu.memory_space<semaphore_mem>>) src(%arg11 : memref<128x64xf32, #tpu.memory_space<vmem>>) dst(%dma_wait3A_81 : memref<10016x64xf32, #tpu.memory_space<vmem_shared>>)
    %dma_wait3A_82 = arith.constant 0 : i32
    %dma_wait3A_83 = tpu.memref_slice %arg9[%dma_wait3A_82] : memref<10240xi32, #tpu.memory_space<vmem>> -> memref<128xi32, #tpu.memory_space<vmem>>
    %dma_wait3A_84 = arith.constant 0 : i32
    %dma_wait3A_85 = arith.constant 0 : i32
    %dma_wait3A_86 = tpu.memref_slice %arg18[%dma_wait3A_84, %dma_wait3A_85] : memref<10016x64xf32, #tpu.memory_space<vmem_shared>> -> memref<10016x64xf32, #tpu.memory_space<vmem_shared>>
    tpu.wait_indirect_dma semaphore(%arg29 : memref<!tpu.dma_semaphore, #tpu.memory_space<semaphore_mem>>) src(%arg12 : memref<128x64xf32, #tpu.memory_space<vmem>>) dst(%dma_wait3A_86 : memref<10016x64xf32, #tpu.memory_space<vmem_shared>>)
    %dma_wait3A_87 = arith.constant 0 : i32
    %dma_wait3A_88 = tpu.memref_slice %arg9[%dma_wait3A_87] : memref<10240xi32, #tpu.memory_space<vmem>> -> memref<128xi32, #tpu.memory_space<vmem>>
    %dma_wait3A_89 = arith.constant 0 : i32
    %dma_wait3A_90 = arith.constant 0 : i32
    %dma_wait3A_91 = tpu.memref_slice %arg18[%dma_wait3A_89, %dma_wait3A_90] : memref<10016x64xf32, #tpu.memory_space<vmem_shared>> -> memref<10016x64xf32, #tpu.memory_space<vmem_shared>>
    tpu.wait_indirect_dma semaphore(%arg30 : memref<!tpu.dma_semaphore, #tpu.memory_space<semaphore_mem>>) src(%arg13 : memref<128x64xf32, #tpu.memory_space<vmem>>) dst(%dma_wait3A_91 : memref<10016x64xf32, #tpu.memory_space<vmem_shared>>)
    %dma_wait3A_92 = arith.constant 0 : i32
    %dma_wait3A_93 = tpu.memref_slice %arg9[%dma_wait3A_92] : memref<10240xi32, #tpu.memory_space<vmem>> -> memref<128xi32, #tpu.memory_space<vmem>>
    %dma_wait3A_94 = arith.constant 0 : i32
    %dma_wait3A_95 = arith.constant 0 : i32
    %dma_wait3A_96 = tpu.memref_slice %arg18[%dma_wait3A_94, %dma_wait3A_95] : memref<10016x64xf32, #tpu.memory_space<vmem_shared>> -> memref<10016x64xf32, #tpu.memory_space<vmem_shared>>
    tpu.wait_indirect_dma semaphore(%arg31 : memref<!tpu.dma_semaphore, #tpu.memory_space<semaphore_mem>>) src(%arg14 : memref<128x64xf32, #tpu.memory_space<vmem>>) dst(%dma_wait3A_96 : memref<10016x64xf32, #tpu.memory_space<vmem_shared>>)
    %dma_wait3A_97 = arith.constant 0 : i32
    %dma_wait3A_98 = tpu.memref_slice %arg9[%dma_wait3A_97] : memref<10240xi32, #tpu.memory_space<vmem>> -> memref<128xi32, #tpu.memory_space<vmem>>
    %dma_wait3A_99 = arith.constant 0 : i32
    %dma_wait3A_100 = arith.constant 0 : i32
    %dma_wait3A_101 = tpu.memref_slice %arg18[%dma_wait3A_99, %dma_wait3A_100] : memref<10016x64xf32, #tpu.memory_space<vmem_shared>> -> memref<10016x64xf32, #tpu.memory_space<vmem_shared>>
    tpu.wait_indirect_dma semaphore(%arg32 : memref<!tpu.dma_semaphore, #tpu.memory_space<semaphore_mem>>) src(%arg15 : memref<128x64xf32, #tpu.memory_space<vmem>>) dst(%dma_wait3A_101 : memref<10016x64xf32, #tpu.memory_space<vmem_shared>>)
    %dma_wait3A_102 = arith.constant 0 : i32
    %dma_wait3A_103 = tpu.memref_slice %arg9[%dma_wait3A_102] : memref<10240xi32, #tpu.memory_space<vmem>> -> memref<128xi32, #tpu.memory_space<vmem>>
    %dma_wait3A_104 = arith.constant 0 : i32
    %dma_wait3A_105 = arith.constant 0 : i32
    %dma_wait3A_106 = tpu.memref_slice %arg18[%dma_wait3A_104, %dma_wait3A_105] : memref<10016x64xf32, #tpu.memory_space<vmem_shared>> -> memref<10016x64xf32, #tpu.memory_space<vmem_shared>>
    tpu.wait_indirect_dma semaphore(%arg33 : memref<!tpu.dma_semaphore, #tpu.memory_space<semaphore_mem>>) src(%arg16 : memref<128x64xf32, #tpu.memory_space<vmem>>) dst(%dma_wait3A_106 : memref<10016x64xf32, #tpu.memory_space<vmem_shared>>)
    %dma_wait3A_107 = arith.constant 0 : i32
    %dma_wait3A_108 = tpu.memref_slice %arg9[%dma_wait3A_107] : memref<10240xi32, #tpu.memory_space<vmem>> -> memref<128xi32, #tpu.memory_space<vmem>>
    %dma_wait3A_109 = arith.constant 0 : i32
    %dma_wait3A_110 = arith.constant 0 : i32
    %dma_wait3A_111 = tpu.memref_slice %arg18[%dma_wait3A_109, %dma_wait3A_110] : memref<10016x64xf32, #tpu.memory_space<vmem_shared>> -> memref<10016x64xf32, #tpu.memory_space<vmem_shared>>
    tpu.wait_indirect_dma semaphore(%arg34 : memref<!tpu.dma_semaphore, #tpu.memory_space<semaphore_mem>>) src(%arg17 : memref<128x64xf32, #tpu.memory_space<vmem>>) dst(%dma_wait3A_111 : memref<10016x64xf32, #tpu.memory_space<vmem_shared>>)
    %barrier3A_112 = arith.constant 0 : index
    tpu.barrier barrier_id(%barrier3A_112)
    %eq3A = arith.constant 0 : i32
    %eq3A_113 = arith.cmpi eq, %arg0, %eq3A : i32
    %convert_element_type3A = arith.extui %eq3A_113 : i1 to i32
    %cond3A = arith.constant 0 : i32
    %cond3A_114 = arith.cmpi ne, %convert_element_type3A, %cond3A : i32
    scf.if %cond3A_114 {
      %mul3A_120 = arith.constant 626 : i32
      %mul3A_121 = arith.muli %arg1, %mul3A_120 : i32
      %mul3A_122 = arith.constant 626 : i32
      %mul3A_123 = arith.muli %arg1, %mul3A_122 : i32
      "tpu.region"() ({
        %run_scoped3A = tpu.sem_alloc : memref<!tpu.dma_semaphore, #tpu.memory_space<semaphore_mem>>
        %dma_start3A_124 = arith.constant 0 : i32
        %dma_start3A_125 = tpu.memref_slice %arg6[%mul3A_123, %dma_start3A_124] : memref<10016x64xf32, #tpu.memory_space<hbm>> -> memref<626x64xf32, #tpu.memory_space<hbm>>
        %dma_start3A_126 = arith.constant 0 : i32
        %dma_start3A_127 = tpu.memref_slice %arg18[%mul3A_121, %dma_start3A_126] : memref<10016x64xf32, #tpu.memory_space<vmem_shared>> -> memref<626x64xf32, #tpu.memory_space<vmem_shared>>
        tpu.enqueue_dma source(%dma_start3A_127 : memref<626x64xf32, #tpu.memory_space<vmem_shared>>) target(%dma_start3A_125 : memref<626x64xf32, #tpu.memory_space<hbm>>) target_semaphore(%run_scoped3A : memref<!tpu.dma_semaphore, #tpu.memory_space<semaphore_mem>>)
        %dma_wait3A_128 = arith.constant 0 : i32
        %dma_wait3A_129 = tpu.memref_slice %arg6[%mul3A_123, %dma_wait3A_128] : memref<10016x64xf32, #tpu.memory_space<hbm>> -> memref<626x64xf32, #tpu.memory_space<hbm>>
        %dma_wait3A_130 = arith.constant 0 : i32
        %dma_wait3A_131 = tpu.memref_slice %arg18[%mul3A_121, %dma_wait3A_130] : memref<10016x64xf32, #tpu.memory_space<vmem_shared>> -> memref<626x64xf32, #tpu.memory_space<vmem_shared>>
        tpu.wait_dma2 semaphore(%run_scoped3A : memref<!tpu.dma_semaphore, #tpu.memory_space<semaphore_mem>>) src(%dma_wait3A_131 : memref<626x64xf32, #tpu.memory_space<vmem_shared>>) dst(%dma_wait3A_129 : memref<626x64xf32, #tpu.memory_space<hbm>>)
        tpu.yield
      }) : () -> ()
    } else {
    }
    %eq3A_115 = arith.constant 1 : i32
    %eq3A_116 = arith.cmpi eq, %arg0, %eq3A_115 : i32
    %convert_element_type3A_117 = arith.extui %eq3A_116 : i1 to i32
    %cond3A_118 = arith.constant 0 : i32
    %cond3A_119 = arith.cmpi ne, %convert_element_type3A_117, %cond3A_118 : i32
    scf.if %cond3A_119 {
      %mul3A_120 = arith.constant 626 : i32
      %mul3A_121 = arith.muli %arg1, %mul3A_120 : i32
      %mul3A_122 = arith.constant 626 : i32
      %mul3A_123 = arith.muli %arg1, %mul3A_122 : i32
      "tpu.region"() ({
        %run_scoped3A = tpu.sem_alloc : memref<!tpu.dma_semaphore, #tpu.memory_space<semaphore_mem>>
        %dma_start3A_124 = arith.constant 0 : i32
        %dma_start3A_125 = tpu.memref_slice %arg7[%mul3A_123, %dma_start3A_124] : memref<10016x64xf32, #tpu.memory_space<hbm>> -> memref<626x64xf32, #tpu.memory_space<hbm>>
        %dma_start3A_126 = arith.constant 0 : i32
        %dma_start3A_127 = tpu.memref_slice %arg18[%mul3A_121, %dma_start3A_126] : memref<10016x64xf32, #tpu.memory_space<vmem_shared>> -> memref<626x64xf32, #tpu.memory_space<vmem_shared>>
        tpu.enqueue_dma source(%dma_start3A_127 : memref<626x64xf32, #tpu.memory_space<vmem_shared>>) target(%dma_start3A_125 : memref<626x64xf32, #tpu.memory_space<hbm>>) target_semaphore(%run_scoped3A : memref<!tpu.dma_semaphore, #tpu.memory_space<semaphore_mem>>)
        %dma_wait3A_128 = arith.constant 0 : i32
        %dma_wait3A_129 = tpu.memref_slice %arg7[%mul3A_123, %dma_wait3A_128] : memref<10016x64xf32, #tpu.memory_space<hbm>> -> memref<626x64xf32, #tpu.memory_space<hbm>>
        %dma_wait3A_130 = arith.constant 0 : i32
        %dma_wait3A_131 = tpu.memref_slice %arg18[%mul3A_121, %dma_wait3A_130] : memref<10016x64xf32, #tpu.memory_space<vmem_shared>> -> memref<626x64xf32, #tpu.memory_space<vmem_shared>>
        tpu.wait_dma2 semaphore(%run_scoped3A : memref<!tpu.dma_semaphore, #tpu.memory_space<semaphore_mem>>) src(%dma_wait3A_131 : memref<626x64xf32, #tpu.memory_space<vmem_shared>>) dst(%dma_wait3A_129 : memref<626x64xf32, #tpu.memory_space<hbm>>)
        tpu.yield
      }) : () -> ()
    } else {
    }
    return
  }
}

#map = affine_map<(d0, d1) -> (0, 0)>
module attributes {stable_mosaic.version = 14 : i64} {
  func.func @_sc_edge_pass(%arg0: i32, %arg1: i32, %arg2: memref<32x10240xi32, #tpu.memory_space<hbm>>, %arg3: memref<32x10240xi32, #tpu.memory_space<hbm>>, %arg4: memref<10000x64xf32, #tpu.memory_space<hbm>>, %arg5: memref<10016x64xf32, #tpu.memory_space<hbm>>, %arg6: memref<10016x64xf32, #tpu.memory_space<hbm>>, %arg7: memref<10016x64xf32, #tpu.memory_space<hbm>>, %arg8: memref<10240xi32, #tpu.memory_space<vmem>>, %arg9: memref<10240xi32, #tpu.memory_space<vmem>>, %arg10: memref<128x64xf32, #tpu.memory_space<vmem>>, %arg11: memref<128x64xf32, #tpu.memory_space<vmem>>, %arg12: memref<128x64xf32, #tpu.memory_space<vmem>>, %arg13: memref<128x64xf32, #tpu.memory_space<vmem>>, %arg14: memref<128x64xf32, #tpu.memory_space<vmem>>, %arg15: memref<128x64xf32, #tpu.memory_space<vmem>>, %arg16: memref<128x64xf32, #tpu.memory_space<vmem>>, %arg17: memref<128x64xf32, #tpu.memory_space<vmem>>, %arg18: memref<10016x64xf32, #tpu.memory_space<vmem_shared>>, %arg19: memref<!tpu.dma_semaphore, #tpu.memory_space<semaphore_mem>>, %arg20: memref<!tpu.dma_semaphore, #tpu.memory_space<semaphore_mem>>, %arg21: memref<!tpu.dma_semaphore, #tpu.memory_space<semaphore_mem>>, %arg22: memref<!tpu.dma_semaphore, #tpu.memory_space<semaphore_mem>>, %arg23: memref<!tpu.dma_semaphore, #tpu.memory_space<semaphore_mem>>, %arg24: memref<!tpu.dma_semaphore, #tpu.memory_space<semaphore_mem>>, %arg25: memref<!tpu.dma_semaphore, #tpu.memory_space<semaphore_mem>>, %arg26: memref<!tpu.dma_semaphore, #tpu.memory_space<semaphore_mem>>, %arg27: memref<!tpu.dma_semaphore, #tpu.memory_space<semaphore_mem>>, %arg28: memref<!tpu.dma_semaphore, #tpu.memory_space<semaphore_mem>>, %arg29: memref<!tpu.dma_semaphore, #tpu.memory_space<semaphore_mem>>, %arg30: memref<!tpu.dma_semaphore, #tpu.memory_space<semaphore_mem>>, %arg31: memref<!tpu.dma_semaphore, #tpu.memory_space<semaphore_mem>>, %arg32: memref<!tpu.dma_semaphore, #tpu.memory_space<semaphore_mem>>, %arg33: memref<!tpu.dma_semaphore, #tpu.memory_space<semaphore_mem>>, %arg34: memref<!tpu.dma_semaphore, #tpu.memory_space<semaphore_mem>>, %arg35: memref<!tpu.dma_semaphore, #tpu.memory_space<semaphore_mem>>) attributes {dimension_semantics = [#tpu.dimension_semantics<core_parallel>, #tpu.dimension_semantics<subcore_parallel>], iteration_bounds = array<i64: 2, 16>, scalar_prefetch = 0 : i64, scratch_operands = 28 : i64, tpu.core_type = #tpu.core_type<sc_vector_subcore>, window_params = [{transform_indices = #map}, {transform_indices = #map}, {transform_indices = #map}, {transform_indices = #map}, {transform_indices = #map}, {transform_indices = #map}]} {
    %mul3A = arith.constant 16 : i32
    %mul3A_0 = arith.muli %arg0, %mul3A : i32
    %add3A = arith.addi %mul3A_0, %arg1 : i32
    %dma_start3A = arith.constant 0 : i32
    %dma_start3A_1 = tpu.memref_slice %arg2[%add3A, %dma_start3A] : memref<32x10240xi32, #tpu.memory_space<hbm>> -> memref<1x10240xi32, #tpu.memory_space<hbm>>
    %dma_start3A_2 = tpu.memref_squeeze %dma_start3A_1 : memref<1x10240xi32, #tpu.memory_space<hbm>> -> memref<10240xi32, #tpu.memory_space<hbm>>
    %dma_start3A_3 = arith.constant 0 : i32
    %dma_start3A_4 = tpu.memref_slice %arg2[%add3A, %dma_start3A_3] : memref<32x10240xi32, #tpu.memory_space<hbm>> -> memref<1x10240xi32, #tpu.memory_space<hbm>>
    %dma_start3A_5 = tpu.memref_squeeze %dma_start3A_4 : memref<1x10240xi32, #tpu.memory_space<hbm>> -> memref<10240xi32, #tpu.memory_space<hbm>>
    tpu.enqueue_dma source(%dma_start3A_5 : memref<10240xi32, #tpu.memory_space<hbm>>) target(%arg8 : memref<10240xi32, #tpu.memory_space<vmem>>) target_semaphore(%arg35 : memref<!tpu.dma_semaphore, #tpu.memory_space<semaphore_mem>>)
    %dma_wait3A = arith.constant 0 : i32
    %dma_wait3A_6 = tpu.memref_slice %arg2[%add3A, %dma_wait3A] : memref<32x10240xi32, #tpu.memory_space<hbm>> -> memref<1x10240xi32, #tpu.memory_space<hbm>>
    %dma_wait3A_7 = tpu.memref_squeeze %dma_wait3A_6 : memref<1x10240xi32, #tpu.memory_space<hbm>> -> memref<10240xi32, #tpu.memory_space<hbm>>
    %dma_wait3A_8 = arith.constant 0 : i32
    %dma_wait3A_9 = tpu.memref_slice %arg2[%add3A, %dma_wait3A_8] : memref<32x10240xi32, #tpu.memory_space<hbm>> -> memref<1x10240xi32, #tpu.memory_space<hbm>>
    %dma_wait3A_10 = tpu.memref_squeeze %dma_wait3A_9 : memref<1x10240xi32, #tpu.memory_space<hbm>> -> memref<10240xi32, #tpu.memory_space<hbm>>
    tpu.wait_dma2 semaphore(%arg35 : memref<!tpu.dma_semaphore, #tpu.memory_space<semaphore_mem>>) src(%dma_wait3A_10 : memref<10240xi32, #tpu.memory_space<hbm>>) dst(%arg8 : memref<10240xi32, #tpu.memory_space<vmem>>)
    %dma_start3A_11 = arith.constant 0 : i32
    %dma_start3A_12 = tpu.memref_slice %arg8[%dma_start3A_11] : memref<10240xi32, #tpu.memory_space<vmem>> -> memref<128xi32, #tpu.memory_space<vmem>>
    %dma_start3A_13 = arith.constant 0 : i32
    %dma_start3A_14 = arith.constant 0 : i32
    %dma_start3A_15 = tpu.memref_slice %arg4[%dma_start3A_13, %dma_start3A_14] : memref<10000x64xf32, #tpu.memory_space<hbm>> -> memref<10000x64xf32, #tpu.memory_space<hbm>>
    tpu.enqueue_indirect_dma source(%dma_start3A_15 : memref<10000x64xf32, #tpu.memory_space<hbm>>) target(%arg10 : memref<128x64xf32, #tpu.memory_space<vmem>>) offsets(%dma_start3A_12 : memref<128xi32, #tpu.memory_space<vmem>>) semaphore(%arg19 : memref<!tpu.dma_semaphore, #tpu.memory_space<semaphore_mem>>)
    %dma_start3A_16 = arith.constant 128 : i32
    %dma_start3A_17 = tpu.memref_slice %arg8[%dma_start3A_16] : memref<10240xi32, #tpu.memory_space<vmem>> -> memref<128xi32, #tpu.memory_space<vmem>>
    %dma_start3A_18 = arith.constant 0 : i32
    %dma_start3A_19 = arith.constant 0 : i32
    %dma_start3A_20 = tpu.memref_slice %arg4[%dma_start3A_18, %dma_start3A_19] : memref<10000x64xf32, #tpu.memory_space<hbm>> -> memref<10000x64xf32, #tpu.memory_space<hbm>>
    tpu.enqueue_indirect_dma source(%dma_start3A_20 : memref<10000x64xf32, #tpu.memory_space<hbm>>) target(%arg11 : memref<128x64xf32, #tpu.memory_space<vmem>>) offsets(%dma_start3A_17 : memref<128xi32, #tpu.memory_space<vmem>>) semaphore(%arg20 : memref<!tpu.dma_semaphore, #tpu.memory_space<semaphore_mem>>)
    %dma_start3A_21 = arith.constant 256 : i32
    %dma_start3A_22 = tpu.memref_slice %arg8[%dma_start3A_21] : memref<10240xi32, #tpu.memory_space<vmem>> -> memref<128xi32, #tpu.memory_space<vmem>>
    %dma_start3A_23 = arith.constant 0 : i32
    %dma_start3A_24 = arith.constant 0 : i32
    %dma_start3A_25 = tpu.memref_slice %arg4[%dma_start3A_23, %dma_start3A_24] : memref<10000x64xf32, #tpu.memory_space<hbm>> -> memref<10000x64xf32, #tpu.memory_space<hbm>>
    tpu.enqueue_indirect_dma source(%dma_start3A_25 : memref<10000x64xf32, #tpu.memory_space<hbm>>) target(%arg12 : memref<128x64xf32, #tpu.memory_space<vmem>>) offsets(%dma_start3A_22 : memref<128xi32, #tpu.memory_space<vmem>>) semaphore(%arg21 : memref<!tpu.dma_semaphore, #tpu.memory_space<semaphore_mem>>)
    %dma_start3A_26 = arith.constant 384 : i32
    %dma_start3A_27 = tpu.memref_slice %arg8[%dma_start3A_26] : memref<10240xi32, #tpu.memory_space<vmem>> -> memref<128xi32, #tpu.memory_space<vmem>>
    %dma_start3A_28 = arith.constant 0 : i32
    %dma_start3A_29 = arith.constant 0 : i32
    %dma_start3A_30 = tpu.memref_slice %arg4[%dma_start3A_28, %dma_start3A_29] : memref<10000x64xf32, #tpu.memory_space<hbm>> -> memref<10000x64xf32, #tpu.memory_space<hbm>>
    tpu.enqueue_indirect_dma source(%dma_start3A_30 : memref<10000x64xf32, #tpu.memory_space<hbm>>) target(%arg13 : memref<128x64xf32, #tpu.memory_space<vmem>>) offsets(%dma_start3A_27 : memref<128xi32, #tpu.memory_space<vmem>>) semaphore(%arg22 : memref<!tpu.dma_semaphore, #tpu.memory_space<semaphore_mem>>)
    %dma_start3A_31 = arith.constant 512 : i32
    %dma_start3A_32 = tpu.memref_slice %arg8[%dma_start3A_31] : memref<10240xi32, #tpu.memory_space<vmem>> -> memref<128xi32, #tpu.memory_space<vmem>>
    %dma_start3A_33 = arith.constant 0 : i32
    %dma_start3A_34 = arith.constant 0 : i32
    %dma_start3A_35 = tpu.memref_slice %arg4[%dma_start3A_33, %dma_start3A_34] : memref<10000x64xf32, #tpu.memory_space<hbm>> -> memref<10000x64xf32, #tpu.memory_space<hbm>>
    tpu.enqueue_indirect_dma source(%dma_start3A_35 : memref<10000x64xf32, #tpu.memory_space<hbm>>) target(%arg14 : memref<128x64xf32, #tpu.memory_space<vmem>>) offsets(%dma_start3A_32 : memref<128xi32, #tpu.memory_space<vmem>>) semaphore(%arg23 : memref<!tpu.dma_semaphore, #tpu.memory_space<semaphore_mem>>)
    %dma_start3A_36 = arith.constant 640 : i32
    %dma_start3A_37 = tpu.memref_slice %arg8[%dma_start3A_36] : memref<10240xi32, #tpu.memory_space<vmem>> -> memref<128xi32, #tpu.memory_space<vmem>>
    %dma_start3A_38 = arith.constant 0 : i32
    %dma_start3A_39 = arith.constant 0 : i32
    %dma_start3A_40 = tpu.memref_slice %arg4[%dma_start3A_38, %dma_start3A_39] : memref<10000x64xf32, #tpu.memory_space<hbm>> -> memref<10000x64xf32, #tpu.memory_space<hbm>>
    tpu.enqueue_indirect_dma source(%dma_start3A_40 : memref<10000x64xf32, #tpu.memory_space<hbm>>) target(%arg15 : memref<128x64xf32, #tpu.memory_space<vmem>>) offsets(%dma_start3A_37 : memref<128xi32, #tpu.memory_space<vmem>>) semaphore(%arg24 : memref<!tpu.dma_semaphore, #tpu.memory_space<semaphore_mem>>)
    %dma_start3A_41 = arith.constant 768 : i32
    %dma_start3A_42 = tpu.memref_slice %arg8[%dma_start3A_41] : memref<10240xi32, #tpu.memory_space<vmem>> -> memref<128xi32, #tpu.memory_space<vmem>>
    %dma_start3A_43 = arith.constant 0 : i32
    %dma_start3A_44 = arith.constant 0 : i32
    %dma_start3A_45 = tpu.memref_slice %arg4[%dma_start3A_43, %dma_start3A_44] : memref<10000x64xf32, #tpu.memory_space<hbm>> -> memref<10000x64xf32, #tpu.memory_space<hbm>>
    tpu.enqueue_indirect_dma source(%dma_start3A_45 : memref<10000x64xf32, #tpu.memory_space<hbm>>) target(%arg16 : memref<128x64xf32, #tpu.memory_space<vmem>>) offsets(%dma_start3A_42 : memref<128xi32, #tpu.memory_space<vmem>>) semaphore(%arg25 : memref<!tpu.dma_semaphore, #tpu.memory_space<semaphore_mem>>)
    %dma_start3A_46 = arith.constant 896 : i32
    %dma_start3A_47 = tpu.memref_slice %arg8[%dma_start3A_46] : memref<10240xi32, #tpu.memory_space<vmem>> -> memref<128xi32, #tpu.memory_space<vmem>>
    %dma_start3A_48 = arith.constant 0 : i32
    %dma_start3A_49 = arith.constant 0 : i32
    %dma_start3A_50 = tpu.memref_slice %arg4[%dma_start3A_48, %dma_start3A_49] : memref<10000x64xf32, #tpu.memory_space<hbm>> -> memref<10000x64xf32, #tpu.memory_space<hbm>>
    tpu.enqueue_indirect_dma source(%dma_start3A_50 : memref<10000x64xf32, #tpu.memory_space<hbm>>) target(%arg17 : memref<128x64xf32, #tpu.memory_space<vmem>>) offsets(%dma_start3A_47 : memref<128xi32, #tpu.memory_space<vmem>>) semaphore(%arg26 : memref<!tpu.dma_semaphore, #tpu.memory_space<semaphore_mem>>)
    %dma_start3A_51 = arith.constant 0 : i32
    %dma_start3A_52 = tpu.memref_slice %arg3[%add3A, %dma_start3A_51] : memref<32x10240xi32, #tpu.memory_space<hbm>> -> memref<1x10240xi32, #tpu.memory_space<hbm>>
    %dma_start3A_53 = tpu.memref_squeeze %dma_start3A_52 : memref<1x10240xi32, #tpu.memory_space<hbm>> -> memref<10240xi32, #tpu.memory_space<hbm>>
    %dma_start3A_54 = arith.constant 0 : i32
    %dma_start3A_55 = tpu.memref_slice %arg3[%add3A, %dma_start3A_54] : memref<32x10240xi32, #tpu.memory_space<hbm>> -> memref<1x10240xi32, #tpu.memory_space<hbm>>
    %dma_start3A_56 = tpu.memref_squeeze %dma_start3A_55 : memref<1x10240xi32, #tpu.memory_space<hbm>> -> memref<10240xi32, #tpu.memory_space<hbm>>
    tpu.enqueue_dma source(%dma_start3A_56 : memref<10240xi32, #tpu.memory_space<hbm>>) target(%arg9 : memref<10240xi32, #tpu.memory_space<vmem>>) target_semaphore(%arg35 : memref<!tpu.dma_semaphore, #tpu.memory_space<semaphore_mem>>)
    %dma_wait3A_57 = arith.constant 0 : i32
    %dma_wait3A_58 = tpu.memref_slice %arg3[%add3A, %dma_wait3A_57] : memref<32x10240xi32, #tpu.memory_space<hbm>> -> memref<1x10240xi32, #tpu.memory_space<hbm>>
    %dma_wait3A_59 = tpu.memref_squeeze %dma_wait3A_58 : memref<1x10240xi32, #tpu.memory_space<hbm>> -> memref<10240xi32, #tpu.memory_space<hbm>>
    %dma_wait3A_60 = arith.constant 0 : i32
    %dma_wait3A_61 = tpu.memref_slice %arg3[%add3A, %dma_wait3A_60] : memref<32x10240xi32, #tpu.memory_space<hbm>> -> memref<1x10240xi32, #tpu.memory_space<hbm>>
    %dma_wait3A_62 = tpu.memref_squeeze %dma_wait3A_61 : memref<1x10240xi32, #tpu.memory_space<hbm>> -> memref<10240xi32, #tpu.memory_space<hbm>>
    tpu.wait_dma2 semaphore(%arg35 : memref<!tpu.dma_semaphore, #tpu.memory_space<semaphore_mem>>) src(%dma_wait3A_62 : memref<10240xi32, #tpu.memory_space<hbm>>) dst(%arg9 : memref<10240xi32, #tpu.memory_space<vmem>>)
    %mul3A_63 = arith.constant 626 : i32
    %mul3A_64 = arith.muli %arg1, %mul3A_63 : i32
    %mul3A_65 = arith.constant 626 : i32
    %mul3A_66 = arith.muli %arg1, %mul3A_65 : i32
    "tpu.region"() ({
      %run_scoped3A = tpu.sem_alloc : memref<!tpu.dma_semaphore, #tpu.memory_space<semaphore_mem>>
      %dma_start3A_120 = arith.constant 0 : i32
      %dma_start3A_121 = tpu.memref_slice %arg18[%mul3A_66, %dma_start3A_120] : memref<10016x64xf32, #tpu.memory_space<vmem_shared>> -> memref<626x64xf32, #tpu.memory_space<vmem_shared>>
      %dma_start3A_122 = arith.constant 0 : i32
      %dma_start3A_123 = tpu.memref_slice %arg5[%mul3A_64, %dma_start3A_122] : memref<10016x64xf32, #tpu.memory_space<hbm>> -> memref<626x64xf32, #tpu.memory_space<hbm>>
      tpu.enqueue_dma source(%dma_start3A_123 : memref<626x64xf32, #tpu.memory_space<hbm>>) target(%dma_start3A_121 : memref<626x64xf32, #tpu.memory_space<vmem_shared>>) target_semaphore(%run_scoped3A : memref<!tpu.dma_semaphore, #tpu.memory_space<semaphore_mem>>)
      %dma_wait3A_124 = arith.constant 0 : i32
      %dma_wait3A_125 = tpu.memref_slice %arg18[%mul3A_66, %dma_wait3A_124] : memref<10016x64xf32, #tpu.memory_space<vmem_shared>> -> memref<626x64xf32, #tpu.memory_space<vmem_shared>>
      %dma_wait3A_126 = arith.constant 0 : i32
      %dma_wait3A_127 = tpu.memref_slice %arg5[%mul3A_64, %dma_wait3A_126] : memref<10016x64xf32, #tpu.memory_space<hbm>> -> memref<626x64xf32, #tpu.memory_space<hbm>>
      tpu.wait_dma2 semaphore(%run_scoped3A : memref<!tpu.dma_semaphore, #tpu.memory_space<semaphore_mem>>) src(%dma_wait3A_127 : memref<626x64xf32, #tpu.memory_space<hbm>>) dst(%dma_wait3A_125 : memref<626x64xf32, #tpu.memory_space<vmem_shared>>)
      tpu.yield
    }) : () -> ()
    %barrier3A = arith.constant 0 : index
    tpu.barrier barrier_id(%barrier3A)
    %scan3A = arith.constant 0 : i32
    %scan3A_67 = arith.constant 0 : i32
    %scan3A_68 = arith.constant 10 : i32
    %scan3A_69 = arith.addi %scan3A_67, %scan3A_68 : i32
    %scan3A_70 = arith.constant 1 : i32
    scf.for %scan3A_120 = %scan3A_67 to %scan3A_69 step %scan3A_70  : i32 {
      %mul3A_121 = arith.constant 8 : i32
      %mul3A_122 = arith.muli %mul3A_121, %scan3A_120 : i32
      %add3A_123 = arith.constant 0 : i32
      %add3A_124 = arith.addi %mul3A_122, %add3A_123 : i32
      %lt3A = arith.constant 80 : i32
      %lt3A_125 = arith.cmpi slt, %add3A_124, %lt3A : i32
      %convert_element_type3A_126 = arith.extui %lt3A_125 : i1 to i32
      %cond3A_127 = arith.constant 0 : i32
      %cond3A_128 = arith.cmpi ne, %convert_element_type3A_126, %cond3A_127 : i32
      scf.if %cond3A_128 {
        %mul3A_250 = arith.constant 1 : i32
        %mul3A_251 = arith.muli %add3A_124, %mul3A_250 : i32
        %mul3A_252 = arith.constant 128 : i32
        %mul3A_253 = arith.muli %mul3A_251, %mul3A_252 : i32
        %dma_wait3A_254 = tpu.memref_slice %arg8[%mul3A_253] : memref<10240xi32, #tpu.memory_space<vmem>> -> memref<128xi32, #tpu.memory_space<vmem>>
        %dma_wait3A_255 = arith.constant 0 : i32
        %dma_wait3A_256 = arith.constant 0 : i32
        %dma_wait3A_257 = tpu.memref_slice %arg4[%dma_wait3A_255, %dma_wait3A_256] : memref<10000x64xf32, #tpu.memory_space<hbm>> -> memref<10000x64xf32, #tpu.memory_space<hbm>>
        tpu.wait_indirect_dma semaphore(%arg19 : memref<!tpu.dma_semaphore, #tpu.memory_space<semaphore_mem>>) src(%dma_wait3A_257 : memref<10000x64xf32, #tpu.memory_space<hbm>>) dst(%arg10 : memref<128x64xf32, #tpu.memory_space<vmem>>)
        %mul3A_258 = arith.constant 1 : i32
        %mul3A_259 = arith.muli %add3A_124, %mul3A_258 : i32
        %mul3A_260 = arith.constant 128 : i32
        %mul3A_261 = arith.muli %mul3A_259, %mul3A_260 : i32
        %dma_start3A_262 = tpu.memref_slice %arg9[%mul3A_261] : memref<10240xi32, #tpu.memory_space<vmem>> -> memref<128xi32, #tpu.memory_space<vmem>>
        %dma_start3A_263 = arith.constant 0 : i32
        %dma_start3A_264 = arith.constant 0 : i32
        %dma_start3A_265 = tpu.memref_slice %arg18[%dma_start3A_263, %dma_start3A_264] : memref<10016x64xf32, #tpu.memory_space<vmem_shared>> -> memref<10016x64xf32, #tpu.memory_space<vmem_shared>>
        tpu.enqueue_indirect_dma source(%arg10 : memref<128x64xf32, #tpu.memory_space<vmem>>) target(%dma_start3A_265 : memref<10016x64xf32, #tpu.memory_space<vmem_shared>>) offsets(%dma_start3A_262 : memref<128xi32, #tpu.memory_space<vmem>>) semaphore(%arg27 : memref<!tpu.dma_semaphore, #tpu.memory_space<semaphore_mem>>) {add = true}
      } else {
      }
      %add3A_129 = arith.constant 1 : i32
      %add3A_130 = arith.addi %mul3A_122, %add3A_129 : i32
      %lt3A_131 = arith.constant 80 : i32
      %lt3A_132 = arith.cmpi slt, %add3A_130, %lt3A_131 : i32
      %convert_element_type3A_133 = arith.extui %lt3A_132 : i1 to i32
      %cond3A_134 = arith.constant 0 : i32
      %cond3A_135 = arith.cmpi ne, %convert_element_type3A_133, %cond3A_134 : i32
      scf.if %cond3A_135 {
        %mul3A_250 = arith.constant 1 : i32
        %mul3A_251 = arith.muli %add3A_130, %mul3A_250 : i32
        %mul3A_252 = arith.constant 128 : i32
        %mul3A_253 = arith.muli %mul3A_251, %mul3A_252 : i32
        %dma_wait3A_254 = tpu.memref_slice %arg8[%mul3A_253] : memref<10240xi32, #tpu.memory_space<vmem>> -> memref<128xi32, #tpu.memory_space<vmem>>
        %dma_wait3A_255 = arith.constant 0 : i32
        %dma_wait3A_256 = arith.constant 0 : i32
        %dma_wait3A_257 = tpu.memref_slice %arg4[%dma_wait3A_255, %dma_wait3A_256] : memref<10000x64xf32, #tpu.memory_space<hbm>> -> memref<10000x64xf32, #tpu.memory_space<hbm>>
        tpu.wait_indirect_dma semaphore(%arg20 : memref<!tpu.dma_semaphore, #tpu.memory_space<semaphore_mem>>) src(%dma_wait3A_257 : memref<10000x64xf32, #tpu.memory_space<hbm>>) dst(%arg11 : memref<128x64xf32, #tpu.memory_space<vmem>>)
        %mul3A_258 = arith.constant 1 : i32
        %mul3A_259 = arith.muli %add3A_130, %mul3A_258 : i32
        %mul3A_260 = arith.constant 128 : i32
        %mul3A_261 = arith.muli %mul3A_259, %mul3A_260 : i32
        %dma_start3A_262 = tpu.memref_slice %arg9[%mul3A_261] : memref<10240xi32, #tpu.memory_space<vmem>> -> memref<128xi32, #tpu.memory_space<vmem>>
        %dma_start3A_263 = arith.constant 0 : i32
        %dma_start3A_264 = arith.constant 0 : i32
        %dma_start3A_265 = tpu.memref_slice %arg18[%dma_start3A_263, %dma_start3A_264] : memref<10016x64xf32, #tpu.memory_space<vmem_shared>> -> memref<10016x64xf32, #tpu.memory_space<vmem_shared>>
        tpu.enqueue_indirect_dma source(%arg11 : memref<128x64xf32, #tpu.memory_space<vmem>>) target(%dma_start3A_265 : memref<10016x64xf32, #tpu.memory_space<vmem_shared>>) offsets(%dma_start3A_262 : memref<128xi32, #tpu.memory_space<vmem>>) semaphore(%arg28 : memref<!tpu.dma_semaphore, #tpu.memory_space<semaphore_mem>>) {add = true}
      } else {
      }
      %add3A_136 = arith.constant 2 : i32
      %add3A_137 = arith.addi %mul3A_122, %add3A_136 : i32
      %lt3A_138 = arith.constant 80 : i32
      %lt3A_139 = arith.cmpi slt, %add3A_137, %lt3A_138 : i32
      %convert_element_type3A_140 = arith.extui %lt3A_139 : i1 to i32
      %cond3A_141 = arith.constant 0 : i32
      %cond3A_142 = arith.cmpi ne, %convert_element_type3A_140, %cond3A_141 : i32
      scf.if %cond3A_142 {
        %mul3A_250 = arith.constant 1 : i32
        %mul3A_251 = arith.muli %add3A_137, %mul3A_250 : i32
        %mul3A_252 = arith.constant 128 : i32
        %mul3A_253 = arith.muli %mul3A_251, %mul3A_252 : i32
        %dma_wait3A_254 = tpu.memref_slice %arg8[%mul3A_253] : memref<10240xi32, #tpu.memory_space<vmem>> -> memref<128xi32, #tpu.memory_space<vmem>>
        %dma_wait3A_255 = arith.constant 0 : i32
        %dma_wait3A_256 = arith.constant 0 : i32
        %dma_wait3A_257 = tpu.memref_slice %arg4[%dma_wait3A_255, %dma_wait3A_256] : memref<10000x64xf32, #tpu.memory_space<hbm>> -> memref<10000x64xf32, #tpu.memory_space<hbm>>
        tpu.wait_indirect_dma semaphore(%arg21 : memref<!tpu.dma_semaphore, #tpu.memory_space<semaphore_mem>>) src(%dma_wait3A_257 : memref<10000x64xf32, #tpu.memory_space<hbm>>) dst(%arg12 : memref<128x64xf32, #tpu.memory_space<vmem>>)
        %mul3A_258 = arith.constant 1 : i32
        %mul3A_259 = arith.muli %add3A_137, %mul3A_258 : i32
        %mul3A_260 = arith.constant 128 : i32
        %mul3A_261 = arith.muli %mul3A_259, %mul3A_260 : i32
        %dma_start3A_262 = tpu.memref_slice %arg9[%mul3A_261] : memref<10240xi32, #tpu.memory_space<vmem>> -> memref<128xi32, #tpu.memory_space<vmem>>
        %dma_start3A_263 = arith.constant 0 : i32
        %dma_start3A_264 = arith.constant 0 : i32
        %dma_start3A_265 = tpu.memref_slice %arg18[%dma_start3A_263, %dma_start3A_264] : memref<10016x64xf32, #tpu.memory_space<vmem_shared>> -> memref<10016x64xf32, #tpu.memory_space<vmem_shared>>
        tpu.enqueue_indirect_dma source(%arg12 : memref<128x64xf32, #tpu.memory_space<vmem>>) target(%dma_start3A_265 : memref<10016x64xf32, #tpu.memory_space<vmem_shared>>) offsets(%dma_start3A_262 : memref<128xi32, #tpu.memory_space<vmem>>) semaphore(%arg29 : memref<!tpu.dma_semaphore, #tpu.memory_space<semaphore_mem>>) {add = true}
      } else {
      }
      %add3A_143 = arith.constant 3 : i32
      %add3A_144 = arith.addi %mul3A_122, %add3A_143 : i32
      %lt3A_145 = arith.constant 80 : i32
      %lt3A_146 = arith.cmpi slt, %add3A_144, %lt3A_145 : i32
      %convert_element_type3A_147 = arith.extui %lt3A_146 : i1 to i32
      %cond3A_148 = arith.constant 0 : i32
      %cond3A_149 = arith.cmpi ne, %convert_element_type3A_147, %cond3A_148 : i32
      scf.if %cond3A_149 {
        %mul3A_250 = arith.constant 1 : i32
        %mul3A_251 = arith.muli %add3A_144, %mul3A_250 : i32
        %mul3A_252 = arith.constant 128 : i32
        %mul3A_253 = arith.muli %mul3A_251, %mul3A_252 : i32
        %dma_wait3A_254 = tpu.memref_slice %arg8[%mul3A_253] : memref<10240xi32, #tpu.memory_space<vmem>> -> memref<128xi32, #tpu.memory_space<vmem>>
        %dma_wait3A_255 = arith.constant 0 : i32
        %dma_wait3A_256 = arith.constant 0 : i32
        %dma_wait3A_257 = tpu.memref_slice %arg4[%dma_wait3A_255, %dma_wait3A_256] : memref<10000x64xf32, #tpu.memory_space<hbm>> -> memref<10000x64xf32, #tpu.memory_space<hbm>>
        tpu.wait_indirect_dma semaphore(%arg22 : memref<!tpu.dma_semaphore, #tpu.memory_space<semaphore_mem>>) src(%dma_wait3A_257 : memref<10000x64xf32, #tpu.memory_space<hbm>>) dst(%arg13 : memref<128x64xf32, #tpu.memory_space<vmem>>)
        %mul3A_258 = arith.constant 1 : i32
        %mul3A_259 = arith.muli %add3A_144, %mul3A_258 : i32
        %mul3A_260 = arith.constant 128 : i32
        %mul3A_261 = arith.muli %mul3A_259, %mul3A_260 : i32
        %dma_start3A_262 = tpu.memref_slice %arg9[%mul3A_261] : memref<10240xi32, #tpu.memory_space<vmem>> -> memref<128xi32, #tpu.memory_space<vmem>>
        %dma_start3A_263 = arith.constant 0 : i32
        %dma_start3A_264 = arith.constant 0 : i32
        %dma_start3A_265 = tpu.memref_slice %arg18[%dma_start3A_263, %dma_start3A_264] : memref<10016x64xf32, #tpu.memory_space<vmem_shared>> -> memref<10016x64xf32, #tpu.memory_space<vmem_shared>>
        tpu.enqueue_indirect_dma source(%arg13 : memref<128x64xf32, #tpu.memory_space<vmem>>) target(%dma_start3A_265 : memref<10016x64xf32, #tpu.memory_space<vmem_shared>>) offsets(%dma_start3A_262 : memref<128xi32, #tpu.memory_space<vmem>>) semaphore(%arg30 : memref<!tpu.dma_semaphore, #tpu.memory_space<semaphore_mem>>) {add = true}
      } else {
      }
      %add3A_150 = arith.constant 4 : i32
      %add3A_151 = arith.addi %mul3A_122, %add3A_150 : i32
      %lt3A_152 = arith.constant 80 : i32
      %lt3A_153 = arith.cmpi slt, %add3A_151, %lt3A_152 : i32
      %convert_element_type3A_154 = arith.extui %lt3A_153 : i1 to i32
      %cond3A_155 = arith.constant 0 : i32
      %cond3A_156 = arith.cmpi ne, %convert_element_type3A_154, %cond3A_155 : i32
      scf.if %cond3A_156 {
        %mul3A_250 = arith.constant 1 : i32
        %mul3A_251 = arith.muli %add3A_151, %mul3A_250 : i32
        %mul3A_252 = arith.constant 128 : i32
        %mul3A_253 = arith.muli %mul3A_251, %mul3A_252 : i32
        %dma_wait3A_254 = tpu.memref_slice %arg8[%mul3A_253] : memref<10240xi32, #tpu.memory_space<vmem>> -> memref<128xi32, #tpu.memory_space<vmem>>
        %dma_wait3A_255 = arith.constant 0 : i32
        %dma_wait3A_256 = arith.constant 0 : i32
        %dma_wait3A_257 = tpu.memref_slice %arg4[%dma_wait3A_255, %dma_wait3A_256] : memref<10000x64xf32, #tpu.memory_space<hbm>> -> memref<10000x64xf32, #tpu.memory_space<hbm>>
        tpu.wait_indirect_dma semaphore(%arg23 : memref<!tpu.dma_semaphore, #tpu.memory_space<semaphore_mem>>) src(%dma_wait3A_257 : memref<10000x64xf32, #tpu.memory_space<hbm>>) dst(%arg14 : memref<128x64xf32, #tpu.memory_space<vmem>>)
        %mul3A_258 = arith.constant 1 : i32
        %mul3A_259 = arith.muli %add3A_151, %mul3A_258 : i32
        %mul3A_260 = arith.constant 128 : i32
        %mul3A_261 = arith.muli %mul3A_259, %mul3A_260 : i32
        %dma_start3A_262 = tpu.memref_slice %arg9[%mul3A_261] : memref<10240xi32, #tpu.memory_space<vmem>> -> memref<128xi32, #tpu.memory_space<vmem>>
        %dma_start3A_263 = arith.constant 0 : i32
        %dma_start3A_264 = arith.constant 0 : i32
        %dma_start3A_265 = tpu.memref_slice %arg18[%dma_start3A_263, %dma_start3A_264] : memref<10016x64xf32, #tpu.memory_space<vmem_shared>> -> memref<10016x64xf32, #tpu.memory_space<vmem_shared>>
        tpu.enqueue_indirect_dma source(%arg14 : memref<128x64xf32, #tpu.memory_space<vmem>>) target(%dma_start3A_265 : memref<10016x64xf32, #tpu.memory_space<vmem_shared>>) offsets(%dma_start3A_262 : memref<128xi32, #tpu.memory_space<vmem>>) semaphore(%arg31 : memref<!tpu.dma_semaphore, #tpu.memory_space<semaphore_mem>>) {add = true}
      } else {
      }
      %add3A_157 = arith.constant 5 : i32
      %add3A_158 = arith.addi %mul3A_122, %add3A_157 : i32
      %lt3A_159 = arith.constant 80 : i32
      %lt3A_160 = arith.cmpi slt, %add3A_158, %lt3A_159 : i32
      %convert_element_type3A_161 = arith.extui %lt3A_160 : i1 to i32
      %cond3A_162 = arith.constant 0 : i32
      %cond3A_163 = arith.cmpi ne, %convert_element_type3A_161, %cond3A_162 : i32
      scf.if %cond3A_163 {
        %mul3A_250 = arith.constant 1 : i32
        %mul3A_251 = arith.muli %add3A_158, %mul3A_250 : i32
        %mul3A_252 = arith.constant 128 : i32
        %mul3A_253 = arith.muli %mul3A_251, %mul3A_252 : i32
        %dma_wait3A_254 = tpu.memref_slice %arg8[%mul3A_253] : memref<10240xi32, #tpu.memory_space<vmem>> -> memref<128xi32, #tpu.memory_space<vmem>>
        %dma_wait3A_255 = arith.constant 0 : i32
        %dma_wait3A_256 = arith.constant 0 : i32
        %dma_wait3A_257 = tpu.memref_slice %arg4[%dma_wait3A_255, %dma_wait3A_256] : memref<10000x64xf32, #tpu.memory_space<hbm>> -> memref<10000x64xf32, #tpu.memory_space<hbm>>
        tpu.wait_indirect_dma semaphore(%arg24 : memref<!tpu.dma_semaphore, #tpu.memory_space<semaphore_mem>>) src(%dma_wait3A_257 : memref<10000x64xf32, #tpu.memory_space<hbm>>) dst(%arg15 : memref<128x64xf32, #tpu.memory_space<vmem>>)
        %mul3A_258 = arith.constant 1 : i32
        %mul3A_259 = arith.muli %add3A_158, %mul3A_258 : i32
        %mul3A_260 = arith.constant 128 : i32
        %mul3A_261 = arith.muli %mul3A_259, %mul3A_260 : i32
        %dma_start3A_262 = tpu.memref_slice %arg9[%mul3A_261] : memref<10240xi32, #tpu.memory_space<vmem>> -> memref<128xi32, #tpu.memory_space<vmem>>
        %dma_start3A_263 = arith.constant 0 : i32
        %dma_start3A_264 = arith.constant 0 : i32
        %dma_start3A_265 = tpu.memref_slice %arg18[%dma_start3A_263, %dma_start3A_264] : memref<10016x64xf32, #tpu.memory_space<vmem_shared>> -> memref<10016x64xf32, #tpu.memory_space<vmem_shared>>
        tpu.enqueue_indirect_dma source(%arg15 : memref<128x64xf32, #tpu.memory_space<vmem>>) target(%dma_start3A_265 : memref<10016x64xf32, #tpu.memory_space<vmem_shared>>) offsets(%dma_start3A_262 : memref<128xi32, #tpu.memory_space<vmem>>) semaphore(%arg32 : memref<!tpu.dma_semaphore, #tpu.memory_space<semaphore_mem>>) {add = true}
      } else {
      }
      %add3A_164 = arith.constant 6 : i32
      %add3A_165 = arith.addi %mul3A_122, %add3A_164 : i32
      %lt3A_166 = arith.constant 80 : i32
      %lt3A_167 = arith.cmpi slt, %add3A_165, %lt3A_166 : i32
      %convert_element_type3A_168 = arith.extui %lt3A_167 : i1 to i32
      %cond3A_169 = arith.constant 0 : i32
      %cond3A_170 = arith.cmpi ne, %convert_element_type3A_168, %cond3A_169 : i32
      scf.if %cond3A_170 {
        %mul3A_250 = arith.constant 1 : i32
        %mul3A_251 = arith.muli %add3A_165, %mul3A_250 : i32
        %mul3A_252 = arith.constant 128 : i32
        %mul3A_253 = arith.muli %mul3A_251, %mul3A_252 : i32
        %dma_wait3A_254 = tpu.memref_slice %arg8[%mul3A_253] : memref<10240xi32, #tpu.memory_space<vmem>> -> memref<128xi32, #tpu.memory_space<vmem>>
        %dma_wait3A_255 = arith.constant 0 : i32
        %dma_wait3A_256 = arith.constant 0 : i32
        %dma_wait3A_257 = tpu.memref_slice %arg4[%dma_wait3A_255, %dma_wait3A_256] : memref<10000x64xf32, #tpu.memory_space<hbm>> -> memref<10000x64xf32, #tpu.memory_space<hbm>>
        tpu.wait_indirect_dma semaphore(%arg25 : memref<!tpu.dma_semaphore, #tpu.memory_space<semaphore_mem>>) src(%dma_wait3A_257 : memref<10000x64xf32, #tpu.memory_space<hbm>>) dst(%arg16 : memref<128x64xf32, #tpu.memory_space<vmem>>)
        %mul3A_258 = arith.constant 1 : i32
        %mul3A_259 = arith.muli %add3A_165, %mul3A_258 : i32
        %mul3A_260 = arith.constant 128 : i32
        %mul3A_261 = arith.muli %mul3A_259, %mul3A_260 : i32
        %dma_start3A_262 = tpu.memref_slice %arg9[%mul3A_261] : memref<10240xi32, #tpu.memory_space<vmem>> -> memref<128xi32, #tpu.memory_space<vmem>>
        %dma_start3A_263 = arith.constant 0 : i32
        %dma_start3A_264 = arith.constant 0 : i32
        %dma_start3A_265 = tpu.memref_slice %arg18[%dma_start3A_263, %dma_start3A_264] : memref<10016x64xf32, #tpu.memory_space<vmem_shared>> -> memref<10016x64xf32, #tpu.memory_space<vmem_shared>>
        tpu.enqueue_indirect_dma source(%arg16 : memref<128x64xf32, #tpu.memory_space<vmem>>) target(%dma_start3A_265 : memref<10016x64xf32, #tpu.memory_space<vmem_shared>>) offsets(%dma_start3A_262 : memref<128xi32, #tpu.memory_space<vmem>>) semaphore(%arg33 : memref<!tpu.dma_semaphore, #tpu.memory_space<semaphore_mem>>) {add = true}
      } else {
      }
      %add3A_171 = arith.constant 7 : i32
      %add3A_172 = arith.addi %mul3A_122, %add3A_171 : i32
      %lt3A_173 = arith.constant 80 : i32
      %lt3A_174 = arith.cmpi slt, %add3A_172, %lt3A_173 : i32
      %convert_element_type3A_175 = arith.extui %lt3A_174 : i1 to i32
      %cond3A_176 = arith.constant 0 : i32
      %cond3A_177 = arith.cmpi ne, %convert_element_type3A_175, %cond3A_176 : i32
      scf.if %cond3A_177 {
        %mul3A_250 = arith.constant 1 : i32
        %mul3A_251 = arith.muli %add3A_172, %mul3A_250 : i32
        %mul3A_252 = arith.constant 128 : i32
        %mul3A_253 = arith.muli %mul3A_251, %mul3A_252 : i32
        %dma_wait3A_254 = tpu.memref_slice %arg8[%mul3A_253] : memref<10240xi32, #tpu.memory_space<vmem>> -> memref<128xi32, #tpu.memory_space<vmem>>
        %dma_wait3A_255 = arith.constant 0 : i32
        %dma_wait3A_256 = arith.constant 0 : i32
        %dma_wait3A_257 = tpu.memref_slice %arg4[%dma_wait3A_255, %dma_wait3A_256] : memref<10000x64xf32, #tpu.memory_space<hbm>> -> memref<10000x64xf32, #tpu.memory_space<hbm>>
        tpu.wait_indirect_dma semaphore(%arg26 : memref<!tpu.dma_semaphore, #tpu.memory_space<semaphore_mem>>) src(%dma_wait3A_257 : memref<10000x64xf32, #tpu.memory_space<hbm>>) dst(%arg17 : memref<128x64xf32, #tpu.memory_space<vmem>>)
        %mul3A_258 = arith.constant 1 : i32
        %mul3A_259 = arith.muli %add3A_172, %mul3A_258 : i32
        %mul3A_260 = arith.constant 128 : i32
        %mul3A_261 = arith.muli %mul3A_259, %mul3A_260 : i32
        %dma_start3A_262 = tpu.memref_slice %arg9[%mul3A_261] : memref<10240xi32, #tpu.memory_space<vmem>> -> memref<128xi32, #tpu.memory_space<vmem>>
        %dma_start3A_263 = arith.constant 0 : i32
        %dma_start3A_264 = arith.constant 0 : i32
        %dma_start3A_265 = tpu.memref_slice %arg18[%dma_start3A_263, %dma_start3A_264] : memref<10016x64xf32, #tpu.memory_space<vmem_shared>> -> memref<10016x64xf32, #tpu.memory_space<vmem_shared>>
        tpu.enqueue_indirect_dma source(%arg17 : memref<128x64xf32, #tpu.memory_space<vmem>>) target(%dma_start3A_265 : memref<10016x64xf32, #tpu.memory_space<vmem_shared>>) offsets(%dma_start3A_262 : memref<128xi32, #tpu.memory_space<vmem>>) semaphore(%arg34 : memref<!tpu.dma_semaphore, #tpu.memory_space<semaphore_mem>>) {add = true}
      } else {
      }
      %add3A_178 = arith.constant 0 : i32
      %add3A_179 = arith.addi %mul3A_122, %add3A_178 : i32
      %add3A_180 = arith.constant 8 : i32
      %add3A_181 = arith.addi %add3A_179, %add3A_180 : i32
      %lt3A_182 = arith.constant 80 : i32
      %lt3A_183 = arith.cmpi slt, %add3A_181, %lt3A_182 : i32
      %convert_element_type3A_184 = arith.extui %lt3A_183 : i1 to i32
      %cond3A_185 = arith.constant 0 : i32
      %cond3A_186 = arith.cmpi ne, %convert_element_type3A_184, %cond3A_185 : i32
      scf.if %cond3A_186 {
        %dma_wait3A_250 = arith.constant 0 : i32
        %dma_wait3A_251 = tpu.memref_slice %arg9[%dma_wait3A_250] : memref<10240xi32, #tpu.memory_space<vmem>> -> memref<128xi32, #tpu.memory_space<vmem>>
        %dma_wait3A_252 = arith.constant 0 : i32
        %dma_wait3A_253 = arith.constant 0 : i32
        %dma_wait3A_254 = tpu.memref_slice %arg18[%dma_wait3A_252, %dma_wait3A_253] : memref<10016x64xf32, #tpu.memory_space<vmem_shared>> -> memref<10016x64xf32, #tpu.memory_space<vmem_shared>>
        tpu.wait_indirect_dma semaphore(%arg27 : memref<!tpu.dma_semaphore, #tpu.memory_space<semaphore_mem>>) src(%arg10 : memref<128x64xf32, #tpu.memory_space<vmem>>) dst(%dma_wait3A_254 : memref<10016x64xf32, #tpu.memory_space<vmem_shared>>)
        %add3A_255 = arith.constant 8 : i32
        %add3A_256 = arith.addi %add3A_179, %add3A_255 : i32
        %mul3A_257 = arith.constant 1 : i32
        %mul3A_258 = arith.muli %add3A_256, %mul3A_257 : i32
        %mul3A_259 = arith.constant 128 : i32
        %mul3A_260 = arith.muli %mul3A_258, %mul3A_259 : i32
        %dma_start3A_261 = tpu.memref_slice %arg8[%mul3A_260] : memref<10240xi32, #tpu.memory_space<vmem>> -> memref<128xi32, #tpu.memory_space<vmem>>
        %dma_start3A_262 = arith.constant 0 : i32
        %dma_start3A_263 = arith.constant 0 : i32
        %dma_start3A_264 = tpu.memref_slice %arg4[%dma_start3A_262, %dma_start3A_263] : memref<10000x64xf32, #tpu.memory_space<hbm>> -> memref<10000x64xf32, #tpu.memory_space<hbm>>
        tpu.enqueue_indirect_dma source(%dma_start3A_264 : memref<10000x64xf32, #tpu.memory_space<hbm>>) target(%arg10 : memref<128x64xf32, #tpu.memory_space<vmem>>) offsets(%dma_start3A_261 : memref<128xi32, #tpu.memory_space<vmem>>) semaphore(%arg19 : memref<!tpu.dma_semaphore, #tpu.memory_space<semaphore_mem>>)
      } else {
      }
      %add3A_187 = arith.constant 1 : i32
      %add3A_188 = arith.addi %mul3A_122, %add3A_187 : i32
      %add3A_189 = arith.constant 8 : i32
      %add3A_190 = arith.addi %add3A_188, %add3A_189 : i32
      %lt3A_191 = arith.constant 80 : i32
      %lt3A_192 = arith.cmpi slt, %add3A_190, %lt3A_191 : i32
      %convert_element_type3A_193 = arith.extui %lt3A_192 : i1 to i32
      %cond3A_194 = arith.constant 0 : i32
      %cond3A_195 = arith.cmpi ne, %convert_element_type3A_193, %cond3A_194 : i32
      scf.if %cond3A_195 {
        %dma_wait3A_250 = arith.constant 0 : i32
        %dma_wait3A_251 = tpu.memref_slice %arg9[%dma_wait3A_250] : memref<10240xi32, #tpu.memory_space<vmem>> -> memref<128xi32, #tpu.memory_space<vmem>>
        %dma_wait3A_252 = arith.constant 0 : i32
        %dma_wait3A_253 = arith.constant 0 : i32
        %dma_wait3A_254 = tpu.memref_slice %arg18[%dma_wait3A_252, %dma_wait3A_253] : memref<10016x64xf32, #tpu.memory_space<vmem_shared>> -> memref<10016x64xf32, #tpu.memory_space<vmem_shared>>
        tpu.wait_indirect_dma semaphore(%arg28 : memref<!tpu.dma_semaphore, #tpu.memory_space<semaphore_mem>>) src(%arg11 : memref<128x64xf32, #tpu.memory_space<vmem>>) dst(%dma_wait3A_254 : memref<10016x64xf32, #tpu.memory_space<vmem_shared>>)
        %add3A_255 = arith.constant 8 : i32
        %add3A_256 = arith.addi %add3A_188, %add3A_255 : i32
        %mul3A_257 = arith.constant 1 : i32
        %mul3A_258 = arith.muli %add3A_256, %mul3A_257 : i32
        %mul3A_259 = arith.constant 128 : i32
        %mul3A_260 = arith.muli %mul3A_258, %mul3A_259 : i32
        %dma_start3A_261 = tpu.memref_slice %arg8[%mul3A_260] : memref<10240xi32, #tpu.memory_space<vmem>> -> memref<128xi32, #tpu.memory_space<vmem>>
        %dma_start3A_262 = arith.constant 0 : i32
        %dma_start3A_263 = arith.constant 0 : i32
        %dma_start3A_264 = tpu.memref_slice %arg4[%dma_start3A_262, %dma_start3A_263] : memref<10000x64xf32, #tpu.memory_space<hbm>> -> memref<10000x64xf32, #tpu.memory_space<hbm>>
        tpu.enqueue_indirect_dma source(%dma_start3A_264 : memref<10000x64xf32, #tpu.memory_space<hbm>>) target(%arg11 : memref<128x64xf32, #tpu.memory_space<vmem>>) offsets(%dma_start3A_261 : memref<128xi32, #tpu.memory_space<vmem>>) semaphore(%arg20 : memref<!tpu.dma_semaphore, #tpu.memory_space<semaphore_mem>>)
      } else {
      }
      %add3A_196 = arith.constant 2 : i32
      %add3A_197 = arith.addi %mul3A_122, %add3A_196 : i32
      %add3A_198 = arith.constant 8 : i32
      %add3A_199 = arith.addi %add3A_197, %add3A_198 : i32
      %lt3A_200 = arith.constant 80 : i32
      %lt3A_201 = arith.cmpi slt, %add3A_199, %lt3A_200 : i32
      %convert_element_type3A_202 = arith.extui %lt3A_201 : i1 to i32
      %cond3A_203 = arith.constant 0 : i32
      %cond3A_204 = arith.cmpi ne, %convert_element_type3A_202, %cond3A_203 : i32
      scf.if %cond3A_204 {
        %dma_wait3A_250 = arith.constant 0 : i32
        %dma_wait3A_251 = tpu.memref_slice %arg9[%dma_wait3A_250] : memref<10240xi32, #tpu.memory_space<vmem>> -> memref<128xi32, #tpu.memory_space<vmem>>
        %dma_wait3A_252 = arith.constant 0 : i32
        %dma_wait3A_253 = arith.constant 0 : i32
        %dma_wait3A_254 = tpu.memref_slice %arg18[%dma_wait3A_252, %dma_wait3A_253] : memref<10016x64xf32, #tpu.memory_space<vmem_shared>> -> memref<10016x64xf32, #tpu.memory_space<vmem_shared>>
        tpu.wait_indirect_dma semaphore(%arg29 : memref<!tpu.dma_semaphore, #tpu.memory_space<semaphore_mem>>) src(%arg12 : memref<128x64xf32, #tpu.memory_space<vmem>>) dst(%dma_wait3A_254 : memref<10016x64xf32, #tpu.memory_space<vmem_shared>>)
        %add3A_255 = arith.constant 8 : i32
        %add3A_256 = arith.addi %add3A_197, %add3A_255 : i32
        %mul3A_257 = arith.constant 1 : i32
        %mul3A_258 = arith.muli %add3A_256, %mul3A_257 : i32
        %mul3A_259 = arith.constant 128 : i32
        %mul3A_260 = arith.muli %mul3A_258, %mul3A_259 : i32
        %dma_start3A_261 = tpu.memref_slice %arg8[%mul3A_260] : memref<10240xi32, #tpu.memory_space<vmem>> -> memref<128xi32, #tpu.memory_space<vmem>>
        %dma_start3A_262 = arith.constant 0 : i32
        %dma_start3A_263 = arith.constant 0 : i32
        %dma_start3A_264 = tpu.memref_slice %arg4[%dma_start3A_262, %dma_start3A_263] : memref<10000x64xf32, #tpu.memory_space<hbm>> -> memref<10000x64xf32, #tpu.memory_space<hbm>>
        tpu.enqueue_indirect_dma source(%dma_start3A_264 : memref<10000x64xf32, #tpu.memory_space<hbm>>) target(%arg12 : memref<128x64xf32, #tpu.memory_space<vmem>>) offsets(%dma_start3A_261 : memref<128xi32, #tpu.memory_space<vmem>>) semaphore(%arg21 : memref<!tpu.dma_semaphore, #tpu.memory_space<semaphore_mem>>)
      } else {
      }
      %add3A_205 = arith.constant 3 : i32
      %add3A_206 = arith.addi %mul3A_122, %add3A_205 : i32
      %add3A_207 = arith.constant 8 : i32
      %add3A_208 = arith.addi %add3A_206, %add3A_207 : i32
      %lt3A_209 = arith.constant 80 : i32
      %lt3A_210 = arith.cmpi slt, %add3A_208, %lt3A_209 : i32
      %convert_element_type3A_211 = arith.extui %lt3A_210 : i1 to i32
      %cond3A_212 = arith.constant 0 : i32
      %cond3A_213 = arith.cmpi ne, %convert_element_type3A_211, %cond3A_212 : i32
      scf.if %cond3A_213 {
        %dma_wait3A_250 = arith.constant 0 : i32
        %dma_wait3A_251 = tpu.memref_slice %arg9[%dma_wait3A_250] : memref<10240xi32, #tpu.memory_space<vmem>> -> memref<128xi32, #tpu.memory_space<vmem>>
        %dma_wait3A_252 = arith.constant 0 : i32
        %dma_wait3A_253 = arith.constant 0 : i32
        %dma_wait3A_254 = tpu.memref_slice %arg18[%dma_wait3A_252, %dma_wait3A_253] : memref<10016x64xf32, #tpu.memory_space<vmem_shared>> -> memref<10016x64xf32, #tpu.memory_space<vmem_shared>>
        tpu.wait_indirect_dma semaphore(%arg30 : memref<!tpu.dma_semaphore, #tpu.memory_space<semaphore_mem>>) src(%arg13 : memref<128x64xf32, #tpu.memory_space<vmem>>) dst(%dma_wait3A_254 : memref<10016x64xf32, #tpu.memory_space<vmem_shared>>)
        %add3A_255 = arith.constant 8 : i32
        %add3A_256 = arith.addi %add3A_206, %add3A_255 : i32
        %mul3A_257 = arith.constant 1 : i32
        %mul3A_258 = arith.muli %add3A_256, %mul3A_257 : i32
        %mul3A_259 = arith.constant 128 : i32
        %mul3A_260 = arith.muli %mul3A_258, %mul3A_259 : i32
        %dma_start3A_261 = tpu.memref_slice %arg8[%mul3A_260] : memref<10240xi32, #tpu.memory_space<vmem>> -> memref<128xi32, #tpu.memory_space<vmem>>
        %dma_start3A_262 = arith.constant 0 : i32
        %dma_start3A_263 = arith.constant 0 : i32
        %dma_start3A_264 = tpu.memref_slice %arg4[%dma_start3A_262, %dma_start3A_263] : memref<10000x64xf32, #tpu.memory_space<hbm>> -> memref<10000x64xf32, #tpu.memory_space<hbm>>
        tpu.enqueue_indirect_dma source(%dma_start3A_264 : memref<10000x64xf32, #tpu.memory_space<hbm>>) target(%arg13 : memref<128x64xf32, #tpu.memory_space<vmem>>) offsets(%dma_start3A_261 : memref<128xi32, #tpu.memory_space<vmem>>) semaphore(%arg22 : memref<!tpu.dma_semaphore, #tpu.memory_space<semaphore_mem>>)
      } else {
      }
      %add3A_214 = arith.constant 4 : i32
      %add3A_215 = arith.addi %mul3A_122, %add3A_214 : i32
      %add3A_216 = arith.constant 8 : i32
      %add3A_217 = arith.addi %add3A_215, %add3A_216 : i32
      %lt3A_218 = arith.constant 80 : i32
      %lt3A_219 = arith.cmpi slt, %add3A_217, %lt3A_218 : i32
      %convert_element_type3A_220 = arith.extui %lt3A_219 : i1 to i32
      %cond3A_221 = arith.constant 0 : i32
      %cond3A_222 = arith.cmpi ne, %convert_element_type3A_220, %cond3A_221 : i32
      scf.if %cond3A_222 {
        %dma_wait3A_250 = arith.constant 0 : i32
        %dma_wait3A_251 = tpu.memref_slice %arg9[%dma_wait3A_250] : memref<10240xi32, #tpu.memory_space<vmem>> -> memref<128xi32, #tpu.memory_space<vmem>>
        %dma_wait3A_252 = arith.constant 0 : i32
        %dma_wait3A_253 = arith.constant 0 : i32
        %dma_wait3A_254 = tpu.memref_slice %arg18[%dma_wait3A_252, %dma_wait3A_253] : memref<10016x64xf32, #tpu.memory_space<vmem_shared>> -> memref<10016x64xf32, #tpu.memory_space<vmem_shared>>
        tpu.wait_indirect_dma semaphore(%arg31 : memref<!tpu.dma_semaphore, #tpu.memory_space<semaphore_mem>>) src(%arg14 : memref<128x64xf32, #tpu.memory_space<vmem>>) dst(%dma_wait3A_254 : memref<10016x64xf32, #tpu.memory_space<vmem_shared>>)
        %add3A_255 = arith.constant 8 : i32
        %add3A_256 = arith.addi %add3A_215, %add3A_255 : i32
        %mul3A_257 = arith.constant 1 : i32
        %mul3A_258 = arith.muli %add3A_256, %mul3A_257 : i32
        %mul3A_259 = arith.constant 128 : i32
        %mul3A_260 = arith.muli %mul3A_258, %mul3A_259 : i32
        %dma_start3A_261 = tpu.memref_slice %arg8[%mul3A_260] : memref<10240xi32, #tpu.memory_space<vmem>> -> memref<128xi32, #tpu.memory_space<vmem>>
        %dma_start3A_262 = arith.constant 0 : i32
        %dma_start3A_263 = arith.constant 0 : i32
        %dma_start3A_264 = tpu.memref_slice %arg4[%dma_start3A_262, %dma_start3A_263] : memref<10000x64xf32, #tpu.memory_space<hbm>> -> memref<10000x64xf32, #tpu.memory_space<hbm>>
        tpu.enqueue_indirect_dma source(%dma_start3A_264 : memref<10000x64xf32, #tpu.memory_space<hbm>>) target(%arg14 : memref<128x64xf32, #tpu.memory_space<vmem>>) offsets(%dma_start3A_261 : memref<128xi32, #tpu.memory_space<vmem>>) semaphore(%arg23 : memref<!tpu.dma_semaphore, #tpu.memory_space<semaphore_mem>>)
      } else {
      }
      %add3A_223 = arith.constant 5 : i32
      %add3A_224 = arith.addi %mul3A_122, %add3A_223 : i32
      %add3A_225 = arith.constant 8 : i32
      %add3A_226 = arith.addi %add3A_224, %add3A_225 : i32
      %lt3A_227 = arith.constant 80 : i32
      %lt3A_228 = arith.cmpi slt, %add3A_226, %lt3A_227 : i32
      %convert_element_type3A_229 = arith.extui %lt3A_228 : i1 to i32
      %cond3A_230 = arith.constant 0 : i32
      %cond3A_231 = arith.cmpi ne, %convert_element_type3A_229, %cond3A_230 : i32
      scf.if %cond3A_231 {
        %dma_wait3A_250 = arith.constant 0 : i32
        %dma_wait3A_251 = tpu.memref_slice %arg9[%dma_wait3A_250] : memref<10240xi32, #tpu.memory_space<vmem>> -> memref<128xi32, #tpu.memory_space<vmem>>
        %dma_wait3A_252 = arith.constant 0 : i32
        %dma_wait3A_253 = arith.constant 0 : i32
        %dma_wait3A_254 = tpu.memref_slice %arg18[%dma_wait3A_252, %dma_wait3A_253] : memref<10016x64xf32, #tpu.memory_space<vmem_shared>> -> memref<10016x64xf32, #tpu.memory_space<vmem_shared>>
        tpu.wait_indirect_dma semaphore(%arg32 : memref<!tpu.dma_semaphore, #tpu.memory_space<semaphore_mem>>) src(%arg15 : memref<128x64xf32, #tpu.memory_space<vmem>>) dst(%dma_wait3A_254 : memref<10016x64xf32, #tpu.memory_space<vmem_shared>>)
        %add3A_255 = arith.constant 8 : i32
        %add3A_256 = arith.addi %add3A_224, %add3A_255 : i32
        %mul3A_257 = arith.constant 1 : i32
        %mul3A_258 = arith.muli %add3A_256, %mul3A_257 : i32
        %mul3A_259 = arith.constant 128 : i32
        %mul3A_260 = arith.muli %mul3A_258, %mul3A_259 : i32
        %dma_start3A_261 = tpu.memref_slice %arg8[%mul3A_260] : memref<10240xi32, #tpu.memory_space<vmem>> -> memref<128xi32, #tpu.memory_space<vmem>>
        %dma_start3A_262 = arith.constant 0 : i32
        %dma_start3A_263 = arith.constant 0 : i32
        %dma_start3A_264 = tpu.memref_slice %arg4[%dma_start3A_262, %dma_start3A_263] : memref<10000x64xf32, #tpu.memory_space<hbm>> -> memref<10000x64xf32, #tpu.memory_space<hbm>>
        tpu.enqueue_indirect_dma source(%dma_start3A_264 : memref<10000x64xf32, #tpu.memory_space<hbm>>) target(%arg15 : memref<128x64xf32, #tpu.memory_space<vmem>>) offsets(%dma_start3A_261 : memref<128xi32, #tpu.memory_space<vmem>>) semaphore(%arg24 : memref<!tpu.dma_semaphore, #tpu.memory_space<semaphore_mem>>)
      } else {
      }
      %add3A_232 = arith.constant 6 : i32
      %add3A_233 = arith.addi %mul3A_122, %add3A_232 : i32
      %add3A_234 = arith.constant 8 : i32
      %add3A_235 = arith.addi %add3A_233, %add3A_234 : i32
      %lt3A_236 = arith.constant 80 : i32
      %lt3A_237 = arith.cmpi slt, %add3A_235, %lt3A_236 : i32
      %convert_element_type3A_238 = arith.extui %lt3A_237 : i1 to i32
      %cond3A_239 = arith.constant 0 : i32
      %cond3A_240 = arith.cmpi ne, %convert_element_type3A_238, %cond3A_239 : i32
      scf.if %cond3A_240 {
        %dma_wait3A_250 = arith.constant 0 : i32
        %dma_wait3A_251 = tpu.memref_slice %arg9[%dma_wait3A_250] : memref<10240xi32, #tpu.memory_space<vmem>> -> memref<128xi32, #tpu.memory_space<vmem>>
        %dma_wait3A_252 = arith.constant 0 : i32
        %dma_wait3A_253 = arith.constant 0 : i32
        %dma_wait3A_254 = tpu.memref_slice %arg18[%dma_wait3A_252, %dma_wait3A_253] : memref<10016x64xf32, #tpu.memory_space<vmem_shared>> -> memref<10016x64xf32, #tpu.memory_space<vmem_shared>>
        tpu.wait_indirect_dma semaphore(%arg33 : memref<!tpu.dma_semaphore, #tpu.memory_space<semaphore_mem>>) src(%arg16 : memref<128x64xf32, #tpu.memory_space<vmem>>) dst(%dma_wait3A_254 : memref<10016x64xf32, #tpu.memory_space<vmem_shared>>)
        %add3A_255 = arith.constant 8 : i32
        %add3A_256 = arith.addi %add3A_233, %add3A_255 : i32
        %mul3A_257 = arith.constant 1 : i32
        %mul3A_258 = arith.muli %add3A_256, %mul3A_257 : i32
        %mul3A_259 = arith.constant 128 : i32
        %mul3A_260 = arith.muli %mul3A_258, %mul3A_259 : i32
        %dma_start3A_261 = tpu.memref_slice %arg8[%mul3A_260] : memref<10240xi32, #tpu.memory_space<vmem>> -> memref<128xi32, #tpu.memory_space<vmem>>
        %dma_start3A_262 = arith.constant 0 : i32
        %dma_start3A_263 = arith.constant 0 : i32
        %dma_start3A_264 = tpu.memref_slice %arg4[%dma_start3A_262, %dma_start3A_263] : memref<10000x64xf32, #tpu.memory_space<hbm>> -> memref<10000x64xf32, #tpu.memory_space<hbm>>
        tpu.enqueue_indirect_dma source(%dma_start3A_264 : memref<10000x64xf32, #tpu.memory_space<hbm>>) target(%arg16 : memref<128x64xf32, #tpu.memory_space<vmem>>) offsets(%dma_start3A_261 : memref<128xi32, #tpu.memory_space<vmem>>) semaphore(%arg25 : memref<!tpu.dma_semaphore, #tpu.memory_space<semaphore_mem>>)
      } else {
      }
      %add3A_241 = arith.constant 7 : i32
      %add3A_242 = arith.addi %mul3A_122, %add3A_241 : i32
      %add3A_243 = arith.constant 8 : i32
      %add3A_244 = arith.addi %add3A_242, %add3A_243 : i32
      %lt3A_245 = arith.constant 80 : i32
      %lt3A_246 = arith.cmpi slt, %add3A_244, %lt3A_245 : i32
      %convert_element_type3A_247 = arith.extui %lt3A_246 : i1 to i32
      %cond3A_248 = arith.constant 0 : i32
      %cond3A_249 = arith.cmpi ne, %convert_element_type3A_247, %cond3A_248 : i32
      scf.if %cond3A_249 {
        %dma_wait3A_250 = arith.constant 0 : i32
        %dma_wait3A_251 = tpu.memref_slice %arg9[%dma_wait3A_250] : memref<10240xi32, #tpu.memory_space<vmem>> -> memref<128xi32, #tpu.memory_space<vmem>>
        %dma_wait3A_252 = arith.constant 0 : i32
        %dma_wait3A_253 = arith.constant 0 : i32
        %dma_wait3A_254 = tpu.memref_slice %arg18[%dma_wait3A_252, %dma_wait3A_253] : memref<10016x64xf32, #tpu.memory_space<vmem_shared>> -> memref<10016x64xf32, #tpu.memory_space<vmem_shared>>
        tpu.wait_indirect_dma semaphore(%arg34 : memref<!tpu.dma_semaphore, #tpu.memory_space<semaphore_mem>>) src(%arg17 : memref<128x64xf32, #tpu.memory_space<vmem>>) dst(%dma_wait3A_254 : memref<10016x64xf32, #tpu.memory_space<vmem_shared>>)
        %add3A_255 = arith.constant 8 : i32
        %add3A_256 = arith.addi %add3A_242, %add3A_255 : i32
        %mul3A_257 = arith.constant 1 : i32
        %mul3A_258 = arith.muli %add3A_256, %mul3A_257 : i32
        %mul3A_259 = arith.constant 128 : i32
        %mul3A_260 = arith.muli %mul3A_258, %mul3A_259 : i32
        %dma_start3A_261 = tpu.memref_slice %arg8[%mul3A_260] : memref<10240xi32, #tpu.memory_space<vmem>> -> memref<128xi32, #tpu.memory_space<vmem>>
        %dma_start3A_262 = arith.constant 0 : i32
        %dma_start3A_263 = arith.constant 0 : i32
        %dma_start3A_264 = tpu.memref_slice %arg4[%dma_start3A_262, %dma_start3A_263] : memref<10000x64xf32, #tpu.memory_space<hbm>> -> memref<10000x64xf32, #tpu.memory_space<hbm>>
        tpu.enqueue_indirect_dma source(%dma_start3A_264 : memref<10000x64xf32, #tpu.memory_space<hbm>>) target(%arg17 : memref<128x64xf32, #tpu.memory_space<vmem>>) offsets(%dma_start3A_261 : memref<128xi32, #tpu.memory_space<vmem>>) semaphore(%arg26 : memref<!tpu.dma_semaphore, #tpu.memory_space<semaphore_mem>>)
      } else {
      }
    }
    %scan3A_71 = arith.constant 10 : i32
    %dma_wait3A_72 = arith.constant 0 : i32
    %dma_wait3A_73 = tpu.memref_slice %arg9[%dma_wait3A_72] : memref<10240xi32, #tpu.memory_space<vmem>> -> memref<128xi32, #tpu.memory_space<vmem>>
    %dma_wait3A_74 = arith.constant 0 : i32
    %dma_wait3A_75 = arith.constant 0 : i32
    %dma_wait3A_76 = tpu.memref_slice %arg18[%dma_wait3A_74, %dma_wait3A_75] : memref<10016x64xf32, #tpu.memory_space<vmem_shared>> -> memref<10016x64xf32, #tpu.memory_space<vmem_shared>>
    tpu.wait_indirect_dma semaphore(%arg27 : memref<!tpu.dma_semaphore, #tpu.memory_space<semaphore_mem>>) src(%arg10 : memref<128x64xf32, #tpu.memory_space<vmem>>) dst(%dma_wait3A_76 : memref<10016x64xf32, #tpu.memory_space<vmem_shared>>)
    %dma_wait3A_77 = arith.constant 0 : i32
    %dma_wait3A_78 = tpu.memref_slice %arg9[%dma_wait3A_77] : memref<10240xi32, #tpu.memory_space<vmem>> -> memref<128xi32, #tpu.memory_space<vmem>>
    %dma_wait3A_79 = arith.constant 0 : i32
    %dma_wait3A_80 = arith.constant 0 : i32
    %dma_wait3A_81 = tpu.memref_slice %arg18[%dma_wait3A_79, %dma_wait3A_80] : memref<10016x64xf32, #tpu.memory_space<vmem_shared>> -> memref<10016x64xf32, #tpu.memory_space<vmem_shared>>
    tpu.wait_indirect_dma semaphore(%arg28 : memref<!tpu.dma_semaphore, #tpu.memory_space<semaphore_mem>>) src(%arg11 : memref<128x64xf32, #tpu.memory_space<vmem>>) dst(%dma_wait3A_81 : memref<10016x64xf32, #tpu.memory_space<vmem_shared>>)
    %dma_wait3A_82 = arith.constant 0 : i32
    %dma_wait3A_83 = tpu.memref_slice %arg9[%dma_wait3A_82] : memref<10240xi32, #tpu.memory_space<vmem>> -> memref<128xi32, #tpu.memory_space<vmem>>
    %dma_wait3A_84 = arith.constant 0 : i32
    %dma_wait3A_85 = arith.constant 0 : i32
    %dma_wait3A_86 = tpu.memref_slice %arg18[%dma_wait3A_84, %dma_wait3A_85] : memref<10016x64xf32, #tpu.memory_space<vmem_shared>> -> memref<10016x64xf32, #tpu.memory_space<vmem_shared>>
    tpu.wait_indirect_dma semaphore(%arg29 : memref<!tpu.dma_semaphore, #tpu.memory_space<semaphore_mem>>) src(%arg12 : memref<128x64xf32, #tpu.memory_space<vmem>>) dst(%dma_wait3A_86 : memref<10016x64xf32, #tpu.memory_space<vmem_shared>>)
    %dma_wait3A_87 = arith.constant 0 : i32
    %dma_wait3A_88 = tpu.memref_slice %arg9[%dma_wait3A_87] : memref<10240xi32, #tpu.memory_space<vmem>> -> memref<128xi32, #tpu.memory_space<vmem>>
    %dma_wait3A_89 = arith.constant 0 : i32
    %dma_wait3A_90 = arith.constant 0 : i32
    %dma_wait3A_91 = tpu.memref_slice %arg18[%dma_wait3A_89, %dma_wait3A_90] : memref<10016x64xf32, #tpu.memory_space<vmem_shared>> -> memref<10016x64xf32, #tpu.memory_space<vmem_shared>>
    tpu.wait_indirect_dma semaphore(%arg30 : memref<!tpu.dma_semaphore, #tpu.memory_space<semaphore_mem>>) src(%arg13 : memref<128x64xf32, #tpu.memory_space<vmem>>) dst(%dma_wait3A_91 : memref<10016x64xf32, #tpu.memory_space<vmem_shared>>)
    %dma_wait3A_92 = arith.constant 0 : i32
    %dma_wait3A_93 = tpu.memref_slice %arg9[%dma_wait3A_92] : memref<10240xi32, #tpu.memory_space<vmem>> -> memref<128xi32, #tpu.memory_space<vmem>>
    %dma_wait3A_94 = arith.constant 0 : i32
    %dma_wait3A_95 = arith.constant 0 : i32
    %dma_wait3A_96 = tpu.memref_slice %arg18[%dma_wait3A_94, %dma_wait3A_95] : memref<10016x64xf32, #tpu.memory_space<vmem_shared>> -> memref<10016x64xf32, #tpu.memory_space<vmem_shared>>
    tpu.wait_indirect_dma semaphore(%arg31 : memref<!tpu.dma_semaphore, #tpu.memory_space<semaphore_mem>>) src(%arg14 : memref<128x64xf32, #tpu.memory_space<vmem>>) dst(%dma_wait3A_96 : memref<10016x64xf32, #tpu.memory_space<vmem_shared>>)
    %dma_wait3A_97 = arith.constant 0 : i32
    %dma_wait3A_98 = tpu.memref_slice %arg9[%dma_wait3A_97] : memref<10240xi32, #tpu.memory_space<vmem>> -> memref<128xi32, #tpu.memory_space<vmem>>
    %dma_wait3A_99 = arith.constant 0 : i32
    %dma_wait3A_100 = arith.constant 0 : i32
    %dma_wait3A_101 = tpu.memref_slice %arg18[%dma_wait3A_99, %dma_wait3A_100] : memref<10016x64xf32, #tpu.memory_space<vmem_shared>> -> memref<10016x64xf32, #tpu.memory_space<vmem_shared>>
    tpu.wait_indirect_dma semaphore(%arg32 : memref<!tpu.dma_semaphore, #tpu.memory_space<semaphore_mem>>) src(%arg15 : memref<128x64xf32, #tpu.memory_space<vmem>>) dst(%dma_wait3A_101 : memref<10016x64xf32, #tpu.memory_space<vmem_shared>>)
    %dma_wait3A_102 = arith.constant 0 : i32
    %dma_wait3A_103 = tpu.memref_slice %arg9[%dma_wait3A_102] : memref<10240xi32, #tpu.memory_space<vmem>> -> memref<128xi32, #tpu.memory_space<vmem>>
    %dma_wait3A_104 = arith.constant 0 : i32
    %dma_wait3A_105 = arith.constant 0 : i32
    %dma_wait3A_106 = tpu.memref_slice %arg18[%dma_wait3A_104, %dma_wait3A_105] : memref<10016x64xf32, #tpu.memory_space<vmem_shared>> -> memref<10016x64xf32, #tpu.memory_space<vmem_shared>>
    tpu.wait_indirect_dma semaphore(%arg33 : memref<!tpu.dma_semaphore, #tpu.memory_space<semaphore_mem>>) src(%arg16 : memref<128x64xf32, #tpu.memory_space<vmem>>) dst(%dma_wait3A_106 : memref<10016x64xf32, #tpu.memory_space<vmem_shared>>)
    %dma_wait3A_107 = arith.constant 0 : i32
    %dma_wait3A_108 = tpu.memref_slice %arg9[%dma_wait3A_107] : memref<10240xi32, #tpu.memory_space<vmem>> -> memref<128xi32, #tpu.memory_space<vmem>>
    %dma_wait3A_109 = arith.constant 0 : i32
    %dma_wait3A_110 = arith.constant 0 : i32
    %dma_wait3A_111 = tpu.memref_slice %arg18[%dma_wait3A_109, %dma_wait3A_110] : memref<10016x64xf32, #tpu.memory_space<vmem_shared>> -> memref<10016x64xf32, #tpu.memory_space<vmem_shared>>
    tpu.wait_indirect_dma semaphore(%arg34 : memref<!tpu.dma_semaphore, #tpu.memory_space<semaphore_mem>>) src(%arg17 : memref<128x64xf32, #tpu.memory_space<vmem>>) dst(%dma_wait3A_111 : memref<10016x64xf32, #tpu.memory_space<vmem_shared>>)
    %barrier3A_112 = arith.constant 0 : index
    tpu.barrier barrier_id(%barrier3A_112)
    %eq3A = arith.constant 0 : i32
    %eq3A_113 = arith.cmpi eq, %arg0, %eq3A : i32
    %convert_element_type3A = arith.extui %eq3A_113 : i1 to i32
    %cond3A = arith.constant 0 : i32
    %cond3A_114 = arith.cmpi ne, %convert_element_type3A, %cond3A : i32
    scf.if %cond3A_114 {
      %mul3A_120 = arith.constant 626 : i32
      %mul3A_121 = arith.muli %arg1, %mul3A_120 : i32
      %mul3A_122 = arith.constant 626 : i32
      %mul3A_123 = arith.muli %arg1, %mul3A_122 : i32
      "tpu.region"() ({
        %run_scoped3A = tpu.sem_alloc : memref<!tpu.dma_semaphore, #tpu.memory_space<semaphore_mem>>
        %dma_start3A_124 = arith.constant 0 : i32
        %dma_start3A_125 = tpu.memref_slice %arg6[%mul3A_123, %dma_start3A_124] : memref<10016x64xf32, #tpu.memory_space<hbm>> -> memref<626x64xf32, #tpu.memory_space<hbm>>
        %dma_start3A_126 = arith.constant 0 : i32
        %dma_start3A_127 = tpu.memref_slice %arg18[%mul3A_121, %dma_start3A_126] : memref<10016x64xf32, #tpu.memory_space<vmem_shared>> -> memref<626x64xf32, #tpu.memory_space<vmem_shared>>
        tpu.enqueue_dma source(%dma_start3A_127 : memref<626x64xf32, #tpu.memory_space<vmem_shared>>) target(%dma_start3A_125 : memref<626x64xf32, #tpu.memory_space<hbm>>) target_semaphore(%run_scoped3A : memref<!tpu.dma_semaphore, #tpu.memory_space<semaphore_mem>>)
        %dma_wait3A_128 = arith.constant 0 : i32
        %dma_wait3A_129 = tpu.memref_slice %arg6[%mul3A_123, %dma_wait3A_128] : memref<10016x64xf32, #tpu.memory_space<hbm>> -> memref<626x64xf32, #tpu.memory_space<hbm>>
        %dma_wait3A_130 = arith.constant 0 : i32
        %dma_wait3A_131 = tpu.memref_slice %arg18[%mul3A_121, %dma_wait3A_130] : memref<10016x64xf32, #tpu.memory_space<vmem_shared>> -> memref<626x64xf32, #tpu.memory_space<vmem_shared>>
        tpu.wait_dma2 semaphore(%run_scoped3A : memref<!tpu.dma_semaphore, #tpu.memory_space<semaphore_mem>>) src(%dma_wait3A_131 : memref<626x64xf32, #tpu.memory_space<vmem_shared>>) dst(%dma_wait3A_129 : memref<626x64xf32, #tpu.memory_space<hbm>>)
        tpu.yield
      }) : () -> ()
    } else {
    }
    %eq3A_115 = arith.constant 1 : i32
    %eq3A_116 = arith.cmpi eq, %arg0, %eq3A_115 : i32
    %convert_element_type3A_117 = arith.extui %eq3A_116 : i1 to i32
    %cond3A_118 = arith.constant 0 : i32
    %cond3A_119 = arith.cmpi ne, %convert_element_type3A_117, %cond3A_118 : i32
    scf.if %cond3A_119 {
      %mul3A_120 = arith.constant 626 : i32
      %mul3A_121 = arith.muli %arg1, %mul3A_120 : i32
      %mul3A_122 = arith.constant 626 : i32
      %mul3A_123 = arith.muli %arg1, %mul3A_122 : i32
      "tpu.region"() ({
        %run_scoped3A = tpu.sem_alloc : memref<!tpu.dma_semaphore, #tpu.memory_space<semaphore_mem>>
        %dma_start3A_124 = arith.constant 0 : i32
        %dma_start3A_125 = tpu.memref_slice %arg7[%mul3A_123, %dma_start3A_124] : memref<10016x64xf32, #tpu.memory_space<hbm>> -> memref<626x64xf32, #tpu.memory_space<hbm>>
        %dma_start3A_126 = arith.constant 0 : i32
        %dma_start3A_127 = tpu.memref_slice %arg18[%mul3A_121, %dma_start3A_126] : memref<10016x64xf32, #tpu.memory_space<vmem_shared>> -> memref<626x64xf32, #tpu.memory_space<vmem_shared>>
        tpu.enqueue_dma source(%dma_start3A_127 : memref<626x64xf32, #tpu.memory_space<vmem_shared>>) target(%dma_start3A_125 : memref<626x64xf32, #tpu.memory_space<hbm>>) target_semaphore(%run_scoped3A : memref<!tpu.dma_semaphore, #tpu.memory_space<semaphore_mem>>)
        %dma_wait3A_128 = arith.constant 0 : i32
        %dma_wait3A_129 = tpu.memref_slice %arg7[%mul3A_123, %dma_wait3A_128] : memref<10016x64xf32, #tpu.memory_space<hbm>> -> memref<626x64xf32, #tpu.memory_space<hbm>>
        %dma_wait3A_130 = arith.constant 0 : i32
        %dma_wait3A_131 = tpu.memref_slice %arg18[%mul3A_121, %dma_wait3A_130] : memref<10016x64xf32, #tpu.memory_space<vmem_shared>> -> memref<626x64xf32, #tpu.memory_space<vmem_shared>>
        tpu.wait_dma2 semaphore(%run_scoped3A : memref<!tpu.dma_semaphore, #tpu.memory_space<semaphore_mem>>) src(%dma_wait3A_131 : memref<626x64xf32, #tpu.memory_space<vmem_shared>>) dst(%dma_wait3A_129 : memref<626x64xf32, #tpu.memory_space<hbm>>)
        tpu.yield
      }) : () -> ()
    } else {
    }
    return
  }
}

module attributes {stable_mosaic.version = 14 : i64} {
  func.func @_tc_b_body(%arg0: i32, %arg1: memref<400x128xf32, #tpu.memory_space<vmem>>, %arg2: memref<400x8xf32, #tpu.memory_space<vmem>>, %arg3: memref<400x8xf32, #tpu.memory_space<vmem>>, %arg4: memref<128x64xf32, #tpu.memory_space<vmem>>, %arg5: memref<400x64xf32, #tpu.memory_space<vmem>>, %arg6: memref<400x64xf32, #tpu.memory_space<vmem>>, %arg7: memref<400x1xf32, #tpu.memory_space<vmem>>) attributes {dimension_semantics = [#tpu.dimension_semantics<arbitrary>], iteration_bounds = array<i64: 25>, scalar_prefetch = 0 : i64, scratch_operands = 0 : i64, tpu.core_type = #tpu.core_type<tc>, window_params = [{transform_indices = @transform_0, window_bounds = array<i64: 400, 128>}, {transform_indices = @transform_1, window_bounds = array<i64: 400, 8>}, {transform_indices = @transform_2, window_bounds = array<i64: 400, 8>}, {pipeline_mode = #tpu.pipeline_mode<synchronous>, transform_indices = @transform_3, window_bounds = array<i64: 128, 64>}, {transform_indices = @transform_4, window_bounds = array<i64: 400, 64>}, {transform_indices = @transform_5, window_bounds = array<i64: 400, 64>}, {transform_indices = @transform_6, window_bounds = array<i64: 400, 1>}]} {
    %get3A = arith.constant 0 : index
    %get3A_0 = arith.constant 0 : index
    %get3A_1 = vector.load %arg2[%get3A, %get3A_0] : memref<400x8xf32, #tpu.memory_space<vmem>>, vector<400x1xf32>
    %get3A_2 = arith.constant 0 : index
    %get3A_3 = arith.constant 0 : index
    %get3A_4 = vector.load %arg3[%get3A_2, %get3A_3] : memref<400x8xf32, #tpu.memory_space<vmem>>, vector<400x1xf32>
    %add3A = arith.addf %get3A_1, %get3A_4 : vector<400x1xf32>
    %add3A_5 = arith.constant 1.000000e+00 : f32
    %add3A_6 = vector.broadcast %add3A_5 : f32 to vector<400x1xf32>
    %add3A_7 = arith.addf %add3A, %add3A_6 : vector<400x1xf32>
    %rsqrt3A = math.rsqrt %add3A_7 : vector<400x1xf32>
    %get3A_8 = arith.constant 0 : index
    %get3A_9 = arith.constant 0 : index
    %get3A_10 = vector.load %arg1[%get3A_8, %get3A_9] : memref<400x128xf32, #tpu.memory_space<vmem>>, vector<400x128xf32>
    %get3A_11 = arith.constant 0 : index
    %get3A_12 = arith.constant 0 : index
    %get3A_13 = vector.load %arg4[%get3A_11, %get3A_12] : memref<128x64xf32, #tpu.memory_space<vmem>>, vector<128x64xf32>
    %dot_general3A = arith.constant dense<0.000000e+00> : vector<400x64xf32>
    %dot_general3A_14 = tpu.matmul %get3A_10, %get3A_13, %dot_general3A {dimension_numbers = #tpu.dot_dimension_numbers<[1], [0], [0], [1], [0, 0, 1, 1], [], []>, transpose_lhs_hint = false} : vector<400x128xf32>, vector<128x64xf32>, vector<400x64xf32> -> vector<400x64xf32>
    %swap3A = arith.constant 0 : index
    %swap3A_15 = arith.constant 0 : index
    %swap3A_16 = vector.load %arg5[%swap3A, %swap3A_15] : memref<400x64xf32, #tpu.memory_space<vmem>>, vector<400x64xf32>
    tpu.vector_store %arg5[%swap3A, %swap3A_15], %dot_general3A_14 {strides = array<i32>} : memref<400x64xf32, #tpu.memory_space<vmem>>, vector<400x64xf32>,
    %mul3A = vector.broadcast %rsqrt3A : vector<400x1xf32> to vector<400x64xf32>
    %mul3A_17 = arith.mulf %dot_general3A_14, %mul3A : vector<400x64xf32>
    %swap3A_18 = arith.constant 0 : index
    %swap3A_19 = arith.constant 0 : index
    %swap3A_20 = vector.load %arg6[%swap3A_18, %swap3A_19] : memref<400x64xf32, #tpu.memory_space<vmem>>, vector<400x64xf32>
    tpu.vector_store %arg6[%swap3A_18, %swap3A_19], %mul3A_17 {strides = array<i32>} : memref<400x64xf32, #tpu.memory_space<vmem>>, vector<400x64xf32>,
    %swap3A_21 = arith.constant 0 : index
    %swap3A_22 = arith.constant 0 : index
    %swap3A_23 = vector.load %arg7[%swap3A_21, %swap3A_22] : memref<400x1xf32, #tpu.memory_space<vmem>>, vector<400x1xf32>
    tpu.vector_store %arg7[%swap3A_21, %swap3A_22], %rsqrt3A {strides = array<i32>} : memref<400x1xf32, #tpu.memory_space<vmem>>, vector<400x1xf32>,
    return
  }
  func.func @transform_0(%arg0: i32) -> (i32, i32) {
    %c0_i32 = arith.constant 0 : i32
    %c0_i32_0 = arith.constant 0 : i32
    return %arg0, %c0_i32 : i32, i32
  }
  func.func @transform_1(%arg0: i32) -> (i32, i32) {
    %c0_i32 = arith.constant 0 : i32
    %c0_i32_0 = arith.constant 0 : i32
    return %arg0, %c0_i32 : i32, i32
  }
  func.func @transform_2(%arg0: i32) -> (i32, i32) {
    %c0_i32 = arith.constant 0 : i32
    %c0_i32_0 = arith.constant 0 : i32
    return %arg0, %c0_i32 : i32, i32
  }
  func.func @transform_3(%arg0: i32) -> (i32, i32) {
    %c0_i32 = arith.constant 0 : i32
    %c0_i32_0 = arith.constant 0 : i32
    %c0_i32_1 = arith.constant 0 : i32
    return %c0_i32, %c0_i32_0 : i32, i32
  }
  func.func @transform_4(%arg0: i32) -> (i32, i32) {
    %c0_i32 = arith.constant 0 : i32
    %c0_i32_0 = arith.constant 0 : i32
    return %arg0, %c0_i32 : i32, i32
  }
  func.func @transform_5(%arg0: i32) -> (i32, i32) {
    %c0_i32 = arith.constant 0 : i32
    %c0_i32_0 = arith.constant 0 : i32
    return %arg0, %c0_i32 : i32, i32
  }
  func.func @transform_6(%arg0: i32) -> (i32, i32) {
    %c0_i32 = arith.constant 0 : i32
    %c0_i32_0 = arith.constant 0 : i32
    return %arg0, %c0_i32 : i32, i32
  }
}

module attributes {stable_mosaic.version = 14 : i64} {
  func.func @_tc_d_body(%arg0: i32, %arg1: memref<400x64xf32, #tpu.memory_space<vmem>>, %arg2: memref<400x64xf32, #tpu.memory_space<vmem>>, %arg3: memref<400x64xf32, #tpu.memory_space<vmem>>, %arg4: memref<400x1xf32, #tpu.memory_space<vmem>>, %arg5: memref<1x64xf32, #tpu.memory_space<vmem>>, %arg6: memref<64x64xf32, #tpu.memory_space<vmem>>, %arg7: memref<400x64xf32, #tpu.memory_space<vmem>>, %arg8: memref<400x64xf32, #tpu.memory_space<vmem>>) attributes {dimension_semantics = [#tpu.dimension_semantics<arbitrary>], iteration_bounds = array<i64: 25>, scalar_prefetch = 0 : i64, scratch_operands = 0 : i64, tpu.core_type = #tpu.core_type<tc>, window_params = [{transform_indices = @transform_0, window_bounds = array<i64: 400, 64>}, {transform_indices = @transform_1, window_bounds = array<i64: 400, 64>}, {transform_indices = @transform_2, window_bounds = array<i64: 400, 64>}, {transform_indices = @transform_3, window_bounds = array<i64: 400, 1>}, {pipeline_mode = #tpu.pipeline_mode<synchronous>, transform_indices = @transform_4, window_bounds = array<i64: 1, 64>}, {pipeline_mode = #tpu.pipeline_mode<synchronous>, transform_indices = @transform_5, window_bounds = array<i64: 64, 64>}, {transform_indices = @transform_6, window_bounds = array<i64: 400, 64>}, {transform_indices = @transform_7, window_bounds = array<i64: 400, 64>}]} {
    %get3A = arith.constant 0 : index
    %get3A_0 = arith.constant 0 : index
    %get3A_1 = vector.load %arg4[%get3A, %get3A_0] : memref<400x1xf32, #tpu.memory_space<vmem>>, vector<400x1xf32>
    %get3A_2 = arith.constant 0 : index
    %get3A_3 = arith.constant 0 : index
    %get3A_4 = vector.load %arg1[%get3A_2, %get3A_3] : memref<400x64xf32, #tpu.memory_space<vmem>>, vector<400x64xf32>
    %get3A_5 = arith.constant 0 : index
    %get3A_6 = arith.constant 0 : index
    %get3A_7 = vector.load %arg2[%get3A_5, %get3A_6] : memref<400x64xf32, #tpu.memory_space<vmem>>, vector<400x64xf32>
    %add3A = arith.addf %get3A_4, %get3A_7 : vector<400x64xf32>
    %mul3A = vector.broadcast %get3A_1 : vector<400x1xf32> to vector<400x64xf32>
    %mul3A_8 = arith.mulf %mul3A, %add3A : vector<400x64xf32>
    %mul3A_9 = arith.mulf %get3A_1, %get3A_1 : vector<400x1xf32>
    %get3A_10 = arith.constant 0 : index
    %get3A_11 = arith.constant 0 : index
    %get3A_12 = vector.load %arg3[%get3A_10, %get3A_11] : memref<400x64xf32, #tpu.memory_space<vmem>>, vector<400x64xf32>
    %mul3A_13 = vector.broadcast %mul3A_9 : vector<400x1xf32> to vector<400x64xf32>
    %mul3A_14 = arith.mulf %mul3A_13, %get3A_12 : vector<400x64xf32>
    %add3A_15 = arith.addf %mul3A_8, %mul3A_14 : vector<400x64xf32>
    %get3A_16 = arith.constant 0 : index
    %get3A_17 = arith.constant 0 : index
    %get3A_18 = vector.load %arg5[%get3A_16, %get3A_17] : memref<1x64xf32, #tpu.memory_space<vmem>>, vector<1x64xf32>
    %add3A_19 = vector.broadcast %get3A_18 : vector<1x64xf32> to vector<400x64xf32>
    %add3A_20 = arith.addf %add3A_15, %add3A_19 : vector<400x64xf32>
    %max3A = arith.constant 0.000000e+00 : f32
    %max3A_21 = vector.broadcast %max3A : f32 to vector<400x64xf32>
    %max3A_22 = arith.maximumf %add3A_20, %max3A_21 : vector<400x64xf32>
    %get3A_23 = arith.constant 0 : index
    %get3A_24 = arith.constant 0 : index
    %get3A_25 = vector.load %arg6[%get3A_23, %get3A_24] : memref<64x64xf32, #tpu.memory_space<vmem>>, vector<64x64xf32>
    %dot_general3A = arith.constant dense<0.000000e+00> : vector<400x64xf32>
    %dot_general3A_26 = tpu.matmul %max3A_22, %get3A_25, %dot_general3A {dimension_numbers = #tpu.dot_dimension_numbers<[1], [0], [0], [1], [0, 0, 1, 1], [], []>, transpose_lhs_hint = false} : vector<400x64xf32>, vector<64x64xf32>, vector<400x64xf32> -> vector<400x64xf32>
    %swap3A = arith.constant 0 : index
    %swap3A_27 = arith.constant 0 : index
    %swap3A_28 = vector.load %arg7[%swap3A, %swap3A_27] : memref<400x64xf32, #tpu.memory_space<vmem>>, vector<400x64xf32>
    tpu.vector_store %arg7[%swap3A, %swap3A_27], %dot_general3A_26 {strides = array<i32>} : memref<400x64xf32, #tpu.memory_space<vmem>>, vector<400x64xf32>,
    %mul3A_29 = vector.broadcast %get3A_1 : vector<400x1xf32> to vector<400x64xf32>
    %mul3A_30 = arith.mulf %dot_general3A_26, %mul3A_29 : vector<400x64xf32>
    %swap3A_31 = arith.constant 0 : index
    %swap3A_32 = arith.constant 0 : index
    %swap3A_33 = vector.load %arg8[%swap3A_31, %swap3A_32] : memref<400x64xf32, #tpu.memory_space<vmem>>, vector<400x64xf32>
    tpu.vector_store %arg8[%swap3A_31, %swap3A_32], %mul3A_30 {strides = array<i32>} : memref<400x64xf32, #tpu.memory_space<vmem>>, vector<400x64xf32>,
    return
  }
  func.func @transform_0(%arg0: i32) -> (i32, i32) {
    %c0_i32 = arith.constant 0 : i32
    %c0_i32_0 = arith.constant 0 : i32
    return %arg0, %c0_i32 : i32, i32
  }
  func.func @transform_1(%arg0: i32) -> (i32, i32) {
    %c0_i32 = arith.constant 0 : i32
    %c0_i32_0 = arith.constant 0 : i32
    return %arg0, %c0_i32 : i32, i32
  }
  func.func @transform_2(%arg0: i32) -> (i32, i32) {
    %c0_i32 = arith.constant 0 : i32
    %c0_i32_0 = arith.constant 0 : i32
    return %arg0, %c0_i32 : i32, i32
  }
  func.func @transform_3(%arg0: i32) -> (i32, i32) {
    %c0_i32 = arith.constant 0 : i32
    %c0_i32_0 = arith.constant 0 : i32
    return %arg0, %c0_i32 : i32, i32
  }
  func.func @transform_4(%arg0: i32) -> (i32, i32) {
    %c0_i32 = arith.constant 0 : i32
    %c0_i32_0 = arith.constant 0 : i32
    %c0_i32_1 = arith.constant 0 : i32
    return %c0_i32, %c0_i32_0 : i32, i32
  }
  func.func @transform_5(%arg0: i32) -> (i32, i32) {
    %c0_i32 = arith.constant 0 : i32
    %c0_i32_0 = arith.constant 0 : i32
    %c0_i32_1 = arith.constant 0 : i32
    return %c0_i32, %c0_i32_0 : i32, i32
  }
  func.func @transform_6(%arg0: i32) -> (i32, i32) {
    %c0_i32 = arith.constant 0 : i32
    %c0_i32_0 = arith.constant 0 : i32
    return %arg0, %c0_i32 : i32, i32
  }
  func.func @transform_7(%arg0: i32) -> (i32, i32) {
    %c0_i32 = arith.constant 0 : i32
    %c0_i32_0 = arith.constant 0 : i32
    return %arg0, %c0_i32 : i32, i32
  }
}

module attributes {stable_mosaic.version = 14 : i64} {
  func.func @_tc_f_body(%arg0: i32, %arg1: memref<400x64xf32, #tpu.memory_space<vmem>>, %arg2: memref<400x64xf32, #tpu.memory_space<vmem>>, %arg3: memref<400x64xf32, #tpu.memory_space<vmem>>, %arg4: memref<400x1xf32, #tpu.memory_space<vmem>>, %arg5: memref<1x64xf32, #tpu.memory_space<vmem>>, %arg6: memref<400x1xi32, #tpu.memory_space<vmem>>, %arg7: memref<64x27xf32, #tpu.memory_space<vmem>>, %arg8: memref<64x64xf32, #tpu.memory_space<vmem>>, %arg9: memref<27x64xf32, #tpu.memory_space<vmem>>, %arg10: memref<1x64xf32, #tpu.memory_space<vmem>>, %arg11: memref<64x1xf32, #tpu.memory_space<vmem>>, %arg12: memref<1x1xf32, #tpu.memory_space<vmem>>, %arg13: memref<64x1xf32, #tpu.memory_space<vmem>>, %arg14: memref<64x64xf32, #tpu.memory_space<vmem>>, %arg15: memref<64x64xf32, #tpu.memory_space<vmem>>) attributes {dimension_semantics = [#tpu.dimension_semantics<arbitrary>], iteration_bounds = array<i64: 25>, scalar_prefetch = 0 : i64, scratch_operands = 2 : i64, tpu.core_type = #tpu.core_type<tc>, window_params = [{transform_indices = @transform_0, window_bounds = array<i64: 400, 64>}, {transform_indices = @transform_1, window_bounds = array<i64: 400, 64>}, {transform_indices = @transform_2, window_bounds = array<i64: 400, 64>}, {transform_indices = @transform_3, window_bounds = array<i64: 400, 1>}, {pipeline_mode = #tpu.pipeline_mode<synchronous>, transform_indices = @transform_4, window_bounds = array<i64: 1, 64>}, {transform_indices = @transform_5, window_bounds = array<i64: 400, 1>}, {pipeline_mode = #tpu.pipeline_mode<synchronous>, transform_indices = @transform_6, window_bounds = array<i64: 64, 27>}, {pipeline_mode = #tpu.pipeline_mode<synchronous>, transform_indices = @transform_7, window_bounds = array<i64: 64, 64>}, {pipeline_mode = #tpu.pipeline_mode<synchronous>, transform_indices = @transform_8, window_bounds = array<i64: 27, 64>}, {pipeline_mode = #tpu.pipeline_mode<synchronous>, transform_indices = @transform_9, window_bounds = array<i64: 1, 64>}, {pipeline_mode = #tpu.pipeline_mode<synchronous>, transform_indices = @transform_10, window_bounds = array<i64: 64, 1>}, {pipeline_mode = #tpu.pipeline_mode<synchronous>, transform_indices = @transform_11, window_bounds = array<i64: 1, 1>}, {pipeline_mode = #tpu.pipeline_mode<synchronous>, transform_indices = @transform_12, window_bounds = array<i64: 64, 1>}]} {
    %eq3A = arith.constant 0 : i32
    %eq3A_0 = arith.cmpi eq, %arg0, %eq3A : i32
    %convert_element_type3A = arith.extui %eq3A_0 : i1 to i32
    %cond3A = arith.constant 0 : i32
    %cond3A_1 = arith.cmpi ne, %convert_element_type3A, %cond3A : i32
    scf.if %cond3A_1 {
      %broadcast_in_dim3A_54 = arith.constant 0.000000e+00 : f32
      %broadcast_in_dim3A_55 = vector.broadcast %broadcast_in_dim3A_54 : f32 to vector<64x64xf32>
      %swap3A_56 = arith.constant 0 : index
      %swap3A_57 = arith.constant 0 : index
      %swap3A_58 = vector.load %arg14[%swap3A_56, %swap3A_57] : memref<64x64xf32, #tpu.memory_space<vmem>>, vector<64x64xf32>
      tpu.vector_store %arg14[%swap3A_56, %swap3A_57], %broadcast_in_dim3A_55 {strides = array<i32>} : memref<64x64xf32, #tpu.memory_space<vmem>>, vector<64x64xf32>,
      %broadcast_in_dim3A_59 = arith.constant 0.000000e+00 : f32
      %broadcast_in_dim3A_60 = vector.broadcast %broadcast_in_dim3A_59 : f32 to vector<64x64xf32>
      %swap3A_61 = arith.constant 0 : index
      %swap3A_62 = arith.constant 0 : index
      %swap3A_63 = vector.load %arg15[%swap3A_61, %swap3A_62] : memref<64x64xf32, #tpu.memory_space<vmem>>, vector<64x64xf32>
      tpu.vector_store %arg15[%swap3A_61, %swap3A_62], %broadcast_in_dim3A_60 {strides = array<i32>} : memref<64x64xf32, #tpu.memory_space<vmem>>, vector<64x64xf32>,
    } else {
    }
    %get3A = arith.constant 0 : index
    %get3A_2 = arith.constant 0 : index
    %get3A_3 = vector.load %arg4[%get3A, %get3A_2] : memref<400x1xf32, #tpu.memory_space<vmem>>, vector<400x1xf32>
    %get3A_4 = arith.constant 0 : index
    %get3A_5 = arith.constant 0 : index
    %get3A_6 = vector.load %arg1[%get3A_4, %get3A_5] : memref<400x64xf32, #tpu.memory_space<vmem>>, vector<400x64xf32>
    %get3A_7 = arith.constant 0 : index
    %get3A_8 = arith.constant 0 : index
    %get3A_9 = vector.load %arg2[%get3A_7, %get3A_8] : memref<400x64xf32, #tpu.memory_space<vmem>>, vector<400x64xf32>
    %add3A = arith.addf %get3A_6, %get3A_9 : vector<400x64xf32>
    %mul3A = vector.broadcast %get3A_3 : vector<400x1xf32> to vector<400x64xf32>
    %mul3A_10 = arith.mulf %mul3A, %add3A : vector<400x64xf32>
    %mul3A_11 = arith.mulf %get3A_3, %get3A_3 : vector<400x1xf32>
    %get3A_12 = arith.constant 0 : index
    %get3A_13 = arith.constant 0 : index
    %get3A_14 = vector.load %arg3[%get3A_12, %get3A_13] : memref<400x64xf32, #tpu.memory_space<vmem>>, vector<400x64xf32>
    %mul3A_15 = vector.broadcast %mul3A_11 : vector<400x1xf32> to vector<400x64xf32>
    %mul3A_16 = arith.mulf %mul3A_15, %get3A_14 : vector<400x64xf32>
    %add3A_17 = arith.addf %mul3A_10, %mul3A_16 : vector<400x64xf32>
    %get3A_18 = arith.constant 0 : index
    %get3A_19 = arith.constant 0 : index
    %get3A_20 = vector.load %arg5[%get3A_18, %get3A_19] : memref<1x64xf32, #tpu.memory_space<vmem>>, vector<1x64xf32>
    %add3A_21 = vector.broadcast %get3A_20 : vector<1x64xf32> to vector<400x64xf32>
    %add3A_22 = arith.addf %add3A_17, %add3A_21 : vector<400x64xf32>
    %max3A = arith.constant 0.000000e+00 : f32
    %max3A_23 = vector.broadcast %max3A : f32 to vector<400x64xf32>
    %max3A_24 = arith.maximumf %add3A_22, %max3A_23 : vector<400x64xf32>
    %iota3A = tpu.iota {dimensions = array<i32: 1>} : vector<400x64xi32>
    %get3A_25 = arith.constant 0 : index
    %get3A_26 = arith.constant 0 : index
    %get3A_27 = vector.load %arg6[%get3A_25, %get3A_26] : memref<400x1xi32, #tpu.memory_space<vmem>>, vector<400x1xi32>
    %eq3A_28 = vector.broadcast %get3A_27 : vector<400x1xi32> to vector<400x64xi32>
    %eq3A_29 = arith.cmpi eq, %eq3A_28, %iota3A : vector<400x64xi32>
    %convert_element_type3A_30 = arith.extui %eq3A_29 : vector<400x64xi1> to vector<400x64xi32>
    %convert_element_type3A_31 = arith.sitofp %convert_element_type3A_30 : vector<400x64xi32> to vector<400x64xf32>
    %get3A_32 = arith.constant 0 : index
    %get3A_33 = arith.constant 0 : index
    %get3A_34 = vector.load %arg14[%get3A_32, %get3A_33] : memref<64x64xf32, #tpu.memory_space<vmem>>, vector<64x64xf32>
    %dot_general3A = arith.constant dense<0.000000e+00> : vector<64x64xf32>
    %dot_general3A_35 = tpu.matmul %convert_element_type3A_31, %max3A_24, %dot_general3A {dimension_numbers = #tpu.dot_dimension_numbers<[0], [0], [1], [1], [0, 1, 1, 1], [], []>, transpose_lhs_hint = false} : vector<400x64xf32>, vector<400x64xf32>, vector<64x64xf32> -> vector<64x64xf32>
    %add3A_36 = arith.addf %get3A_34, %dot_general3A_35 : vector<64x64xf32>
    %swap3A = arith.constant 0 : index
    %swap3A_37 = arith.constant 0 : index
    %swap3A_38 = vector.load %arg14[%swap3A, %swap3A_37] : memref<64x64xf32, #tpu.memory_space<vmem>>, vector<64x64xf32>
    tpu.vector_store %arg14[%swap3A, %swap3A_37], %add3A_36 {strides = array<i32>} : memref<64x64xf32, #tpu.memory_space<vmem>>, vector<64x64xf32>,
    %get3A_39 = arith.constant 0 : index
    %get3A_40 = arith.constant 0 : index
    %get3A_41 = vector.load %arg15[%get3A_39, %get3A_40] : memref<64x64xf32, #tpu.memory_space<vmem>>, vector<64x64xf32>
    %broadcast_in_dim3A = arith.constant 1.000000e+00 : f32
    %broadcast_in_dim3A_42 = vector.broadcast %broadcast_in_dim3A : f32 to vector<400x64xf32>
    %dot_general3A_43 = arith.constant dense<0.000000e+00> : vector<64x64xf32>
    %dot_general3A_44 = tpu.matmul %convert_element_type3A_31, %broadcast_in_dim3A_42, %dot_general3A_43 {dimension_numbers = #tpu.dot_dimension_numbers<[0], [0], [1], [1], [0, 1, 1, 1], [], []>, transpose_lhs_hint = false} : vector<400x64xf32>, vector<400x64xf32>, vector<64x64xf32> -> vector<64x64xf32>
    %add3A_45 = arith.addf %get3A_41, %dot_general3A_44 : vector<64x64xf32>
    %swap3A_46 = arith.constant 0 : index
    %swap3A_47 = arith.constant 0 : index
    %swap3A_48 = vector.load %arg15[%swap3A_46, %swap3A_47] : memref<64x64xf32, #tpu.memory_space<vmem>>, vector<64x64xf32>
    tpu.vector_store %arg15[%swap3A_46, %swap3A_47], %add3A_45 {strides = array<i32>} : memref<64x64xf32, #tpu.memory_space<vmem>>, vector<64x64xf32>,
    %eq3A_49 = arith.constant 24 : i32
    %eq3A_50 = arith.cmpi eq, %arg0, %eq3A_49 : i32
    %convert_element_type3A_51 = arith.extui %eq3A_50 : i1 to i32
    %cond3A_52 = arith.constant 0 : i32
    %cond3A_53 = arith.cmpi ne, %convert_element_type3A_51, %cond3A_52 : i32
    scf.if %cond3A_53 {
      %get3A_54 = arith.constant 0 : index
      %get3A_55 = arith.constant 0 : index
      %get3A_56 = vector.load %arg14[%get3A_54, %get3A_55] : memref<64x64xf32, #tpu.memory_space<vmem>>, vector<64x64xf32>
      %get3A_57 = arith.constant 0 : index
      %get3A_58 = arith.constant 0 : index
      %get3A_59 = vector.load %arg15[%get3A_57, %get3A_58] : memref<64x64xf32, #tpu.memory_space<vmem>>, vector<64x64xf32>
      %max3A_60 = arith.constant 1.000000e+00 : f32
      %max3A_61 = vector.broadcast %max3A_60 : f32 to vector<64x64xf32>
      %max3A_62 = arith.maximumf %get3A_59, %max3A_61 : vector<64x64xf32>
      %div3A = arith.divf %get3A_56, %max3A_62 : vector<64x64xf32>
      %get3A_63 = arith.constant 0 : index
      %get3A_64 = arith.constant 0 : index
      %get3A_65 = vector.load %arg8[%get3A_63, %get3A_64] : memref<64x64xf32, #tpu.memory_space<vmem>>, vector<64x64xf32>
      %dot_general3A_66 = arith.constant dense<0.000000e+00> : vector<64x64xf32>
      %dot_general3A_67 = tpu.matmul %div3A, %get3A_65, %dot_general3A_66 {dimension_numbers = #tpu.dot_dimension_numbers<[1], [0], [0], [1], [0, 0, 1, 1], [], []>, transpose_lhs_hint = false} : vector<64x64xf32>, vector<64x64xf32>, vector<64x64xf32> -> vector<64x64xf32>
      %get3A_68 = arith.constant 0 : index
      %get3A_69 = arith.constant 0 : index
      %get3A_70 = vector.load %arg7[%get3A_68, %get3A_69] : memref<64x27xf32, #tpu.memory_space<vmem>>, vector<64x27xf32>
      %get3A_71 = arith.constant 0 : index
      %get3A_72 = arith.constant 0 : index
      %get3A_73 = vector.load %arg9[%get3A_71, %get3A_72] : memref<27x64xf32, #tpu.memory_space<vmem>>, vector<27x64xf32>
      %dot_general3A_74 = arith.constant dense<0.000000e+00> : vector<64x64xf32>
      %dot_general3A_75 = tpu.matmul %get3A_70, %get3A_73, %dot_general3A_74 {dimension_numbers = #tpu.dot_dimension_numbers<[1], [0], [0], [1], [0, 0, 1, 1], [], []>, transpose_lhs_hint = false} : vector<64x27xf32>, vector<27x64xf32>, vector<64x64xf32> -> vector<64x64xf32>
      %add3A_76 = arith.addf %dot_general3A_67, %dot_general3A_75 : vector<64x64xf32>
      %get3A_77 = arith.constant 0 : index
      %get3A_78 = arith.constant 0 : index
      %get3A_79 = vector.load %arg10[%get3A_77, %get3A_78] : memref<1x64xf32, #tpu.memory_space<vmem>>, vector<1x64xf32>
      %add3A_80 = vector.broadcast %get3A_79 : vector<1x64xf32> to vector<64x64xf32>
      %add3A_81 = arith.addf %add3A_76, %add3A_80 : vector<64x64xf32>
      %max3A_82 = arith.constant 0.000000e+00 : f32
      %max3A_83 = vector.broadcast %max3A_82 : f32 to vector<64x64xf32>
      %max3A_84 = arith.maximumf %add3A_81, %max3A_83 : vector<64x64xf32>
      %get3A_85 = arith.constant 0 : index
      %get3A_86 = arith.constant 0 : index
      %get3A_87 = vector.load %arg11[%get3A_85, %get3A_86] : memref<64x1xf32, #tpu.memory_space<vmem>>, vector<64x1xf32>
      %dot_general3A_88 = arith.constant dense<0.000000e+00> : vector<64x1xf32>
      %dot_general3A_89 = tpu.matmul %max3A_84, %get3A_87, %dot_general3A_88 {dimension_numbers = #tpu.dot_dimension_numbers<[1], [0], [0], [1], [0, 0, 1, 1], [], []>, transpose_lhs_hint = false} : vector<64x64xf32>, vector<64x1xf32>, vector<64x1xf32> -> vector<64x1xf32>
      %get3A_90 = arith.constant 0 : index
      %get3A_91 = arith.constant 0 : index
      %get3A_92 = vector.load %arg12[%get3A_90, %get3A_91] : memref<1x1xf32, #tpu.memory_space<vmem>>, vector<1x1xf32>
      %add3A_93 = vector.broadcast %get3A_92 : vector<1x1xf32> to vector<64x1xf32>
      %add3A_94 = arith.addf %dot_general3A_89, %add3A_93 : vector<64x1xf32>
      %swap3A_95 = arith.constant 0 : index
      %swap3A_96 = arith.constant 0 : index
      %swap3A_97 = vector.load %arg13[%swap3A_95, %swap3A_96] : memref<64x1xf32, #tpu.memory_space<vmem>>, vector<64x1xf32>
      tpu.vector_store %arg13[%swap3A_95, %swap3A_96], %add3A_94 {strides = array<i32>} : memref<64x1xf32, #tpu.memory_space<vmem>>, vector<64x1xf32>,
    } else {
    }
    return
  }
  func.func @transform_0(%arg0: i32) -> (i32, i32) {
    %c0_i32 = arith.constant 0 : i32
    %c0_i32_0 = arith.constant 0 : i32
    return %arg0, %c0_i32 : i32, i32
  }
  func.func @transform_1(%arg0: i32) -> (i32, i32) {
    %c0_i32 = arith.constant 0 : i32
    %c0_i32_0 = arith.constant 0 : i32
    return %arg0, %c0_i32 : i32, i32
  }
  func.func @transform_2(%arg0: i32) -> (i32, i32) {
    %c0_i32 = arith.constant 0 : i32
    %c0_i32_0 = arith.constant 0 : i32
    return %arg0, %c0_i32 : i32, i32
  }
  func.func @transform_3(%arg0: i32) -> (i32, i32) {
    %c0_i32 = arith.constant 0 : i32
    %c0_i32_0 = arith.constant 0 : i32
    return %arg0, %c0_i32 : i32, i32
  }
  func.func @transform_4(%arg0: i32) -> (i32, i32) {
    %c0_i32 = arith.constant 0 : i32
    %c0_i32_0 = arith.constant 0 : i32
    %c0_i32_1 = arith.constant 0 : i32
    return %c0_i32, %c0_i32_0 : i32, i32
  }
  func.func @transform_5(%arg0: i32) -> (i32, i32) {
    %c0_i32 = arith.constant 0 : i32
    %c0_i32_0 = arith.constant 0 : i32
    return %arg0, %c0_i32 : i32, i32
  }
  func.func @transform_6(%arg0: i32) -> (i32, i32) {
    %c0_i32 = arith.constant 0 : i32
    %c0_i32_0 = arith.constant 0 : i32
    %c0_i32_1 = arith.constant 0 : i32
    return %c0_i32, %c0_i32_0 : i32, i32
  }
  func.func @transform_7(%arg0: i32) -> (i32, i32) {
    %c0_i32 = arith.constant 0 : i32
    %c0_i32_0 = arith.constant 0 : i32
    %c0_i32_1 = arith.constant 0 : i32
    return %c0_i32, %c0_i32_0 : i32, i32
  }
  func.func @transform_8(%arg0: i32) -> (i32, i32) {
    %c0_i32 = arith.constant 0 : i32
    %c0_i32_0 = arith.constant 0 : i32
    %c0_i32_1 = arith.constant 0 : i32
    return %c0_i32, %c0_i32_0 : i32, i32
  }
  func.func @transform_9(%arg0: i32) -> (i32, i32) {
    %c0_i32 = arith.constant 0 : i32
    %c0_i32_0 = arith.constant 0 : i32
    %c0_i32_1 = arith.constant 0 : i32
    return %c0_i32, %c0_i32_0 : i32, i32
  }
  func.func @transform_10(%arg0: i32) -> (i32, i32) {
    %c0_i32 = arith.constant 0 : i32
    %c0_i32_0 = arith.constant 0 : i32
    %c0_i32_1 = arith.constant 0 : i32
    return %c0_i32, %c0_i32_0 : i32, i32
  }
  func.func @transform_11(%arg0: i32) -> (i32, i32) {
    %c0_i32 = arith.constant 0 : i32
    %c0_i32_0 = arith.constant 0 : i32
    %c0_i32_1 = arith.constant 0 : i32
    return %c0_i32, %c0_i32_0 : i32, i32
  }
  func.func @transform_12(%arg0: i32) -> (i32, i32) {
    %c0_i32 = arith.constant 0 : i32
    %c0_i32_0 = arith.constant 0 : i32
    %c0_i32_1 = arith.constant 0 : i32
    return %c0_i32, %c0_i32_0 : i32, i32
  }
}

</mosaic_0001>

<sc_bundles>
// kernel: kernel.11.cloned.1.call-start
scs
__scs_entry_jumppad:
0x0: {  	(pc) =	sbr.rel $0x88, $3  }
0x1: {  	(tag) =	ssettag $0x0;
	lr =	simm.s32 $0x1  }
0x2: {  	[smem:$0x3F95] =	sst lr;
	_ =	strace $0xD0000000  }
0x3: {  	_ = 	snop  }
0x4: {  	_ = 	snop  }
0x5: {  	_ = 	snop  }
0x6: {  	_ = 	snop  }
0x7: {  	_ = 	snop  }
__scs_overlays_trampoline_lowered:
0x8: {  	[smem:$0x3FA4] =	sst s0  }
0x9: {  	[smem:$0x3FA5] =	sst s1  }
0xa: {  	[smem:$0x3FA6] =	sst s2  }
0xb: {  	[smem:$0x3FA7] =	sst s3  }
0xc: {  	[smem:$0x3FA8] =	sst s4  }
0xd: {  	[smem:$0x3FA9] =	sst s5  }
0xe: {  	[smem:$0x3FAA] =	sst s6  }
0xf: {  	[smem:$0x3FAB] =	sst s7  }
0x10: {  	[smem:$0x3FAC] =	sst s8  }
0x11: {  	[smem:$0x3FAD] =	sst s9;
	s0 =	simm.s32 @!p0 $0x0  }
0x12: {  	s1 =	sld [smem:$0x3F93];
	s0 =	simm.s32 @p0 $0x1  }
0x13: {  	[smem:$0x3FAE] =	sst s0;
	s0 =	simm.s32 @!p1 $0x0  }
0x14: {  	s2 =	sld [smem:$0x3F92];
	s0 =	simm.s32 @p1 $0x1  }
0x15: {  	[smem:$0x3FAF] =	sst s0;
	s0 =	simm.s32 @!p2 $0x0  }
0x16: {  	s3 =	sld [smem:$0x3FDB];
	s0 =	simm.s32 @p2 $0x1  }
0x17: {  	s4 =	simm.s32 $0x1BF5;
	[smem:$0x3FB1] =	sst s0  }
0x18: {  	s0 =	sld [smem:$0x3F94];
	_ =	swait.ge [sflag:s4], $0x0  }
0x19: {  	s7 =	sld [smem:$0x3F95]  }
0x1a: {  	s8 =	sadd.s32 $0xFFFFE003, lr  }
0x1b: {  	s9 =	sadd.s32 $0xFFFFFEF7, lr;
	s5 =	simm.s32 $0xFFFFFFFF;
	p2 =	slt.u32 s8, $0xFFFFF086  }
0x1c: {  	p1 =	slt.u32 s9, $0xF7A;
	s5 =	simm.s32 @!p2 $0x0  }
0x1d: {  	s5 =	simm.s32 @p1 $0x1;
	p0 =	seq.s32 s7, s2  }
0x1e: {  	s7 =	smul.u32 @!p0 $0xF7A, s2;
	p2 =	seq.s32 @!p0 s5, $0x0  }
0x1f: {  	s9 =	smul.u32 $0xF7A, s1;
	s8 =	simm.s32 @!p0 $0x1BF5;
	p2 =	por !p2, p0  }
0x20: {  	[sflag:s8] =	ssyncset.s32 @!p0 $0xFFFFF086;
	s6 =	sadd.s32 @!p0 s3, s7;
	s7 =	simm.s32 @!p0 $0x108  }
0x21: {  	s3 =	sadd.s32 s3, s9;
	s6 =	sadd.s32 @!p0 $0x88, s6;
	s7 =	simm.s32 @p2 $0x1082  }
0x22: {  	[simem:s7], [sflag:s8] =	dma.local @!p0 [hbm:s6], $0xF7A  }
0x23: {  	s9 =	sor.u32 $0xD0000000, s2;
	s6 =	simm.s32 $0x108;
	_ =	swait.ge @!p0 [sflag:s8], $0x0  }
0x24: {  	s3 =	sadd.s32 $0x88, s3;
	s6 =	simm.s32 @!p1 $0x1082;
	[sflag:s4] =	ssyncset.s32 $0xFFFFF086  }
0x25: {  	[simem:s6], [sflag:s4] =	dma.local [hbm:s3], $0xF7A  }
0x26: {  	[smem:$0x3F95] =	sst s1;
	(tag) =	ssettag s2;
	_ =	strace s9  }
0x27: {  	s1 =	sld [smem:$0x3FA5]  }
0x28: {  	s2 =	sld [smem:$0x3FA6]  }
0x29: {  	s4 =	sld [smem:$0x3FA8]  }
0x2a: {  	p0 =	seq.s32 s5, $0x0;
	s5 =	sld [smem:$0x3FA9]  }
0x2b: {  	s6 =	sld [smem:$0x3FAA]  }
0x2c: {  	s7 =	sld [smem:$0x3FAB]  }
0x2d: {  	s3 =	simm.s32 $0x108;
	s8 =	sld [smem:$0x3FAC]  }
0x2e: {  	s3 =	simm.s32 @!p0 $0x1082;
	s9 =	sld [smem:$0x3FAD]  }
0x2f: {  	lr =	sadd.s32 s0, s3;
	s0 =	sld [smem:$0x3FA4]  }
0x30: {  	s3 =	sld [smem:$0x3FA7]  }
0x31: {  	[smem:$0x3FB0] =	sst s10  }
0x32: {  	s10 =	sld [smem:$0x3FAE];
	_ =	sdelay $0x3  }
0x33: {  	p0 =	seq.s32 s10, $0x1;
	s10 =	sld [smem:$0x3FB0];
	_ =	sdelay $0x3  }
0x34: {  	[smem:$0x3FB0] =	sst s10  }
0x35: {  	s10 =	sld [smem:$0x3FAF];
	_ =	sdelay $0x3  }
0x36: {  	p1 =	seq.s32 s10, $0x1;
	s10 =	sld [smem:$0x3FB0];
	_ =	sdelay $0x3  }
0x37: {  	[smem:$0x3FB0] =	sst s10  }
0x38: {  	s10 =	sld [smem:$0x3FB1]  }
0x39: {  	_ = 	snop;
	(pc) =	sbr.ind lr, $3  }
0x3a: {  	_ = 	snop  }
0x3b: {  	_ = 	snop  }
0x3c: {  	p2 =	seq.s32 s10, $0x1;
	s10 =	sld [smem:$0x3FB0]  }
0x3d: {  	_ =	shalt  }
0x3e: {  	_ =	shalt  }
0x3f: {  	_ =	shalt  }
0x40: {  	_ =	shalt  }
0x41: {  	_ =	shalt  }
0x42: {  	_ =	shalt  }
0x43: {  	_ =	shalt  }
0x44: {  	_ =	shalt  }
0x45: {  	_ =	shalt  }
0x46: {  	_ =	shalt  }
0x47: {  	_ =	shalt  }
0x48: {  	_ =	shalt  }
0x49: {  	_ =	shalt  }
0x4a: {  	_ =	shalt  }
0x4b: {  	_ =	shalt  }
0x4c: {  	_ =	shalt  }
0x4d: {  	_ =	shalt  }
0x4e: {  	_ =	shalt  }
0x4f: {  	_ =	shalt  }
0x50: {  	_ =	shalt  }
0x51: {  	_ =	shalt  }
0x52: {  	_ =	shalt  }
0x53: {  	_ =	shalt  }
0x54: {  	_ =	shalt  }
0x55: {  	_ =	shalt  }
0x56: {  	_ =	shalt  }
0x57: {  	_ =	shalt  }
0x58: {  	_ =	shalt  }
0x59: {  	_ =	shalt  }
0x5a: {  	_ =	shalt  }
0x5b: {  	_ =	shalt  }
0x5c: {  	_ =	shalt  }
0x5d: {  	_ =	shalt  }
0x5e: {  	_ =	shalt  }
0x5f: {  	_ =	shalt  }
0x60: {  	_ =	shalt  }
0x61: {  	_ =	shalt  }
0x62: {  	_ =	shalt  }
0x63: {  	_ =	shalt  }
0x64: {  	_ =	shalt  }
0x65: {  	_ =	shalt  }
0x66: {  	_ =	shalt  }
0x67: {  	_ =	shalt  }
0x68: {  	_ =	shalt  }
0x69: {  	_ =	shalt  }
0x6a: {  	_ =	shalt  }
0x6b: {  	_ =	shalt  }
0x6c: {  	_ =	shalt  }
0x6d: {  	_ =	shalt  }
0x6e: {  	_ =	shalt  }
0x6f: {  	_ =	shalt  }
0x70: {  	_ =	shalt  }
0x71: {  	_ =	shalt  }
0x72: {  	_ =	shalt  }
0x73: {  	_ =	shalt  }
0x74: {  	_ =	shalt  }
0x75: {  	_ =	shalt  }
0x76: {  	_ =	shalt  }
0x77: {  	_ =	shalt  }
0x78: {  	_ =	shalt  }
0x79: {  	_ =	shalt  }
0x7a: {  	_ =	shalt  }
0x7b: {  	_ =	shalt  }
0x7c: {  	_ =	shalt  }
0x7d: {  	_ =	shalt  }
0x7e: {  	_ =	shalt  }
0x7f: {  	_ =	shalt  }
0x80: {  	_ =	shalt  }
0x81: {  	_ =	shalt  }
0x82: {  	_ =	shalt  }
0x83: {  	_ =	shalt  }
0x84: {  	_ =	shalt  }
0x85: {  	_ =	shalt  }
0x86: {  	_ =	shalt  }
0x87: {  	_ =	shalt  }
.Lfunc_end0:
.L_simem_size_0:
called_computation.1_lowered:
.L_overlay_start_0:
0x88: {  	s2 =	sld [smem:$0x3FD9]  }
0x89: {  	s3 =	sld [smem:$0x3FFE];
	_ =	sdelay $0x1  }
0x8a: {  	s1 =	srdreg.scid  }
0x8b: {  	s0 =	sand.u32 $0x1, s1  }
0x8c: {  	s16 =	sshll.u32 s0, $0xA;
	s2 =	sadd.s32 s3, s2  }
0x8d: {  	s2 =	sadd.s32 s2, s16  }
0x8e: {  	[smem:$0x3FBC] =	sst s2  }
0x8f: {  	_ = 	snop  }
0x90: {  	(tm) =	ssettm $0x1  }
0x91: {  	s17 =	sld [smem:$0x3FFB];
	_ =	sdelay $0x3  }
0x92: {  	_ =	strace s17  }
0x93: {  	s2 =	sld [smem:$0x3FFC];
	_ =	sdelay $0x3  }
0x94: {  	_ =	strace s2  }
0x95: {  	s2 =	sld [smem:$0x3FFD];
	_ =	sdelay $0x3  }
0x96: {  	_ =	strace s2  }
0x97: {  	_ =	strace $0x8FFFFFFF  }
0x98: {  	s18 =	sld [smem:$0x3FDB];
	_ =	sdelay $0x1  }
0x99: {  	s19 =	simm.s32 $_scs_section_size  }
0x9a: {  	s4 =	simm.s32 $_size__tile_overlayer_lowered;
	s5 =	simm.s32 $_tile_overlayer_lowered  }
0x9b: {  	s22 =	simm.s32 $0x1BFF;
	s21 =	sshll.u32 s5, $0x1;
	s2 =	sadd.s32 s19, s18  }
0x9c: {  	s6 =	simm.s32 $0x0;
	s20 =	sshll.u32 s4, $0x1;
	s4 =	sadd.s32 s21, s2  }
0x9d: {  	[timem:s6], [sflag:s22] =	dma.local [hbm:s4], s20  }
0x9e: {  	_ =	swait.ge [sflag:s22], s20  }
0x9f: {  	s3 =	ssub.s32 $0x0, s20;
	[sflag:s22] =	ssyncset.done $0x0  }
0xa0: {  	[sflag:s22] =	ssyncadd.s32 s3;
	_ =	sdelay $0x1  }
0xa1: {  	s23 =	simm.s32 $0x1B8B  }
0xa2: {  	_ =	swait.ge [sflag:s23], $0x1  }
0xa3: {  	[sflag:s23] =	ssyncset.done $0x0  }
0xa4: {  	s25 =	simm.s32 $0x1B8E;
	s24 =	sld [smem:$0x3FFE];
	[sflag:s23] =	ssyncadd.s32 $0xFFFFFFFF  }
0xa5: {  	s26 =	simm.s32 $execute0_lowered;
	[smem:$0x3FD2] =	sst s25  }
0xa6: {  	s4 =	sshll.u32 s26, $0x1;
	_ =	strace $0x80000049;
	[dreg:$0x1] =	wrdreg $0xFFFFFFFF  }
0xa7: {  	s28 =	simm.s32 $_size_execute0_lowered;
	s2 =	sadd.s32 s2, s4;
	[dreg:$0x0] =	wrdreg $0x0  }
0xa8: {  	s4 =	sshll.u32 s28, $0x1;
	[dreg:$0x2] =	wrdreg s2  }
0xa9: {  	[dreg:$0x3] =	wrdreg s4  }
0xaa: {  	[dreg:$0x4] =	wrdreg $0xC0  }
0xab: {  	_ =	task [dreg:s6], $0x5FFFF  }
0xac: {  	[dreg:$0x1] =	wrdreg $0xFFFFFFFF  }
0xad: {  	[dreg:$0x0] =	wrdreg $0x60  }
0xae: {  	[dreg:$0x2] =	wrdreg s24  }
0xaf: {  	[dreg:$0x3] =	wrdreg $0x150000  }
0xb0: {  	[dreg:$0x4] =	wrdreg $0x9  }
0xb1: {  	_ =	task.clear_ibuf [dreg:s6], $0x5FFFF;
	_ =	strace $0x90000049  }
0xb2: {  	s29 =	simm.s32 $0x9;
	_ =	strace $0x8000004B  }
0xb3: {  	_ =	swait.ge [sflag:s29], $0x1  }
0xb4: {  	[sflag:s29] =	ssyncadd.s32 $0xFFFFFFFF  }
0xb5: {  	_ =	strace $0x9000004B  }
0xb6: {  	_ =	sfence  }
0xb7: {  	s30 =	sld [smem:$0x0];
	_ =	sdelay $0x2  }
0xb8: {  	s31 =	sshll.u32 s1, $0xD;
	s1 =	sshrl.u32 s1, $0x2  }
0xb9: {  	s3 =	sand.u32 $0x4000, s31;
	s1 =	sadd.s32 s1, s30  }
0xba: {  	s0 =	sor.u32 s3, s0;
	s1 =	sshll.u32 s1, $0x11  }
0xbb: {  	s0 =	sor.u32 s1, s0  }
0xbc: {  	s0 =	sadd.s32 $0x8F2B, s0  }
0xbd: {  	[sflag:s0] =	ssyncadd.remote.s32 $0x1  }
0xbe: {  	_ =	sfence.sel $0xFFFF  }
0xbf: {  	[dreg:$0x0] =	wrdreg $0xFFFFFFFF;
	(pc) =	sbr.abs _section_cstart, $3  }
0xc0: {  	[dreg:$0x1] =	wrdreg $0xFFFFFFFF  }
0xc1: {  	_ =	task.clear_ibuf [dreg:s6], $0x2FFFF;
	_ =	strace $0x9FFFFFFF  }
0xc2: {  	(tm) =	ssettm $0x7FFFFFFF  }
0xc3: {  	_ =	shalt  }
tec
execute0_lowered:
.L_overlay_start_1:
0x0: {  	(tag) =	ssettag $0x1  }
0x1: {  	s0 =	srdreg.scid  }
0x2: {  	s1 =	rddreg [dreg:$0x0];
	s4 =	stileid.u32  }
0x3: {  	s2 =	rddreg [dreg:$0x1];
	s5 =	simm.s32 $0x0;
	s12 =	simm.s32 $0x80  }
0x4: {  	s13 =	simm.s32 $0x5000;
	s14 =	simm.s32 $0x7000;
	s16 =	simm.s32 $0x9000  }
0x5: {  	s18 =	simm.s32 $0xB000;
	s20 =	simm.s32 $0xD000;
	s22 =	simm.s32 $0xF000  }
0x6: {  	s30 =	simm.s32 $0x1;
	s31 =	simm.s32 $0x2;
	s15 =	simm.s32 $0x4  }
0x7: {  	s17 =	simm.s32 $0x6;
	s19 =	simm.s32 $0x7;
	s21 =	simm.s32 $0x8  }
0x8: {  	s28 =	simm.s32 $0xB;
	s9 =	simm.s32 $0x10;
	s11 =	simm.s32 $0x0  }
0x9: {  	s0 =	sand.u32 $0x1, s0;
	[smem:$0x7FF] =	sst s5;
	s23 =	smul.u32 $0x9C80, s4  }
0xa: {  	s5 =	simm.s32 $0xC;
	s3 =	sshll.u32 s0, $0x4;
	_ =	strace $0x8000004A  }
0xb: {  	s6 =	ssub.s32 $0x2, s0;
	p0 =	seq.s32 s0, $0x1;
	s0 =	simm.s32 $0x59C00  }
0xc: {  	s3 =	sor.u32 s4, s3;
	s4 =	sadd.s32 $0x1EE00, s1;
	s7 =	sshrl.u32 s23, $0x3  }
0xd: {  	s8 =	sshrl.u32 s6, $0x1;
	s25 =	sadd.s32 s23, s2;
	s3 =	smul.u32 $0x500, s3  }
0xe: {  	s0 =	simm.s32 @!p0 $0x46200;
	s23 =	simm.s32 $0x9;
	s6 =	ssub.s32 s6, s8  }
0xf: {  	[dreg:$0x5] =	wrdreg s25;
	s29 =	smax.u32 s6, $0x1;
	s3 =	sadd.s32 s3, s1  }
0x10: {  	s25 =	simm.s32 $0xA;
	[dreg:$0x7] =	wrdreg s29;
	s24 =	sadd.s32 $0x14E00, s3  }
0x11: {  	s1 =	sadd.s32 s7, s1;
	s3 =	sadd.s32 $0x3400, s3;
	[dreg:$0x3] =	wrdreg s24  }
0x12: {  	s8 =	simm.s32 $0xF;
	s26 =	sadd.s32 $0x32800, s1;
	[dreg:$0x4] =	wrdreg s3  }
0x13: {  	s6 =	simm.s32 $0xD;
	s0 =	sadd.s32 s0, s1;
	[dreg:$0x6] =	wrdreg s26  }
0x14: {  	s7 =	simm.s32 $0xE;
	s1 =	simm.s32 $0x3;
	[dreg:$0x8] =	wrdreg s0  }
0x15: {  	s24 =	simm.s32 $0x11000;
	s26 =	simm.s32 $0x13000;
	s0 =	simm.s32 $0x5  }
.LBB2_1:
0x16: {  	[dreg:$0x9] =	wrdreg s11  }
0x17: {  	s3 =	simm.s32 $0x0;
	s10 =	rddreg [dreg:$0x3];
	s29 =	simm.s32 $0x11  }
0x18: {  	[tilespmem:s3], [sflag:$0x11] =	stream.linear.gather [hbm4b:s10+s3], $0x2800, $0x38;
	[tilespmem:$0x1EC80] =	vst v63  }
0x19: {  	_ =	swait.ge [sflag:s29], $0x2800  }
0x1a: {  	[sflag:s29] =	ssyncset.done $0x0  }
0x1b: {  	[sflag:s29] =	ssyncadd.s32 $0xFFFFD800  }
0x1c: {  	[tilespmem:s13], [sflag:$0x1] =	stream.indirect.gather [hbm4b:s4+s12], $0x40, s3, s12, $0xb8;
	[tilespmem:$0x1EC80] =	vst v63  }
0x1d: {  	_ = 	snop  }
0x1e: {  	[tilespmem:s14], [sflag:$0x2] =	stream.indirect.gather [hbm4b:s4+s12], $0x40, s12, s12, $0xb8;
	[tilespmem:$0x1EC80] =	vst v63  }
0x1f: {  	s10 =	simm.s32 $0x100  }
0x20: {  	[tilespmem:s16], [sflag:$0x3] =	stream.indirect.gather [hbm4b:s4+s12], $0x40, s10, s12, $0xb8;
	[tilespmem:$0x1EC80] =	vst v63  }
0x21: {  	s10 =	simm.s32 $0x180  }
0x22: {  	[tilespmem:s18], [sflag:$0x4] =	stream.indirect.gather [hbm4b:s4+s12], $0x40, s10, s12, $0xb8;
	[tilespmem:$0x1EC80] =	vst v63  }
0x23: {  	s10 =	simm.s32 $0x200  }
0x24: {  	[tilespmem:s20], [sflag:$0x5] =	stream.indirect.gather [hbm4b:s4+s12], $0x40, s10, s12, $0xb8;
	[tilespmem:$0x1EC80] =	vst v63  }
0x25: {  	s10 =	simm.s32 $0x280  }
0x26: {  	[tilespmem:s22], [sflag:$0x6] =	stream.indirect.gather [hbm4b:s4+s12], $0x40, s10, s12, $0xb8;
	[tilespmem:$0x1EC80] =	vst v63  }
0x27: {  	s10 =	simm.s32 $0x300  }
0x28: {  	[tilespmem:s24], [sflag:$0x7] =	stream.indirect.gather [hbm4b:s4+s12], $0x40, s10, s12, $0xb8;
	[tilespmem:$0x1EC80] =	vst v63  }
0x29: {  	s10 =	simm.s32 $0x380  }
0x2a: {  	[tilespmem:s26], [sflag:$0x8] =	stream.indirect.gather [hbm4b:s4+s12], $0x40, s10, s12, $0xb8;
	[tilespmem:$0x1EC80] =	vst v63  }
0x2b: {  	s11 =	rddreg [dreg:$0x4];
	s10 =	simm.s32 $0x2800  }
0x2c: {  	[tilespmem:s10], [sflag:$0x11] =	stream.linear.gather [hbm4b:s11+s3], $0x2800, $0x38;
	[tilespmem:$0x1EC80] =	vst v63  }
0x2d: {  	s11 =	stileid.u32  }
0x2e: {  	_ =	swait.ge [sflag:s29], $0x2800;
	s3 =	sshll.u32 s11, $0x6  }
0x2f: {  	[sflag:s29] =	ssyncset.done $0x0;
	s11 =	sor.u32 $0x1C12, s3;
	s3 =	rddreg [dreg:$0x5]  }
0x30: {  	[sflag:s29] =	ssyncadd.s32 $0xFFFFD800;
	s29 =	sshrl.u32 s3, $0x3;
	s3 =	rddreg [dreg:$0x6]  }
0x31: {  	[dreg:$0xa] =	wrdreg s11  }
0x32: {  	s10 =	simm.s32 $0x12;
	[dreg:$0xb] =	wrdreg s29  }
0x33: {  	[spmem:s29], [sflag:s11] =	dma.local [hbm:s3], $0x1390  }
0x34: {  	_ =	swait.ge [sflag:s10], $0x1390  }
0x35: {  	[sflag:s10] =	ssyncset.done $0x0  }
0x36: {  	[sflag:s10] =	ssyncadd.s32 $0xFFFFEC70  }
0x37: {  	[bflag:$0x0] =	sbarrier.arrive $0xFFFF  }
0x38: {  	_ =	swait.ge [sflag:s30], $0x2000  }
0x39: {  	[sflag:s30] =	ssyncset.done $0x0  }
0x3a: {  	s11 =	simm.s32 $0x2800;
	[sflag:s30] =	ssyncadd.s32 $0xFFFFE000  }
0x3b: {  	[spmem:s2] =	stream.indirect.scatter.add.f32 [tilespmem:s13], [sflag:$0x9], $0x40, s11, s12, $0xb8;
	[tilespmem:$0x1EC80] =	vst v63  }
0x3c: {  	_ =	swait.ge [sflag:s31], $0x2000  }
0x3d: {  	[sflag:s31] =	ssyncset.done $0x0  }
0x3e: {  	s11 =	simm.s32 $0x2880;
	[sflag:s31] =	ssyncadd.s32 $0xFFFFE000  }
0x3f: {  	[spmem:s2] =	stream.indirect.scatter.add.f32 [tilespmem:s14], [sflag:$0xA], $0x40, s11, s12, $0xb8;
	[tilespmem:$0x1EC80] =	vst v63  }
0x40: {  	_ =	swait.ge [sflag:s1], $0x2000  }
0x41: {  	[sflag:s1] =	ssyncset.done $0x0  }
0x42: {  	s11 =	simm.s32 $0x2900;
	[sflag:s1] =	ssyncadd.s32 $0xFFFFE000  }
0x43: {  	[spmem:s2] =	stream.indirect.scatter.add.f32 [tilespmem:s16], [sflag:$0xB], $0x40, s11, s12, $0xb8;
	[tilespmem:$0x1EC80] =	vst v63  }
0x44: {  	_ =	swait.ge [sflag:s15], $0x2000  }
0x45: {  	[sflag:s15] =	ssyncset.done $0x0  }
0x46: {  	s11 =	simm.s32 $0x2980;
	[sflag:s15] =	ssyncadd.s32 $0xFFFFE000  }
0x47: {  	[spmem:s2] =	stream.indirect.scatter.add.f32 [tilespmem:s18], [sflag:$0xC], $0x40, s11, s12, $0xb8;
	[tilespmem:$0x1EC80] =	vst v63  }
0x48: {  	_ =	swait.ge [sflag:s0], $0x2000  }
0x49: {  	[sflag:s0] =	ssyncset.done $0x0  }
0x4a: {  	s11 =	simm.s32 $0x2A00;
	[sflag:s0] =	ssyncadd.s32 $0xFFFFE000  }
0x4b: {  	[spmem:s2] =	stream.indirect.scatter.add.f32 [tilespmem:s20], [sflag:$0xD], $0x40, s11, s12, $0xb8;
	[tilespmem:$0x1EC80] =	vst v63  }
0x4c: {  	_ =	swait.ge [sflag:s17], $0x2000  }
0x4d: {  	[sflag:s17] =	ssyncset.done $0x0  }
0x4e: {  	s11 =	simm.s32 $0x2A80;
	[sflag:s17] =	ssyncadd.s32 $0xFFFFE000  }
0x4f: {  	[spmem:s2] =	stream.indirect.scatter.add.f32 [tilespmem:s22], [sflag:$0xE], $0x40, s11, s12, $0xb8;
	[tilespmem:$0x1EC80] =	vst v63  }
0x50: {  	_ =	swait.ge [sflag:s19], $0x2000  }
0x51: {  	[sflag:s19] =	ssyncset.done $0x0  }
0x52: {  	s11 =	simm.s32 $0x2B00;
	[sflag:s19] =	ssyncadd.s32 $0xFFFFE000  }
0x53: {  	[spmem:s2] =	stream.indirect.scatter.add.f32 [tilespmem:s24], [sflag:$0xF], $0x40, s11, s12, $0xb8;
	[tilespmem:$0x1EC80] =	vst v63  }
0x54: {  	_ =	swait.ge [sflag:s21], $0x2000  }
0x55: {  	[sflag:s21] =	ssyncset.done $0x0  }
0x56: {  	s11 =	simm.s32 $0x2B80;
	[sflag:s21] =	ssyncadd.s32 $0xFFFFE000  }
0x57: {  	[spmem:s2] =	stream.indirect.scatter.add.f32 [tilespmem:s26], [sflag:$0x10], $0x40, s11, s12, $0xb8;
	[tilespmem:$0x1EC80] =	vst v63  }
0x58: {  	_ =	swait.ge [sflag:s23], $0x2000  }
0x59: {  	[sflag:s23] =	ssyncset.done $0x0  }
0x5a: {  	s11 =	simm.s32 $0x400;
	[sflag:s23] =	ssyncadd.s32 $0xFFFFE000  }
0x5b: {  	[tilespmem:s13], [sflag:$0x1] =	stream.indirect.gather [hbm4b:s4+s12], $0x40, s11, s12, $0xb8;
	[tilespmem:$0x1EC80] =	vst v63  }
0x5c: {  	_ =	swait.ge [sflag:s25], $0x2000  }
0x5d: {  	[sflag:s25] =	ssyncset.done $0x0  }
0x5e: {  	s11 =	simm.s32 $0x480;
	[sflag:s25] =	ssyncadd.s32 $0xFFFFE000  }
0x5f: {  	[tilespmem:s14], [sflag:$0x2] =	stream.indirect.gather [hbm4b:s4+s12], $0x40, s11, s12, $0xb8;
	[tilespmem:$0x1EC80] =	vst v63  }
0x60: {  	_ =	swait.ge [sflag:s28], $0x2000  }
0x61: {  	[sflag:s28] =	ssyncset.done $0x0  }
0x62: {  	s11 =	simm.s32 $0x500;
	[sflag:s28] =	ssyncadd.s32 $0xFFFFE000  }
0x63: {  	[tilespmem:s16], [sflag:$0x3] =	stream.indirect.gather [hbm4b:s4+s12], $0x40, s11, s12, $0xb8;
	[tilespmem:$0x1EC80] =	vst v63  }
0x64: {  	_ =	swait.ge [sflag:s5], $0x2000  }
0x65: {  	[sflag:s5] =	ssyncset.done $0x0  }
0x66: {  	s11 =	simm.s32 $0x580;
	[sflag:s5] =	ssyncadd.s32 $0xFFFFE000  }
0x67: {  	[tilespmem:s18], [sflag:$0x4] =	stream.indirect.gather [hbm4b:s4+s12], $0x40, s11, s12, $0xb8;
	[tilespmem:$0x1EC80] =	vst v63  }
0x68: {  	_ =	swait.ge [sflag:s6], $0x2000  }
0x69: {  	[sflag:s6] =	ssyncset.done $0x0  }
0x6a: {  	s11 =	simm.s32 $0x600;
	[sflag:s6] =	ssyncadd.s32 $0xFFFFE000  }
0x6b: {  	[tilespmem:s20], [sflag:$0x5] =	stream.indirect.gather [hbm4b:s4+s12], $0x40, s11, s12, $0xb8;
	[tilespmem:$0x1EC80] =	vst v63  }
0x6c: {  	_ =	swait.ge [sflag:s7], $0x2000  }
0x6d: {  	[sflag:s7] =	ssyncset.done $0x0  }
0x6e: {  	s11 =	simm.s32 $0x680;
	[sflag:s7] =	ssyncadd.s32 $0xFFFFE000  }
0x6f: {  	[tilespmem:s22], [sflag:$0x6] =	stream.indirect.gather [hbm4b:s4+s12], $0x40, s11, s12, $0xb8;
	[tilespmem:$0x1EC80] =	vst v63  }
0x70: {  	_ =	swait.ge [sflag:s8], $0x2000  }
0x71: {  	[sflag:s8] =	ssyncset.done $0x0  }
0x72: {  	s11 =	simm.s32 $0x700;
	[sflag:s8] =	ssyncadd.s32 $0xFFFFE000  }
0x73: {  	[tilespmem:s24], [sflag:$0x7] =	stream.indirect.gather [hbm4b:s4+s12], $0x40, s11, s12, $0xb8;
	[tilespmem:$0x1EC80] =	vst v63  }
0x74: {  	_ =	swait.ge [sflag:s9], $0x2000  }
0x75: {  	[sflag:s9] =	ssyncset.done $0x0  }
0x76: {  	s29 =	simm.s32 $0x1000;
	s3 =	simm.s32 $0x780;
	[sflag:s9] =	ssyncadd.s32 $0xFFFFE000  }
.LBB2_2:
0x77: {  	[tilespmem:s26], [sflag:$0x8] =	stream.indirect.gather [hbm4b:s4+s12], $0x40, s3, s12, $0xb8;
	[tilespmem:$0x1EC80] =	vst v63  }
0x78: {  	s3 =	smov.u32 s29  }
0x79: {  	p0 =	sne.s32 s29, $0x8000;
	s29 =	sadd.s32 $0x1000, s29;
	_ =	swait.ge [sflag:s30], $0x2000  }
0x7a: {  	s3 =	sshra.s32 s3, $0x2;
	[sflag:s30] =	ssyncset.done $0x0  }
0x7b: {  	s11 =	sadd.s32 $0x2800, s3;
	[sflag:s30] =	ssyncadd.s32 $0xFFFFE000  }
0x7c: {  	[spmem:s2] =	stream.indirect.scatter.add.f32 [tilespmem:s13], [sflag:$0x9], $0x40, s11, s12, $0xb8;
	[tilespmem:$0x1EC80] =	vst v63  }
0x7d: {  	_ =	swait.ge [sflag:s31], $0x2000  }
0x7e: {  	[sflag:s31] =	ssyncset.done $0x0  }
0x7f: {  	s11 =	sadd.s32 $0x2880, s3;
	[sflag:s31] =	ssyncadd.s32 $0xFFFFE000  }
0x80: {  	[spmem:s2] =	stream.indirect.scatter.add.f32 [tilespmem:s14], [sflag:$0xA], $0x40, s11, s12, $0xb8;
	[tilespmem:$0x1EC80] =	vst v63  }
0x81: {  	_ =	swait.ge [sflag:s1], $0x2000  }
0x82: {  	[sflag:s1] =	ssyncset.done $0x0  }
0x83: {  	s11 =	sadd.s32 $0x2900, s3;
	[sflag:s1] =	ssyncadd.s32 $0xFFFFE000  }
0x84: {  	[spmem:s2] =	stream.indirect.scatter.add.f32 [tilespmem:s16], [sflag:$0xB], $0x40, s11, s12, $0xb8;
	[tilespmem:$0x1EC80] =	vst v63  }
0x85: {  	_ =	swait.ge [sflag:s15], $0x2000  }
0x86: {  	[sflag:s15] =	ssyncset.done $0x0  }
0x87: {  	s11 =	sadd.s32 $0x2980, s3;
	[sflag:s15] =	ssyncadd.s32 $0xFFFFE000  }
0x88: {  	[spmem:s2] =	stream.indirect.scatter.add.f32 [tilespmem:s18], [sflag:$0xC], $0x40, s11, s12, $0xb8;
	[tilespmem:$0x1EC80] =	vst v63  }
0x89: {  	_ =	swait.ge [sflag:s0], $0x2000  }
0x8a: {  	[sflag:s0] =	ssyncset.done $0x0  }
0x8b: {  	s11 =	sadd.s32 $0x2A00, s3;
	[sflag:s0] =	ssyncadd.s32 $0xFFFFE000  }
0x8c: {  	[spmem:s2] =	stream.indirect.scatter.add.f32 [tilespmem:s20], [sflag:$0xD], $0x40, s11, s12, $0xb8;
	[tilespmem:$0x1EC80] =	vst v63  }
0x8d: {  	_ =	swait.ge [sflag:s17], $0x2000  }
0x8e: {  	[sflag:s17] =	ssyncset.done $0x0  }
0x8f: {  	s11 =	sadd.s32 $0x2A80, s3;
	[sflag:s17] =	ssyncadd.s32 $0xFFFFE000  }
0x90: {  	[spmem:s2] =	stream.indirect.scatter.add.f32 [tilespmem:s22], [sflag:$0xE], $0x40, s11, s12, $0xb8;
	[tilespmem:$0x1EC80] =	vst v63  }
0x91: {  	_ =	swait.ge [sflag:s19], $0x2000  }
0x92: {  	[sflag:s19] =	ssyncset.done $0x0  }
0x93: {  	s11 =	sadd.s32 $0x2B00, s3;
	[sflag:s19] =	ssyncadd.s32 $0xFFFFE000  }
0x94: {  	[spmem:s2] =	stream.indirect.scatter.add.f32 [tilespmem:s24], [sflag:$0xF], $0x40, s11, s12, $0xb8;
	[tilespmem:$0x1EC80] =	vst v63  }
0x95: {  	_ =	swait.ge [sflag:s21], $0x2000  }
0x96: {  	[sflag:s21] =	ssyncset.done $0x0  }
0x97: {  	s11 =	sadd.s32 $0x2B80, s3;
	[sflag:s21] =	ssyncadd.s32 $0xFFFFE000  }
0x98: {  	[spmem:s2] =	stream.indirect.scatter.add.f32 [tilespmem:s26], [sflag:$0x10], $0x40, s11, s12, $0xb8;
	[tilespmem:$0x1EC80] =	vst v63  }
0x99: {  	_ =	swait.ge [sflag:s23], $0x2000  }
0x9a: {  	[sflag:s23] =	ssyncset.done $0x0  }
0x9b: {  	s11 =	sadd.s32 $0x400, s3;
	[sflag:s23] =	ssyncadd.s32 $0xFFFFE000  }
0x9c: {  	[tilespmem:s13], [sflag:$0x1] =	stream.indirect.gather [hbm4b:s4+s12], $0x40, s11, s12, $0xb8;
	[tilespmem:$0x1EC80] =	vst v63  }
0x9d: {  	_ =	swait.ge [sflag:s25], $0x2000  }
0x9e: {  	[sflag:s25] =	ssyncset.done $0x0  }
0x9f: {  	s11 =	sadd.s32 $0x480, s3;
	[sflag:s25] =	ssyncadd.s32 $0xFFFFE000  }
0xa0: {  	[tilespmem:s14], [sflag:$0x2] =	stream.indirect.gather [hbm4b:s4+s12], $0x40, s11, s12, $0xb8;
	[tilespmem:$0x1EC80] =	vst v63  }
0xa1: {  	_ =	swait.ge [sflag:s28], $0x2000  }
0xa2: {  	[sflag:s28] =	ssyncset.done $0x0  }
0xa3: {  	s11 =	sadd.s32 $0x500, s3;
	[sflag:s28] =	ssyncadd.s32 $0xFFFFE000  }
0xa4: {  	[tilespmem:s16], [sflag:$0x3] =	stream.indirect.gather [hbm4b:s4+s12], $0x40, s11, s12, $0xb8;
	[tilespmem:$0x1EC80] =	vst v63  }
0xa5: {  	_ =	swait.ge [sflag:s5], $0x2000  }
0xa6: {  	[sflag:s5] =	ssyncset.done $0x0  }
0xa7: {  	s11 =	sadd.s32 $0x580, s3;
	[sflag:s5] =	ssyncadd.s32 $0xFFFFE000  }
0xa8: {  	[tilespmem:s18], [sflag:$0x4] =	stream.indirect.gather [hbm4b:s4+s12], $0x40, s11, s12, $0xb8;
	[tilespmem:$0x1EC80] =	vst v63  }
0xa9: {  	_ =	swait.ge [sflag:s6], $0x2000  }
0xaa: {  	[sflag:s6] =	ssyncset.done $0x0  }
0xab: {  	s11 =	sadd.s32 $0x600, s3;
	[sflag:s6] =	ssyncadd.s32 $0xFFFFE000  }
0xac: {  	[tilespmem:s20], [sflag:$0x5] =	stream.indirect.gather [hbm4b:s4+s12], $0x40, s11, s12, $0xb8;
	[tilespmem:$0x1EC80] =	vst v63  }
0xad: {  	_ =	swait.ge [sflag:s7], $0x2000  }
0xae: {  	[sflag:s7] =	ssyncset.done $0x0  }
0xaf: {  	s11 =	sadd.s32 $0x680, s3;
	[sflag:s7] =	ssyncadd.s32 $0xFFFFE000  }
0xb0: {  	[tilespmem:s22], [sflag:$0x6] =	stream.indirect.gather [hbm4b:s4+s12], $0x40, s11, s12, $0xb8;
	[tilespmem:$0x1EC80] =	vst v63  }
0xb1: {  	_ =	swait.ge [sflag:s8], $0x2000  }
0xb2: {  	[sflag:s8] =	ssyncset.done $0x0  }
.Ltmp0:
0xb3: {  	s11 =	sadd.s32 $0x700, s3;
	[sflag:s8] =	ssyncadd.s32 $0xFFFFE000;
	(pc) =	sbr.rel @p0 .LBB2_2-.Ltmp0, $4  }
0xb4: {  	[tilespmem:s24], [sflag:$0x7] =	stream.indirect.gather [hbm4b:s4+s12], $0x40, s11, s12, $0xb8;
	[tilespmem:$0x1EC80] =	vst v63  }
0xb5: {  	_ =	swait.ge [sflag:s9], $0x2000  }
0xb6: {  	[sflag:s9] =	ssyncset.done $0x0  }
0xb7: {  	s3 =	sadd.s32 $0x780, s3;
	[sflag:s9] =	ssyncadd.s32 $0xFFFFE000  }
0xb8: {  	[tilespmem:s26], [sflag:$0x8] =	stream.indirect.gather [hbm4b:s4+s12], $0x40, s3, s12, $0xb8;
	[tilespmem:$0x1EC80] =	vst v63  }
0xb9: {  	_ =	swait.ge [sflag:s30], $0x2000  }
0xba: {  	[sflag:s30] =	ssyncset.done $0x0  }
0xbb: {  	s11 =	simm.s32 $0x4C00;
	[sflag:s30] =	ssyncadd.s32 $0xFFFFE000  }
0xbc: {  	[spmem:s2] =	stream.indirect.scatter.add.f32 [tilespmem:s13], [sflag:$0x9], $0x40, s11, s12, $0xb8;
	[tilespmem:$0x1EC80] =	vst v63  }
0xbd: {  	_ =	swait.ge [sflag:s31], $0x2000  }
0xbe: {  	[sflag:s31] =	ssyncset.done $0x0  }
0xbf: {  	s29 =	simm.s32 $0x4C80;
	[sflag:s31] =	ssyncadd.s32 $0xFFFFE000  }
0xc0: {  	[spmem:s2] =	stream.indirect.scatter.add.f32 [tilespmem:s14], [sflag:$0xA], $0x40, s29, s12, $0xb8;
	[tilespmem:$0x1EC80] =	vst v63  }
0xc1: {  	_ =	swait.ge [sflag:s1], $0x2000  }
0xc2: {  	[sflag:s1] =	ssyncset.done $0x0  }
0xc3: {  	s11 =	simm.s32 $0x4D00;
	[sflag:s1] =	ssyncadd.s32 $0xFFFFE000  }
0xc4: {  	[spmem:s2] =	stream.indirect.scatter.add.f32 [tilespmem:s16], [sflag:$0xB], $0x40, s11, s12, $0xb8;
	[tilespmem:$0x1EC80] =	vst v63  }
0xc5: {  	_ =	swait.ge [sflag:s15], $0x2000  }
0xc6: {  	[sflag:s15] =	ssyncset.done $0x0  }
0xc7: {  	s29 =	simm.s32 $0x4D80;
	[sflag:s15] =	ssyncadd.s32 $0xFFFFE000  }
0xc8: {  	[spmem:s2] =	stream.indirect.scatter.add.f32 [tilespmem:s18], [sflag:$0xC], $0x40, s29, s12, $0xb8;
	[tilespmem:$0x1EC80] =	vst v63  }
0xc9: {  	_ =	swait.ge [sflag:s0], $0x2000  }
0xca: {  	[sflag:s0] =	ssyncset.done $0x0  }
0xcb: {  	s11 =	simm.s32 $0x4E00;
	[sflag:s0] =	ssyncadd.s32 $0xFFFFE000  }
0xcc: {  	[spmem:s2] =	stream.indirect.scatter.add.f32 [tilespmem:s20], [sflag:$0xD], $0x40, s11, s12, $0xb8;
	[tilespmem:$0x1EC80] =	vst v63  }
0xcd: {  	_ =	swait.ge [sflag:s17], $0x2000  }
0xce: {  	[sflag:s17] =	ssyncset.done $0x0  }
0xcf: {  	s29 =	simm.s32 $0x4E80;
	[sflag:s17] =	ssyncadd.s32 $0xFFFFE000  }
0xd0: {  	[spmem:s2] =	stream.indirect.scatter.add.f32 [tilespmem:s22], [sflag:$0xE], $0x40, s29, s12, $0xb8;
	[tilespmem:$0x1EC80] =	vst v63  }
0xd1: {  	_ =	swait.ge [sflag:s19], $0x2000  }
0xd2: {  	[sflag:s19] =	ssyncset.done $0x0  }
0xd3: {  	s11 =	simm.s32 $0x4F00;
	[sflag:s19] =	ssyncadd.s32 $0xFFFFE000  }
0xd4: {  	[spmem:s2] =	stream.indirect.scatter.add.f32 [tilespmem:s24], [sflag:$0xF], $0x40, s11, s12, $0xb8;
	[tilespmem:$0x1EC80] =	vst v63  }
0xd5: {  	_ =	swait.ge [sflag:s21], $0x2000  }
0xd6: {  	[sflag:s21] =	ssyncset.done $0x0  }
0xd7: {  	s29 =	simm.s32 $0x4F80;
	[sflag:s21] =	ssyncadd.s32 $0xFFFFE000  }
0xd8: {  	[spmem:s2] =	stream.indirect.scatter.add.f32 [tilespmem:s26], [sflag:$0x10], $0x40, s29, s12, $0xb8;
	[tilespmem:$0x1EC80] =	vst v63  }
0xd9: {  	_ =	swait.ge [sflag:s23], $0x2000  }
0xda: {  	[sflag:s23] =	ssyncset.done $0x0  }
0xdb: {  	[sflag:s23] =	ssyncadd.s32 $0xFFFFE000  }
0xdc: {  	_ =	swait.ge [sflag:s25], $0x2000  }
0xdd: {  	[sflag:s25] =	ssyncset.done $0x0  }
0xde: {  	[sflag:s25] =	ssyncadd.s32 $0xFFFFE000  }
0xdf: {  	_ =	swait.ge [sflag:s28], $0x2000  }
0xe0: {  	[sflag:s28] =	ssyncset.done $0x0  }
0xe1: {  	[sflag:s28] =	ssyncadd.s32 $0xFFFFE000  }
0xe2: {  	_ =	swait.ge [sflag:s5], $0x2000  }
0xe3: {  	[sflag:s5] =	ssyncset.done $0x0  }
0xe4: {  	[sflag:s5] =	ssyncadd.s32 $0xFFFFE000  }
0xe5: {  	_ =	swait.ge [sflag:s6], $0x2000  }
0xe6: {  	[sflag:s6] =	ssyncset.done $0x0  }
0xe7: {  	[sflag:s6] =	ssyncadd.s32 $0xFFFFE000  }
0xe8: {  	_ =	swait.ge [sflag:s7], $0x2000  }
0xe9: {  	[sflag:s7] =	ssyncset.done $0x0  }
0xea: {  	[sflag:s7] =	ssyncadd.s32 $0xFFFFE000  }
0xeb: {  	_ =	swait.ge [sflag:s8], $0x2000  }
0xec: {  	[sflag:s8] =	ssyncset.done $0x0  }
0xed: {  	[sflag:s8] =	ssyncadd.s32 $0xFFFFE000  }
0xee: {  	_ =	swait.ge [sflag:s9], $0x2000  }
0xef: {  	[sflag:s9] =	ssyncset.done $0x0  }
0xf0: {  	[sflag:s9] =	ssyncadd.s32 $0xFFFFE000  }
0xf1: {  	[bflag:$0x0] =	sbarrier.arrive $0xFFFF  }
0xf2: {  	s3 =	rddreg [dreg:$0x8]  }
0xf3: {  	s11 =	rddreg [dreg:$0xa]  }
0xf4: {  	s29 =	rddreg [dreg:$0xb]  }
0xf5: {  	[hbm:s3], [sflag:s11] =	dma.local [spmem:s29], $0x1390  }
0xf6: {  	_ =	swait.ge [sflag:s10], $0x1390  }
0xf7: {  	s3 =	rddreg [dreg:$0x9]  }
0xf8: {  	s29 =	rddreg [dreg:$0x7];
	s11 =	sadd.s32 $0x1, s3  }
0xf9: {  	p0 =	sne.s32 s11, s29  }
.Ltmp1:
0xfa: {  	_ = 	snop;
	(pc) =	sbr.rel @p0 .LBB2_1-.Ltmp1, $3  }
0xfb: {  	_ =	sdelay $0x1  }
0xfc: {  	[sflag:s10] =	ssyncset.done $0x0  }
0xfd: {  	[sflag:s10] =	ssyncadd.s32 $0xFFFFEC70  }
0xfe: {  	_ =	sfence.sel $0x180000  }
0xff: {  	[bflag:$0x0] =	sbarrier.arrive $0xFFFF  }
0x100: {  	_ =	strace $0x9000004A  }
0x101: {  	s0 =	stileid.u32;
	[bflag:$0x2] =	sbarrier.arrive $0xFFFF  }
0x102: {  	p0 =	sne.s32 s0, $0x0;
	s0 =	rddreg [dreg:$0x2]  }
0x103: {  	s0 =	sadd.s32 @!p0 $0x100000, s0  }
0x104: {  	[sflag:s0] =	ssyncadd.tile.s32 @!p0 $0x1;
	_ =	shalt  }
.Lfunc_end2:
_tile_overlayer_lowered:
.L_overlay_start_2:
0x105: {  	(tag) =	ssettag $0x2  }
0x106: {  	s0 =	rddreg [dreg:$0x0];
	s2 =	stileid.u32  }
0x107: {  	s1 =	rddreg [dreg:$0x1];
	p0 =	sne.s32 s2, $0x0  }
0x108: {  	s3 =	rddreg [dreg:$0x2];
	[bflag:$0x3] =	sbarrier.arrive $0xFFFF;
	s2 =	simm.s32 @!p0 $0x1C12  }
0x109: {  	[timem:s3], [sflag:s2] =	dma.local @!p0 [hbm:s0], s1  }
0x10a: {  	s0 =	simm.s32 @!p0 $0x12  }
0x10b: {  	_ =	swait.ge @!p0 [sflag:s0], s1  }
0x10c: {  	s1 =	ssub.s32 @!p0 $0x0, s1;
	[sflag:s0] =	ssyncset.done @!p0 $0x0  }
0x10d: {  	[sflag:s0] =	ssyncadd.s32 @!p0 s1  }
0x10e: {  	[bflag:$0x3] =	sbarrier.arrive $0xFFFF  }
0x10f: {  	_ =	shalt  }

// kernel: kernel.14.cloned.1.call-start
scs
__scs_entry_jumppad:
0x0: {  	(pc) =	sbr.rel $0x88, $3  }
0x1: {  	(tag) =	ssettag $0x0;
	lr =	simm.s32 $0x1  }
0x2: {  	[smem:$0x3F95] =	sst lr;
	_ =	strace $0xD0000000  }
0x3: {  	_ = 	snop  }
0x4: {  	_ = 	snop  }
0x5: {  	_ = 	snop  }
0x6: {  	_ = 	snop  }
0x7: {  	_ = 	snop  }
__scs_overlays_trampoline_lowered:
0x8: {  	[smem:$0x3FA4] =	sst s0  }
0x9: {  	[smem:$0x3FA5] =	sst s1  }
0xa: {  	[smem:$0x3FA6] =	sst s2  }
0xb: {  	[smem:$0x3FA7] =	sst s3  }
0xc: {  	[smem:$0x3FA8] =	sst s4  }
0xd: {  	[smem:$0x3FA9] =	sst s5  }
0xe: {  	[smem:$0x3FAA] =	sst s6  }
0xf: {  	[smem:$0x3FAB] =	sst s7  }
0x10: {  	[smem:$0x3FAC] =	sst s8  }
0x11: {  	[smem:$0x3FAD] =	sst s9;
	s0 =	simm.s32 @!p0 $0x0  }
0x12: {  	s1 =	sld [smem:$0x3F93];
	s0 =	simm.s32 @p0 $0x1  }
0x13: {  	[smem:$0x3FAE] =	sst s0;
	s0 =	simm.s32 @!p1 $0x0  }
0x14: {  	s2 =	sld [smem:$0x3F92];
	s0 =	simm.s32 @p1 $0x1  }
0x15: {  	[smem:$0x3FAF] =	sst s0;
	s0 =	simm.s32 @!p2 $0x0  }
0x16: {  	s3 =	sld [smem:$0x3FDB];
	s0 =	simm.s32 @p2 $0x1  }
0x17: {  	s4 =	simm.s32 $0x1BF5;
	[smem:$0x3FB1] =	sst s0  }
0x18: {  	s0 =	sld [smem:$0x3F94];
	_ =	swait.ge [sflag:s4], $0x0  }
0x19: {  	s7 =	sld [smem:$0x3F95]  }
0x1a: {  	s8 =	sadd.s32 $0xFFFFE003, lr  }
0x1b: {  	s9 =	sadd.s32 $0xFFFFFEF7, lr;
	s5 =	simm.s32 $0xFFFFFFFF;
	p2 =	slt.u32 s8, $0xFFFFF086  }
0x1c: {  	p1 =	slt.u32 s9, $0xF7A;
	s5 =	simm.s32 @!p2 $0x0  }
0x1d: {  	s5 =	simm.s32 @p1 $0x1;
	p0 =	seq.s32 s7, s2  }
0x1e: {  	s7 =	smul.u32 @!p0 $0xF7A, s2;
	p2 =	seq.s32 @!p0 s5, $0x0  }
0x1f: {  	s9 =	smul.u32 $0xF7A, s1;
	s8 =	simm.s32 @!p0 $0x1BF5;
	p2 =	por !p2, p0  }
0x20: {  	[sflag:s8] =	ssyncset.s32 @!p0 $0xFFFFF086;
	s6 =	sadd.s32 @!p0 s3, s7;
	s7 =	simm.s32 @!p0 $0x108  }
0x21: {  	s3 =	sadd.s32 s3, s9;
	s6 =	sadd.s32 @!p0 $0x88, s6;
	s7 =	simm.s32 @p2 $0x1082  }
0x22: {  	[simem:s7], [sflag:s8] =	dma.local @!p0 [hbm:s6], $0xF7A  }
0x23: {  	s9 =	sor.u32 $0xD0000000, s2;
	s6 =	simm.s32 $0x108;
	_ =	swait.ge @!p0 [sflag:s8], $0x0  }
0x24: {  	s3 =	sadd.s32 $0x88, s3;
	s6 =	simm.s32 @!p1 $0x1082;
	[sflag:s4] =	ssyncset.s32 $0xFFFFF086  }
0x25: {  	[simem:s6], [sflag:s4] =	dma.local [hbm:s3], $0xF7A  }
0x26: {  	[smem:$0x3F95] =	sst s1;
	(tag) =	ssettag s2;
	_ =	strace s9  }
0x27: {  	s1 =	sld [smem:$0x3FA5]  }
0x28: {  	s2 =	sld [smem:$0x3FA6]  }
0x29: {  	s4 =	sld [smem:$0x3FA8]  }
0x2a: {  	p0 =	seq.s32 s5, $0x0;
	s5 =	sld [smem:$0x3FA9]  }
0x2b: {  	s6 =	sld [smem:$0x3FAA]  }
0x2c: {  	s7 =	sld [smem:$0x3FAB]  }
0x2d: {  	s3 =	simm.s32 $0x108;
	s8 =	sld [smem:$0x3FAC]  }
0x2e: {  	s3 =	simm.s32 @!p0 $0x1082;
	s9 =	sld [smem:$0x3FAD]  }
0x2f: {  	lr =	sadd.s32 s0, s3;
	s0 =	sld [smem:$0x3FA4]  }
0x30: {  	s3 =	sld [smem:$0x3FA7]  }
0x31: {  	[smem:$0x3FB0] =	sst s10  }
0x32: {  	s10 =	sld [smem:$0x3FAE];
	_ =	sdelay $0x3  }
0x33: {  	p0 =	seq.s32 s10, $0x1;
	s10 =	sld [smem:$0x3FB0];
	_ =	sdelay $0x3  }
0x34: {  	[smem:$0x3FB0] =	sst s10  }
0x35: {  	s10 =	sld [smem:$0x3FAF];
	_ =	sdelay $0x3  }
0x36: {  	p1 =	seq.s32 s10, $0x1;
	s10 =	sld [smem:$0x3FB0];
	_ =	sdelay $0x3  }
0x37: {  	[smem:$0x3FB0] =	sst s10  }
0x38: {  	s10 =	sld [smem:$0x3FB1]  }
0x39: {  	_ = 	snop;
	(pc) =	sbr.ind lr, $3  }
0x3a: {  	_ = 	snop  }
0x3b: {  	_ = 	snop  }
0x3c: {  	p2 =	seq.s32 s10, $0x1;
	s10 =	sld [smem:$0x3FB0]  }
0x3d: {  	_ =	shalt  }
0x3e: {  	_ =	shalt  }
0x3f: {  	_ =	shalt  }
0x40: {  	_ =	shalt  }
0x41: {  	_ =	shalt  }
0x42: {  	_ =	shalt  }
0x43: {  	_ =	shalt  }
0x44: {  	_ =	shalt  }
0x45: {  	_ =	shalt  }
0x46: {  	_ =	shalt  }
0x47: {  	_ =	shalt  }
0x48: {  	_ =	shalt  }
0x49: {  	_ =	shalt  }
0x4a: {  	_ =	shalt  }
0x4b: {  	_ =	shalt  }
0x4c: {  	_ =	shalt  }
0x4d: {  	_ =	shalt  }
0x4e: {  	_ =	shalt  }
0x4f: {  	_ =	shalt  }
0x50: {  	_ =	shalt  }
0x51: {  	_ =	shalt  }
0x52: {  	_ =	shalt  }
0x53: {  	_ =	shalt  }
0x54: {  	_ =	shalt  }
0x55: {  	_ =	shalt  }
0x56: {  	_ =	shalt  }
0x57: {  	_ =	shalt  }
0x58: {  	_ =	shalt  }
0x59: {  	_ =	shalt  }
0x5a: {  	_ =	shalt  }
0x5b: {  	_ =	shalt  }
0x5c: {  	_ =	shalt  }
0x5d: {  	_ =	shalt  }
0x5e: {  	_ =	shalt  }
0x5f: {  	_ =	shalt  }
0x60: {  	_ =	shalt  }
0x61: {  	_ =	shalt  }
0x62: {  	_ =	shalt  }
0x63: {  	_ =	shalt  }
0x64: {  	_ =	shalt  }
0x65: {  	_ =	shalt  }
0x66: {  	_ =	shalt  }
0x67: {  	_ =	shalt  }
0x68: {  	_ =	shalt  }
0x69: {  	_ =	shalt  }
0x6a: {  	_ =	shalt  }
0x6b: {  	_ =	shalt  }
0x6c: {  	_ =	shalt  }
0x6d: {  	_ =	shalt  }
0x6e: {  	_ =	shalt  }
0x6f: {  	_ =	shalt  }
0x70: {  	_ =	shalt  }
0x71: {  	_ =	shalt  }
0x72: {  	_ =	shalt  }
0x73: {  	_ =	shalt  }
0x74: {  	_ =	shalt  }
0x75: {  	_ =	shalt  }
0x76: {  	_ =	shalt  }
0x77: {  	_ =	shalt  }
0x78: {  	_ =	shalt  }
0x79: {  	_ =	shalt  }
0x7a: {  	_ =	shalt  }
0x7b: {  	_ =	shalt  }
0x7c: {  	_ =	shalt  }
0x7d: {  	_ =	shalt  }
0x7e: {  	_ =	shalt  }
0x7f: {  	_ =	shalt  }
0x80: {  	_ =	shalt  }
0x81: {  	_ =	shalt  }
0x82: {  	_ =	shalt  }
0x83: {  	_ =	shalt  }
0x84: {  	_ =	shalt  }
0x85: {  	_ =	shalt  }
0x86: {  	_ =	shalt  }
0x87: {  	_ =	shalt  }
.Lfunc_end0:
.L_simem_size_0:
called_computation.2_lowered:
.L_overlay_start_0:
0x88: {  	s2 =	sld [smem:$0x3FD9]  }
0x89: {  	s3 =	sld [smem:$0x3FFE];
	_ =	sdelay $0x1  }
0x8a: {  	s1 =	srdreg.scid  }
0x8b: {  	s0 =	sand.u32 $0x1, s1  }
0x8c: {  	s16 =	sshll.u32 s0, $0xA;
	s2 =	sadd.s32 s3, s2  }
0x8d: {  	s2 =	sadd.s32 s2, s16  }
0x8e: {  	[smem:$0x3FBC] =	sst s2  }
0x8f: {  	_ = 	snop  }
0x90: {  	(tm) =	ssettm $0x1  }
0x91: {  	s17 =	sld [smem:$0x3FFB];
	_ =	sdelay $0x3  }
0x92: {  	_ =	strace s17  }
0x93: {  	s2 =	sld [smem:$0x3FFC];
	_ =	sdelay $0x3  }
0x94: {  	_ =	strace s2  }
0x95: {  	s2 =	sld [smem:$0x3FFD];
	_ =	sdelay $0x3  }
0x96: {  	_ =	strace s2  }
0x97: {  	_ =	strace $0x8FFFFFFF  }
0x98: {  	s18 =	sld [smem:$0x3FDB];
	_ =	sdelay $0x1  }
0x99: {  	s19 =	simm.s32 $_scs_section_size  }
0x9a: {  	s4 =	simm.s32 $_size__tile_overlayer_lowered;
	s5 =	simm.s32 $_tile_overlayer_lowered  }
0x9b: {  	s22 =	simm.s32 $0x1BFF;
	s21 =	sshll.u32 s5, $0x1;
	s2 =	sadd.s32 s19, s18  }
0x9c: {  	s6 =	simm.s32 $0x0;
	s20 =	sshll.u32 s4, $0x1;
	s4 =	sadd.s32 s21, s2  }
0x9d: {  	[timem:s6], [sflag:s22] =	dma.local [hbm:s4], s20  }
0x9e: {  	_ =	swait.ge [sflag:s22], s20  }
0x9f: {  	s3 =	ssub.s32 $0x0, s20;
	[sflag:s22] =	ssyncset.done $0x0  }
0xa0: {  	[sflag:s22] =	ssyncadd.s32 s3;
	_ =	sdelay $0x1  }
0xa1: {  	s23 =	simm.s32 $0x1B8B  }
0xa2: {  	_ =	swait.ge [sflag:s23], $0x1  }
0xa3: {  	[sflag:s23] =	ssyncset.done $0x0  }
0xa4: {  	s25 =	simm.s32 $0x1B8E;
	s24 =	sld [smem:$0x3FFE];
	[sflag:s23] =	ssyncadd.s32 $0xFFFFFFFF  }
0xa5: {  	s26 =	simm.s32 $execute0_lowered;
	[smem:$0x3FD2] =	sst s25  }
0xa6: {  	s4 =	sshll.u32 s26, $0x1;
	_ =	strace $0x8000004C;
	[dreg:$0x1] =	wrdreg $0xFFFFFFFF  }
0xa7: {  	s28 =	simm.s32 $_size_execute0_lowered;
	s2 =	sadd.s32 s2, s4;
	[dreg:$0x0] =	wrdreg $0x0  }
0xa8: {  	s4 =	sshll.u32 s28, $0x1;
	[dreg:$0x2] =	wrdreg s2  }
0xa9: {  	[dreg:$0x3] =	wrdreg s4  }
0xaa: {  	[dreg:$0x4] =	wrdreg $0xC0  }
0xab: {  	_ =	task [dreg:s6], $0x5FFFF  }
0xac: {  	[dreg:$0x1] =	wrdreg $0xFFFFFFFF  }
0xad: {  	[dreg:$0x0] =	wrdreg $0x60  }
0xae: {  	[dreg:$0x2] =	wrdreg s24  }
0xaf: {  	[dreg:$0x3] =	wrdreg $0x150000  }
0xb0: {  	[dreg:$0x4] =	wrdreg $0x9  }
0xb1: {  	_ =	task.clear_ibuf [dreg:s6], $0x5FFFF;
	_ =	strace $0x9000004C  }
0xb2: {  	s29 =	simm.s32 $0x9;
	_ =	strace $0x8000004E  }
0xb3: {  	_ =	swait.ge [sflag:s29], $0x1  }
0xb4: {  	[sflag:s29] =	ssyncadd.s32 $0xFFFFFFFF  }
0xb5: {  	_ =	strace $0x9000004E  }
0xb6: {  	_ =	sfence  }
0xb7: {  	s30 =	sld [smem:$0x0];
	_ =	sdelay $0x2  }
0xb8: {  	s31 =	sshll.u32 s1, $0xD;
	s1 =	sshrl.u32 s1, $0x2  }
0xb9: {  	s3 =	sand.u32 $0x4000, s31;
	s1 =	sadd.s32 s1, s30  }
0xba: {  	s0 =	sor.u32 s3, s0;
	s1 =	sshll.u32 s1, $0x11  }
0xbb: {  	s0 =	sor.u32 s1, s0  }
0xbc: {  	s0 =	sadd.s32 $0x8F2B, s0  }
0xbd: {  	[sflag:s0] =	ssyncadd.remote.s32 $0x1  }
0xbe: {  	_ =	sfence.sel $0xFFFF  }
0xbf: {  	[dreg:$0x0] =	wrdreg $0xFFFFFFFF;
	(pc) =	sbr.abs _section_cstart, $3  }
0xc0: {  	[dreg:$0x1] =	wrdreg $0xFFFFFFFF  }
0xc1: {  	_ =	task.clear_ibuf [dreg:s6], $0x2FFFF;
	_ =	strace $0x9FFFFFFF  }
0xc2: {  	(tm) =	ssettm $0x7FFFFFFF  }
0xc3: {  	_ =	shalt  }
tec
execute0_lowered:
.L_overlay_start_1:
0x0: {  	(tag) =	ssettag $0x1  }
0x1: {  	s0 =	srdreg.scid  }
0x2: {  	s1 =	rddreg [dreg:$0x0];
	s4 =	stileid.u32  }
0x3: {  	s2 =	rddreg [dreg:$0x1];
	s5 =	simm.s32 $0x0;
	s12 =	simm.s32 $0x80  }
0x4: {  	s13 =	simm.s32 $0x5000;
	s14 =	simm.s32 $0x7000;
	s16 =	simm.s32 $0x9000  }
0x5: {  	s18 =	simm.s32 $0xB000;
	s20 =	simm.s32 $0xD000;
	s22 =	simm.s32 $0xF000  }
0x6: {  	s30 =	simm.s32 $0x1;
	s31 =	simm.s32 $0x2;
	s15 =	simm.s32 $0x4  }
0x7: {  	s17 =	simm.s32 $0x6;
	s19 =	simm.s32 $0x7;
	s21 =	simm.s32 $0x8  }
0x8: {  	s28 =	simm.s32 $0xB;
	s9 =	simm.s32 $0x10;
	s11 =	simm.s32 $0x0  }
0x9: {  	s0 =	sand.u32 $0x1, s0;
	[smem:$0x7FF] =	sst s5;
	s23 =	smul.u32 $0x9C80, s4  }
0xa: {  	s5 =	simm.s32 $0xC;
	s3 =	sshll.u32 s0, $0x4;
	_ =	strace $0x8000004D  }
0xb: {  	s6 =	ssub.s32 $0x2, s0;
	p0 =	seq.s32 s0, $0x1;
	s0 =	simm.s32 $0x46200  }
0xc: {  	s3 =	sor.u32 s4, s3;
	s4 =	sadd.s32 $0x1EE00, s1;
	s7 =	sshrl.u32 s23, $0x3  }
0xd: {  	s8 =	sshrl.u32 s6, $0x1;
	s25 =	sadd.s32 s23, s2;
	s3 =	smul.u32 $0x500, s3  }
0xe: {  	s0 =	simm.s32 @!p0 $0x59C00;
	s23 =	simm.s32 $0x9;
	s6 =	ssub.s32 s6, s8  }
0xf: {  	[dreg:$0x5] =	wrdreg s25;
	s29 =	smax.u32 s6, $0x1;
	s3 =	sadd.s32 s3, s1  }
0x10: {  	s25 =	simm.s32 $0xA;
	[dreg:$0x7] =	wrdreg s29;
	s24 =	sadd.s32 $0x14E00, s3  }
0x11: {  	s1 =	sadd.s32 s7, s1;
	s3 =	sadd.s32 $0x3400, s3;
	[dreg:$0x3] =	wrdreg s24  }
0x12: {  	s8 =	simm.s32 $0xF;
	s26 =	sadd.s32 $0x32800, s1;
	[dreg:$0x4] =	wrdreg s3  }
0x13: {  	s6 =	simm.s32 $0xD;
	s0 =	sadd.s32 s0, s1;
	[dreg:$0x6] =	wrdreg s26  }
0x14: {  	s7 =	simm.s32 $0xE;
	s1 =	simm.s32 $0x3;
	[dreg:$0x8] =	wrdreg s0  }
0x15: {  	s24 =	simm.s32 $0x11000;
	s26 =	simm.s32 $0x13000;
	s0 =	simm.s32 $0x5  }
.LBB2_1:
0x16: {  	[dreg:$0x9] =	wrdreg s11  }
0x17: {  	s3 =	simm.s32 $0x0;
	s10 =	rddreg [dreg:$0x3];
	s29 =	simm.s32 $0x11  }
0x18: {  	[tilespmem:s3], [sflag:$0x11] =	stream.linear.gather [hbm4b:s10+s3], $0x2800, $0x38;
	[tilespmem:$0x1EC80] =	vst v63  }
0x19: {  	_ =	swait.ge [sflag:s29], $0x2800  }
0x1a: {  	[sflag:s29] =	ssyncset.done $0x0  }
0x1b: {  	[sflag:s29] =	ssyncadd.s32 $0xFFFFD800  }
0x1c: {  	[tilespmem:s13], [sflag:$0x1] =	stream.indirect.gather [hbm4b:s4+s12], $0x40, s3, s12, $0xb8;
	[tilespmem:$0x1EC80] =	vst v63  }
0x1d: {  	_ = 	snop  }
0x1e: {  	[tilespmem:s14], [sflag:$0x2] =	stream.indirect.gather [hbm4b:s4+s12], $0x40, s12, s12, $0xb8;
	[tilespmem:$0x1EC80] =	vst v63  }
0x1f: {  	s10 =	simm.s32 $0x100  }
0x20: {  	[tilespmem:s16], [sflag:$0x3] =	stream.indirect.gather [hbm4b:s4+s12], $0x40, s10, s12, $0xb8;
	[tilespmem:$0x1EC80] =	vst v63  }
0x21: {  	s10 =	simm.s32 $0x180  }
0x22: {  	[tilespmem:s18], [sflag:$0x4] =	stream.indirect.gather [hbm4b:s4+s12], $0x40, s10, s12, $0xb8;
	[tilespmem:$0x1EC80] =	vst v63  }
0x23: {  	s10 =	simm.s32 $0x200  }
0x24: {  	[tilespmem:s20], [sflag:$0x5] =	stream.indirect.gather [hbm4b:s4+s12], $0x40, s10, s12, $0xb8;
	[tilespmem:$0x1EC80] =	vst v63  }
0x25: {  	s10 =	simm.s32 $0x280  }
0x26: {  	[tilespmem:s22], [sflag:$0x6] =	stream.indirect.gather [hbm4b:s4+s12], $0x40, s10, s12, $0xb8;
	[tilespmem:$0x1EC80] =	vst v63  }
0x27: {  	s10 =	simm.s32 $0x300  }
0x28: {  	[tilespmem:s24], [sflag:$0x7] =	stream.indirect.gather [hbm4b:s4+s12], $0x40, s10, s12, $0xb8;
	[tilespmem:$0x1EC80] =	vst v63  }
0x29: {  	s10 =	simm.s32 $0x380  }
0x2a: {  	[tilespmem:s26], [sflag:$0x8] =	stream.indirect.gather [hbm4b:s4+s12], $0x40, s10, s12, $0xb8;
	[tilespmem:$0x1EC80] =	vst v63  }
0x2b: {  	s11 =	rddreg [dreg:$0x4];
	s10 =	simm.s32 $0x2800  }
0x2c: {  	[tilespmem:s10], [sflag:$0x11] =	stream.linear.gather [hbm4b:s11+s3], $0x2800, $0x38;
	[tilespmem:$0x1EC80] =	vst v63  }
0x2d: {  	s11 =	stileid.u32  }
0x2e: {  	_ =	swait.ge [sflag:s29], $0x2800;
	s3 =	sshll.u32 s11, $0x6  }
0x2f: {  	[sflag:s29] =	ssyncset.done $0x0;
	s11 =	sor.u32 $0x1C12, s3;
	s3 =	rddreg [dreg:$0x5]  }
0x30: {  	[sflag:s29] =	ssyncadd.s32 $0xFFFFD800;
	s29 =	sshrl.u32 s3, $0x3;
	s3 =	rddreg [dreg:$0x6]  }
0x31: {  	[dreg:$0xa] =	wrdreg s11  }
0x32: {  	s10 =	simm.s32 $0x12;
	[dreg:$0xb] =	wrdreg s29  }
0x33: {  	[spmem:s29], [sflag:s11] =	dma.local [hbm:s3], $0x1390  }
0x34: {  	_ =	swait.ge [sflag:s10], $0x1390  }
0x35: {  	[sflag:s10] =	ssyncset.done $0x0  }
0x36: {  	[sflag:s10] =	ssyncadd.s32 $0xFFFFEC70  }
0x37: {  	[bflag:$0x0] =	sbarrier.arrive $0xFFFF  }
0x38: {  	_ =	swait.ge [sflag:s30], $0x2000  }
0x39: {  	[sflag:s30] =	ssyncset.done $0x0  }
0x3a: {  	s11 =	simm.s32 $0x2800;
	[sflag:s30] =	ssyncadd.s32 $0xFFFFE000  }
0x3b: {  	[spmem:s2] =	stream.indirect.scatter.add.f32 [tilespmem:s13], [sflag:$0x9], $0x40, s11, s12, $0xb8;
	[tilespmem:$0x1EC80] =	vst v63  }
0x3c: {  	_ =	swait.ge [sflag:s31], $0x2000  }
0x3d: {  	[sflag:s31] =	ssyncset.done $0x0  }
0x3e: {  	s11 =	simm.s32 $0x2880;
	[sflag:s31] =	ssyncadd.s32 $0xFFFFE000  }
0x3f: {  	[spmem:s2] =	stream.indirect.scatter.add.f32 [tilespmem:s14], [sflag:$0xA], $0x40, s11, s12, $0xb8;
	[tilespmem:$0x1EC80] =	vst v63  }
0x40: {  	_ =	swait.ge [sflag:s1], $0x2000  }
0x41: {  	[sflag:s1] =	ssyncset.done $0x0  }
0x42: {  	s11 =	simm.s32 $0x2900;
	[sflag:s1] =	ssyncadd.s32 $0xFFFFE000  }
0x43: {  	[spmem:s2] =	stream.indirect.scatter.add.f32 [tilespmem:s16], [sflag:$0xB], $0x40, s11, s12, $0xb8;
	[tilespmem:$0x1EC80] =	vst v63  }
0x44: {  	_ =	swait.ge [sflag:s15], $0x2000  }
0x45: {  	[sflag:s15] =	ssyncset.done $0x0  }
0x46: {  	s11 =	simm.s32 $0x2980;
	[sflag:s15] =	ssyncadd.s32 $0xFFFFE000  }
0x47: {  	[spmem:s2] =	stream.indirect.scatter.add.f32 [tilespmem:s18], [sflag:$0xC], $0x40, s11, s12, $0xb8;
	[tilespmem:$0x1EC80] =	vst v63  }
0x48: {  	_ =	swait.ge [sflag:s0], $0x2000  }
0x49: {  	[sflag:s0] =	ssyncset.done $0x0  }
0x4a: {  	s11 =	simm.s32 $0x2A00;
	[sflag:s0] =	ssyncadd.s32 $0xFFFFE000  }
0x4b: {  	[spmem:s2] =	stream.indirect.scatter.add.f32 [tilespmem:s20], [sflag:$0xD], $0x40, s11, s12, $0xb8;
	[tilespmem:$0x1EC80] =	vst v63  }
0x4c: {  	_ =	swait.ge [sflag:s17], $0x2000  }
0x4d: {  	[sflag:s17] =	ssyncset.done $0x0  }
0x4e: {  	s11 =	simm.s32 $0x2A80;
	[sflag:s17] =	ssyncadd.s32 $0xFFFFE000  }
0x4f: {  	[spmem:s2] =	stream.indirect.scatter.add.f32 [tilespmem:s22], [sflag:$0xE], $0x40, s11, s12, $0xb8;
	[tilespmem:$0x1EC80] =	vst v63  }
0x50: {  	_ =	swait.ge [sflag:s19], $0x2000  }
0x51: {  	[sflag:s19] =	ssyncset.done $0x0  }
0x52: {  	s11 =	simm.s32 $0x2B00;
	[sflag:s19] =	ssyncadd.s32 $0xFFFFE000  }
0x53: {  	[spmem:s2] =	stream.indirect.scatter.add.f32 [tilespmem:s24], [sflag:$0xF], $0x40, s11, s12, $0xb8;
	[tilespmem:$0x1EC80] =	vst v63  }
0x54: {  	_ =	swait.ge [sflag:s21], $0x2000  }
0x55: {  	[sflag:s21] =	ssyncset.done $0x0  }
0x56: {  	s11 =	simm.s32 $0x2B80;
	[sflag:s21] =	ssyncadd.s32 $0xFFFFE000  }
0x57: {  	[spmem:s2] =	stream.indirect.scatter.add.f32 [tilespmem:s26], [sflag:$0x10], $0x40, s11, s12, $0xb8;
	[tilespmem:$0x1EC80] =	vst v63  }
0x58: {  	_ =	swait.ge [sflag:s23], $0x2000  }
0x59: {  	[sflag:s23] =	ssyncset.done $0x0  }
0x5a: {  	s11 =	simm.s32 $0x400;
	[sflag:s23] =	ssyncadd.s32 $0xFFFFE000  }
0x5b: {  	[tilespmem:s13], [sflag:$0x1] =	stream.indirect.gather [hbm4b:s4+s12], $0x40, s11, s12, $0xb8;
	[tilespmem:$0x1EC80] =	vst v63  }
0x5c: {  	_ =	swait.ge [sflag:s25], $0x2000  }
0x5d: {  	[sflag:s25] =	ssyncset.done $0x0  }
0x5e: {  	s11 =	simm.s32 $0x480;
	[sflag:s25] =	ssyncadd.s32 $0xFFFFE000  }
0x5f: {  	[tilespmem:s14], [sflag:$0x2] =	stream.indirect.gather [hbm4b:s4+s12], $0x40, s11, s12, $0xb8;
	[tilespmem:$0x1EC80] =	vst v63  }
0x60: {  	_ =	swait.ge [sflag:s28], $0x2000  }
0x61: {  	[sflag:s28] =	ssyncset.done $0x0  }
0x62: {  	s11 =	simm.s32 $0x500;
	[sflag:s28] =	ssyncadd.s32 $0xFFFFE000  }
0x63: {  	[tilespmem:s16], [sflag:$0x3] =	stream.indirect.gather [hbm4b:s4+s12], $0x40, s11, s12, $0xb8;
	[tilespmem:$0x1EC80] =	vst v63  }
0x64: {  	_ =	swait.ge [sflag:s5], $0x2000  }
0x65: {  	[sflag:s5] =	ssyncset.done $0x0  }
0x66: {  	s11 =	simm.s32 $0x580;
	[sflag:s5] =	ssyncadd.s32 $0xFFFFE000  }
0x67: {  	[tilespmem:s18], [sflag:$0x4] =	stream.indirect.gather [hbm4b:s4+s12], $0x40, s11, s12, $0xb8;
	[tilespmem:$0x1EC80] =	vst v63  }
0x68: {  	_ =	swait.ge [sflag:s6], $0x2000  }
0x69: {  	[sflag:s6] =	ssyncset.done $0x0  }
0x6a: {  	s11 =	simm.s32 $0x600;
	[sflag:s6] =	ssyncadd.s32 $0xFFFFE000  }
0x6b: {  	[tilespmem:s20], [sflag:$0x5] =	stream.indirect.gather [hbm4b:s4+s12], $0x40, s11, s12, $0xb8;
	[tilespmem:$0x1EC80] =	vst v63  }
0x6c: {  	_ =	swait.ge [sflag:s7], $0x2000  }
0x6d: {  	[sflag:s7] =	ssyncset.done $0x0  }
0x6e: {  	s11 =	simm.s32 $0x680;
	[sflag:s7] =	ssyncadd.s32 $0xFFFFE000  }
0x6f: {  	[tilespmem:s22], [sflag:$0x6] =	stream.indirect.gather [hbm4b:s4+s12], $0x40, s11, s12, $0xb8;
	[tilespmem:$0x1EC80] =	vst v63  }
0x70: {  	_ =	swait.ge [sflag:s8], $0x2000  }
0x71: {  	[sflag:s8] =	ssyncset.done $0x0  }
0x72: {  	s11 =	simm.s32 $0x700;
	[sflag:s8] =	ssyncadd.s32 $0xFFFFE000  }
0x73: {  	[tilespmem:s24], [sflag:$0x7] =	stream.indirect.gather [hbm4b:s4+s12], $0x40, s11, s12, $0xb8;
	[tilespmem:$0x1EC80] =	vst v63  }
0x74: {  	_ =	swait.ge [sflag:s9], $0x2000  }
0x75: {  	[sflag:s9] =	ssyncset.done $0x0  }
0x76: {  	s29 =	simm.s32 $0x1000;
	s3 =	simm.s32 $0x780;
	[sflag:s9] =	ssyncadd.s32 $0xFFFFE000  }
.LBB2_2:
0x77: {  	[tilespmem:s26], [sflag:$0x8] =	stream.indirect.gather [hbm4b:s4+s12], $0x40, s3, s12, $0xb8;
	[tilespmem:$0x1EC80] =	vst v63  }
0x78: {  	s3 =	smov.u32 s29  }
0x79: {  	p0 =	sne.s32 s29, $0x8000;
	s29 =	sadd.s32 $0x1000, s29;
	_ =	swait.ge [sflag:s30], $0x2000  }
0x7a: {  	s3 =	sshra.s32 s3, $0x2;
	[sflag:s30] =	ssyncset.done $0x0  }
0x7b: {  	s11 =	sadd.s32 $0x2800, s3;
	[sflag:s30] =	ssyncadd.s32 $0xFFFFE000  }
0x7c: {  	[spmem:s2] =	stream.indirect.scatter.add.f32 [tilespmem:s13], [sflag:$0x9], $0x40, s11, s12, $0xb8;
	[tilespmem:$0x1EC80] =	vst v63  }
0x7d: {  	_ =	swait.ge [sflag:s31], $0x2000  }
0x7e: {  	[sflag:s31] =	ssyncset.done $0x0  }
0x7f: {  	s11 =	sadd.s32 $0x2880, s3;
	[sflag:s31] =	ssyncadd.s32 $0xFFFFE000  }
0x80: {  	[spmem:s2] =	stream.indirect.scatter.add.f32 [tilespmem:s14], [sflag:$0xA], $0x40, s11, s12, $0xb8;
	[tilespmem:$0x1EC80] =	vst v63  }
0x81: {  	_ =	swait.ge [sflag:s1], $0x2000  }
0x82: {  	[sflag:s1] =	ssyncset.done $0x0  }
0x83: {  	s11 =	sadd.s32 $0x2900, s3;
	[sflag:s1] =	ssyncadd.s32 $0xFFFFE000  }
0x84: {  	[spmem:s2] =	stream.indirect.scatter.add.f32 [tilespmem:s16], [sflag:$0xB], $0x40, s11, s12, $0xb8;
	[tilespmem:$0x1EC80] =	vst v63  }
0x85: {  	_ =	swait.ge [sflag:s15], $0x2000  }
0x86: {  	[sflag:s15] =	ssyncset.done $0x0  }
0x87: {  	s11 =	sadd.s32 $0x2980, s3;
	[sflag:s15] =	ssyncadd.s32 $0xFFFFE000  }
0x88: {  	[spmem:s2] =	stream.indirect.scatter.add.f32 [tilespmem:s18], [sflag:$0xC], $0x40, s11, s12, $0xb8;
	[tilespmem:$0x1EC80] =	vst v63  }
0x89: {  	_ =	swait.ge [sflag:s0], $0x2000  }
0x8a: {  	[sflag:s0] =	ssyncset.done $0x0  }
0x8b: {  	s11 =	sadd.s32 $0x2A00, s3;
	[sflag:s0] =	ssyncadd.s32 $0xFFFFE000  }
0x8c: {  	[spmem:s2] =	stream.indirect.scatter.add.f32 [tilespmem:s20], [sflag:$0xD], $0x40, s11, s12, $0xb8;
	[tilespmem:$0x1EC80] =	vst v63  }
0x8d: {  	_ =	swait.ge [sflag:s17], $0x2000  }
0x8e: {  	[sflag:s17] =	ssyncset.done $0x0  }
0x8f: {  	s11 =	sadd.s32 $0x2A80, s3;
	[sflag:s17] =	ssyncadd.s32 $0xFFFFE000  }
0x90: {  	[spmem:s2] =	stream.indirect.scatter.add.f32 [tilespmem:s22], [sflag:$0xE], $0x40, s11, s12, $0xb8;
	[tilespmem:$0x1EC80] =	vst v63  }
0x91: {  	_ =	swait.ge [sflag:s19], $0x2000  }
0x92: {  	[sflag:s19] =	ssyncset.done $0x0  }
0x93: {  	s11 =	sadd.s32 $0x2B00, s3;
	[sflag:s19] =	ssyncadd.s32 $0xFFFFE000  }
0x94: {  	[spmem:s2] =	stream.indirect.scatter.add.f32 [tilespmem:s24], [sflag:$0xF], $0x40, s11, s12, $0xb8;
	[tilespmem:$0x1EC80] =	vst v63  }
0x95: {  	_ =	swait.ge [sflag:s21], $0x2000  }
0x96: {  	[sflag:s21] =	ssyncset.done $0x0  }
0x97: {  	s11 =	sadd.s32 $0x2B80, s3;
	[sflag:s21] =	ssyncadd.s32 $0xFFFFE000  }
0x98: {  	[spmem:s2] =	stream.indirect.scatter.add.f32 [tilespmem:s26], [sflag:$0x10], $0x40, s11, s12, $0xb8;
	[tilespmem:$0x1EC80] =	vst v63  }
0x99: {  	_ =	swait.ge [sflag:s23], $0x2000  }
0x9a: {  	[sflag:s23] =	ssyncset.done $0x0  }
0x9b: {  	s11 =	sadd.s32 $0x400, s3;
	[sflag:s23] =	ssyncadd.s32 $0xFFFFE000  }
0x9c: {  	[tilespmem:s13], [sflag:$0x1] =	stream.indirect.gather [hbm4b:s4+s12], $0x40, s11, s12, $0xb8;
	[tilespmem:$0x1EC80] =	vst v63  }
0x9d: {  	_ =	swait.ge [sflag:s25], $0x2000  }
0x9e: {  	[sflag:s25] =	ssyncset.done $0x0  }
0x9f: {  	s11 =	sadd.s32 $0x480, s3;
	[sflag:s25] =	ssyncadd.s32 $0xFFFFE000  }
0xa0: {  	[tilespmem:s14], [sflag:$0x2] =	stream.indirect.gather [hbm4b:s4+s12], $0x40, s11, s12, $0xb8;
	[tilespmem:$0x1EC80] =	vst v63  }
0xa1: {  	_ =	swait.ge [sflag:s28], $0x2000  }
0xa2: {  	[sflag:s28] =	ssyncset.done $0x0  }
0xa3: {  	s11 =	sadd.s32 $0x500, s3;
	[sflag:s28] =	ssyncadd.s32 $0xFFFFE000  }
0xa4: {  	[tilespmem:s16], [sflag:$0x3] =	stream.indirect.gather [hbm4b:s4+s12], $0x40, s11, s12, $0xb8;
	[tilespmem:$0x1EC80] =	vst v63  }
0xa5: {  	_ =	swait.ge [sflag:s5], $0x2000  }
0xa6: {  	[sflag:s5] =	ssyncset.done $0x0  }
0xa7: {  	s11 =	sadd.s32 $0x580, s3;
	[sflag:s5] =	ssyncadd.s32 $0xFFFFE000  }
0xa8: {  	[tilespmem:s18], [sflag:$0x4] =	stream.indirect.gather [hbm4b:s4+s12], $0x40, s11, s12, $0xb8;
	[tilespmem:$0x1EC80] =	vst v63  }
0xa9: {  	_ =	swait.ge [sflag:s6], $0x2000  }
0xaa: {  	[sflag:s6] =	ssyncset.done $0x0  }
0xab: {  	s11 =	sadd.s32 $0x600, s3;
	[sflag:s6] =	ssyncadd.s32 $0xFFFFE000  }
0xac: {  	[tilespmem:s20], [sflag:$0x5] =	stream.indirect.gather [hbm4b:s4+s12], $0x40, s11, s12, $0xb8;
	[tilespmem:$0x1EC80] =	vst v63  }
0xad: {  	_ =	swait.ge [sflag:s7], $0x2000  }
0xae: {  	[sflag:s7] =	ssyncset.done $0x0  }
0xaf: {  	s11 =	sadd.s32 $0x680, s3;
	[sflag:s7] =	ssyncadd.s32 $0xFFFFE000  }
0xb0: {  	[tilespmem:s22], [sflag:$0x6] =	stream.indirect.gather [hbm4b:s4+s12], $0x40, s11, s12, $0xb8;
	[tilespmem:$0x1EC80] =	vst v63  }
0xb1: {  	_ =	swait.ge [sflag:s8], $0x2000  }
0xb2: {  	[sflag:s8] =	ssyncset.done $0x0  }
.Ltmp0:
0xb3: {  	s11 =	sadd.s32 $0x700, s3;
	[sflag:s8] =	ssyncadd.s32 $0xFFFFE000;
	(pc) =	sbr.rel @p0 .LBB2_2-.Ltmp0, $4  }
0xb4: {  	[tilespmem:s24], [sflag:$0x7] =	stream.indirect.gather [hbm4b:s4+s12], $0x40, s11, s12, $0xb8;
	[tilespmem:$0x1EC80] =	vst v63  }
0xb5: {  	_ =	swait.ge [sflag:s9], $0x2000  }
0xb6: {  	[sflag:s9] =	ssyncset.done $0x0  }
0xb7: {  	s3 =	sadd.s32 $0x780, s3;
	[sflag:s9] =	ssyncadd.s32 $0xFFFFE000  }
0xb8: {  	[tilespmem:s26], [sflag:$0x8] =	stream.indirect.gather [hbm4b:s4+s12], $0x40, s3, s12, $0xb8;
	[tilespmem:$0x1EC80] =	vst v63  }
0xb9: {  	_ =	swait.ge [sflag:s30], $0x2000  }
0xba: {  	[sflag:s30] =	ssyncset.done $0x0  }
0xbb: {  	s11 =	simm.s32 $0x4C00;
	[sflag:s30] =	ssyncadd.s32 $0xFFFFE000  }
0xbc: {  	[spmem:s2] =	stream.indirect.scatter.add.f32 [tilespmem:s13], [sflag:$0x9], $0x40, s11, s12, $0xb8;
	[tilespmem:$0x1EC80] =	vst v63  }
0xbd: {  	_ =	swait.ge [sflag:s31], $0x2000  }
0xbe: {  	[sflag:s31] =	ssyncset.done $0x0  }
0xbf: {  	s29 =	simm.s32 $0x4C80;
	[sflag:s31] =	ssyncadd.s32 $0xFFFFE000  }
0xc0: {  	[spmem:s2] =	stream.indirect.scatter.add.f32 [tilespmem:s14], [sflag:$0xA], $0x40, s29, s12, $0xb8;
	[tilespmem:$0x1EC80] =	vst v63  }
0xc1: {  	_ =	swait.ge [sflag:s1], $0x2000  }
0xc2: {  	[sflag:s1] =	ssyncset.done $0x0  }
0xc3: {  	s11 =	simm.s32 $0x4D00;
	[sflag:s1] =	ssyncadd.s32 $0xFFFFE000  }
0xc4: {  	[spmem:s2] =	stream.indirect.scatter.add.f32 [tilespmem:s16], [sflag:$0xB], $0x40, s11, s12, $0xb8;
	[tilespmem:$0x1EC80] =	vst v63  }
0xc5: {  	_ =	swait.ge [sflag:s15], $0x2000  }
0xc6: {  	[sflag:s15] =	ssyncset.done $0x0  }
0xc7: {  	s29 =	simm.s32 $0x4D80;
	[sflag:s15] =	ssyncadd.s32 $0xFFFFE000  }
0xc8: {  	[spmem:s2] =	stream.indirect.scatter.add.f32 [tilespmem:s18], [sflag:$0xC], $0x40, s29, s12, $0xb8;
	[tilespmem:$0x1EC80] =	vst v63  }
0xc9: {  	_ =	swait.ge [sflag:s0], $0x2000  }
0xca: {  	[sflag:s0] =	ssyncset.done $0x0  }
0xcb: {  	s11 =	simm.s32 $0x4E00;
	[sflag:s0] =	ssyncadd.s32 $0xFFFFE000  }
0xcc: {  	[spmem:s2] =	stream.indirect.scatter.add.f32 [tilespmem:s20], [sflag:$0xD], $0x40, s11, s12, $0xb8;
	[tilespmem:$0x1EC80] =	vst v63  }
0xcd: {  	_ =	swait.ge [sflag:s17], $0x2000  }
0xce: {  	[sflag:s17] =	ssyncset.done $0x0  }
0xcf: {  	s29 =	simm.s32 $0x4E80;
	[sflag:s17] =	ssyncadd.s32 $0xFFFFE000  }
0xd0: {  	[spmem:s2] =	stream.indirect.scatter.add.f32 [tilespmem:s22], [sflag:$0xE], $0x40, s29, s12, $0xb8;
	[tilespmem:$0x1EC80] =	vst v63  }
0xd1: {  	_ =	swait.ge [sflag:s19], $0x2000  }
0xd2: {  	[sflag:s19] =	ssyncset.done $0x0  }
0xd3: {  	s11 =	simm.s32 $0x4F00;
	[sflag:s19] =	ssyncadd.s32 $0xFFFFE000  }
0xd4: {  	[spmem:s2] =	stream.indirect.scatter.add.f32 [tilespmem:s24], [sflag:$0xF], $0x40, s11, s12, $0xb8;
	[tilespmem:$0x1EC80] =	vst v63  }
0xd5: {  	_ =	swait.ge [sflag:s21], $0x2000  }
0xd6: {  	[sflag:s21] =	ssyncset.done $0x0  }
0xd7: {  	s29 =	simm.s32 $0x4F80;
	[sflag:s21] =	ssyncadd.s32 $0xFFFFE000  }
0xd8: {  	[spmem:s2] =	stream.indirect.scatter.add.f32 [tilespmem:s26], [sflag:$0x10], $0x40, s29, s12, $0xb8;
	[tilespmem:$0x1EC80] =	vst v63  }
0xd9: {  	_ =	swait.ge [sflag:s23], $0x2000  }
0xda: {  	[sflag:s23] =	ssyncset.done $0x0  }
0xdb: {  	[sflag:s23] =	ssyncadd.s32 $0xFFFFE000  }
0xdc: {  	_ =	swait.ge [sflag:s25], $0x2000  }
0xdd: {  	[sflag:s25] =	ssyncset.done $0x0  }
0xde: {  	[sflag:s25] =	ssyncadd.s32 $0xFFFFE000  }
0xdf: {  	_ =	swait.ge [sflag:s28], $0x2000  }
0xe0: {  	[sflag:s28] =	ssyncset.done $0x0  }
0xe1: {  	[sflag:s28] =	ssyncadd.s32 $0xFFFFE000  }
0xe2: {  	_ =	swait.ge [sflag:s5], $0x2000  }
0xe3: {  	[sflag:s5] =	ssyncset.done $0x0  }
0xe4: {  	[sflag:s5] =	ssyncadd.s32 $0xFFFFE000  }
0xe5: {  	_ =	swait.ge [sflag:s6], $0x2000  }
0xe6: {  	[sflag:s6] =	ssyncset.done $0x0  }
0xe7: {  	[sflag:s6] =	ssyncadd.s32 $0xFFFFE000  }
0xe8: {  	_ =	swait.ge [sflag:s7], $0x2000  }
0xe9: {  	[sflag:s7] =	ssyncset.done $0x0  }
0xea: {  	[sflag:s7] =	ssyncadd.s32 $0xFFFFE000  }
0xeb: {  	_ =	swait.ge [sflag:s8], $0x2000  }
0xec: {  	[sflag:s8] =	ssyncset.done $0x0  }
0xed: {  	[sflag:s8] =	ssyncadd.s32 $0xFFFFE000  }
0xee: {  	_ =	swait.ge [sflag:s9], $0x2000  }
0xef: {  	[sflag:s9] =	ssyncset.done $0x0  }
0xf0: {  	[sflag:s9] =	ssyncadd.s32 $0xFFFFE000  }
0xf1: {  	[bflag:$0x0] =	sbarrier.arrive $0xFFFF  }
0xf2: {  	s3 =	rddreg [dreg:$0x8]  }
0xf3: {  	s11 =	rddreg [dreg:$0xa]  }
0xf4: {  	s29 =	rddreg [dreg:$0xb]  }
0xf5: {  	[hbm:s3], [sflag:s11] =	dma.local [spmem:s29], $0x1390  }
0xf6: {  	_ =	swait.ge [sflag:s10], $0x1390  }
0xf7: {  	s3 =	rddreg [dreg:$0x9]  }
0xf8: {  	s29 =	rddreg [dreg:$0x7];
	s11 =	sadd.s32 $0x1, s3  }
0xf9: {  	p0 =	sne.s32 s11, s29  }
.Ltmp1:
0xfa: {  	_ = 	snop;
	(pc) =	sbr.rel @p0 .LBB2_1-.Ltmp1, $3  }
0xfb: {  	_ =	sdelay $0x1  }
0xfc: {  	[sflag:s10] =	ssyncset.done $0x0  }
0xfd: {  	[sflag:s10] =	ssyncadd.s32 $0xFFFFEC70  }
0xfe: {  	_ =	sfence.sel $0x180000  }
0xff: {  	[bflag:$0x0] =	sbarrier.arrive $0xFFFF  }
0x100: {  	_ =	strace $0x9000004D  }
0x101: {  	s0 =	stileid.u32;
	[bflag:$0x2] =	sbarrier.arrive $0xFFFF  }
0x102: {  	p0 =	sne.s32 s0, $0x0;
	s0 =	rddreg [dreg:$0x2]  }
0x103: {  	s0 =	sadd.s32 @!p0 $0x100000, s0  }
0x104: {  	[sflag:s0] =	ssyncadd.tile.s32 @!p0 $0x1;
	_ =	shalt  }
.Lfunc_end2:
_tile_overlayer_lowered:
.L_overlay_start_2:
0x105: {  	(tag) =	ssettag $0x2  }
0x106: {  	s0 =	rddreg [dreg:$0x0];
	s2 =	stileid.u32  }
0x107: {  	s1 =	rddreg [dreg:$0x1];
	p0 =	sne.s32 s2, $0x0  }
0x108: {  	s3 =	rddreg [dreg:$0x2];
	[bflag:$0x3] =	sbarrier.arrive $0xFFFF;
	s2 =	simm.s32 @!p0 $0x1C12  }
0x109: {  	[timem:s3], [sflag:s2] =	dma.local @!p0 [hbm:s0], s1  }
0x10a: {  	s0 =	simm.s32 @!p0 $0x12  }
0x10b: {  	_ =	swait.ge @!p0 [sflag:s0], s1  }
0x10c: {  	s1 =	ssub.s32 @!p0 $0x0, s1;
	[sflag:s0] =	ssyncset.done @!p0 $0x0  }
0x10d: {  	[sflag:s0] =	ssyncadd.s32 @!p0 s1  }
0x10e: {  	[bflag:$0x3] =	sbarrier.arrive $0xFFFF  }
0x10f: {  	_ =	shalt  }

// kernel: kernel.8.cloned.1.call-start
scs
__scs_entry_jumppad:
0x0: {  	(pc) =	sbr.rel $0x88, $3  }
0x1: {  	(tag) =	ssettag $0x0;
	lr =	simm.s32 $0x1  }
0x2: {  	[smem:$0x3F95] =	sst lr;
	_ =	strace $0xD0000000  }
0x3: {  	_ = 	snop  }
0x4: {  	_ = 	snop  }
0x5: {  	_ = 	snop  }
0x6: {  	_ = 	snop  }
0x7: {  	_ = 	snop  }
__scs_overlays_trampoline_lowered:
0x8: {  	[smem:$0x3FA4] =	sst s0  }
0x9: {  	[smem:$0x3FA5] =	sst s1  }
0xa: {  	[smem:$0x3FA6] =	sst s2  }
0xb: {  	[smem:$0x3FA7] =	sst s3  }
0xc: {  	[smem:$0x3FA8] =	sst s4  }
0xd: {  	[smem:$0x3FA9] =	sst s5  }
0xe: {  	[smem:$0x3FAA] =	sst s6  }
0xf: {  	[smem:$0x3FAB] =	sst s7  }
0x10: {  	[smem:$0x3FAC] =	sst s8  }
0x11: {  	[smem:$0x3FAD] =	sst s9;
	s0 =	simm.s32 @!p0 $0x0  }
0x12: {  	s1 =	sld [smem:$0x3F93];
	s0 =	simm.s32 @p0 $0x1  }
0x13: {  	[smem:$0x3FAE] =	sst s0;
	s0 =	simm.s32 @!p1 $0x0  }
0x14: {  	s2 =	sld [smem:$0x3F92];
	s0 =	simm.s32 @p1 $0x1  }
0x15: {  	[smem:$0x3FAF] =	sst s0;
	s0 =	simm.s32 @!p2 $0x0  }
0x16: {  	s3 =	sld [smem:$0x3FDB];
	s0 =	simm.s32 @p2 $0x1  }
0x17: {  	s4 =	simm.s32 $0x1BF5;
	[smem:$0x3FB1] =	sst s0  }
0x18: {  	s0 =	sld [smem:$0x3F94];
	_ =	swait.ge [sflag:s4], $0x0  }
0x19: {  	s7 =	sld [smem:$0x3F95]  }
0x1a: {  	s8 =	sadd.s32 $0xFFFFE003, lr  }
0x1b: {  	s9 =	sadd.s32 $0xFFFFFEF7, lr;
	s5 =	simm.s32 $0xFFFFFFFF;
	p2 =	slt.u32 s8, $0xFFFFF086  }
0x1c: {  	p1 =	slt.u32 s9, $0xF7A;
	s5 =	simm.s32 @!p2 $0x0  }
0x1d: {  	s5 =	simm.s32 @p1 $0x1;
	p0 =	seq.s32 s7, s2  }
0x1e: {  	s7 =	smul.u32 @!p0 $0xF7A, s2;
	p2 =	seq.s32 @!p0 s5, $0x0  }
0x1f: {  	s9 =	smul.u32 $0xF7A, s1;
	s8 =	simm.s32 @!p0 $0x1BF5;
	p2 =	por !p2, p0  }
0x20: {  	[sflag:s8] =	ssyncset.s32 @!p0 $0xFFFFF086;
	s6 =	sadd.s32 @!p0 s3, s7;
	s7 =	simm.s32 @!p0 $0x108  }
0x21: {  	s3 =	sadd.s32 s3, s9;
	s6 =	sadd.s32 @!p0 $0x88, s6;
	s7 =	simm.s32 @p2 $0x1082  }
0x22: {  	[simem:s7], [sflag:s8] =	dma.local @!p0 [hbm:s6], $0xF7A  }
0x23: {  	s9 =	sor.u32 $0xD0000000, s2;
	s6 =	simm.s32 $0x108;
	_ =	swait.ge @!p0 [sflag:s8], $0x0  }
0x24: {  	s3 =	sadd.s32 $0x88, s3;
	s6 =	simm.s32 @!p1 $0x1082;
	[sflag:s4] =	ssyncset.s32 $0xFFFFF086  }
0x25: {  	[simem:s6], [sflag:s4] =	dma.local [hbm:s3], $0xF7A  }
0x26: {  	[smem:$0x3F95] =	sst s1;
	(tag) =	ssettag s2;
	_ =	strace s9  }
0x27: {  	s1 =	sld [smem:$0x3FA5]  }
0x28: {  	s2 =	sld [smem:$0x3FA6]  }
0x29: {  	s4 =	sld [smem:$0x3FA8]  }
0x2a: {  	p0 =	seq.s32 s5, $0x0;
	s5 =	sld [smem:$0x3FA9]  }
0x2b: {  	s6 =	sld [smem:$0x3FAA]  }
0x2c: {  	s7 =	sld [smem:$0x3FAB]  }
0x2d: {  	s3 =	simm.s32 $0x108;
	s8 =	sld [smem:$0x3FAC]  }
0x2e: {  	s3 =	simm.s32 @!p0 $0x1082;
	s9 =	sld [smem:$0x3FAD]  }
0x2f: {  	lr =	sadd.s32 s0, s3;
	s0 =	sld [smem:$0x3FA4]  }
0x30: {  	s3 =	sld [smem:$0x3FA7]  }
0x31: {  	[smem:$0x3FB0] =	sst s10  }
0x32: {  	s10 =	sld [smem:$0x3FAE];
	_ =	sdelay $0x3  }
0x33: {  	p0 =	seq.s32 s10, $0x1;
	s10 =	sld [smem:$0x3FB0];
	_ =	sdelay $0x3  }
0x34: {  	[smem:$0x3FB0] =	sst s10  }
0x35: {  	s10 =	sld [smem:$0x3FAF];
	_ =	sdelay $0x3  }
0x36: {  	p1 =	seq.s32 s10, $0x1;
	s10 =	sld [smem:$0x3FB0];
	_ =	sdelay $0x3  }
0x37: {  	[smem:$0x3FB0] =	sst s10  }
0x38: {  	s10 =	sld [smem:$0x3FB1]  }
0x39: {  	_ = 	snop;
	(pc) =	sbr.ind lr, $3  }
0x3a: {  	_ = 	snop  }
0x3b: {  	_ = 	snop  }
0x3c: {  	p2 =	seq.s32 s10, $0x1;
	s10 =	sld [smem:$0x3FB0]  }
0x3d: {  	_ =	shalt  }
0x3e: {  	_ =	shalt  }
0x3f: {  	_ =	shalt  }
0x40: {  	_ =	shalt  }
0x41: {  	_ =	shalt  }
0x42: {  	_ =	shalt  }
0x43: {  	_ =	shalt  }
0x44: {  	_ =	shalt  }
0x45: {  	_ =	shalt  }
0x46: {  	_ =	shalt  }
0x47: {  	_ =	shalt  }
0x48: {  	_ =	shalt  }
0x49: {  	_ =	shalt  }
0x4a: {  	_ =	shalt  }
0x4b: {  	_ =	shalt  }
0x4c: {  	_ =	shalt  }
0x4d: {  	_ =	shalt  }
0x4e: {  	_ =	shalt  }
0x4f: {  	_ =	shalt  }
0x50: {  	_ =	shalt  }
0x51: {  	_ =	shalt  }
0x52: {  	_ =	shalt  }
0x53: {  	_ =	shalt  }
0x54: {  	_ =	shalt  }
0x55: {  	_ =	shalt  }
0x56: {  	_ =	shalt  }
0x57: {  	_ =	shalt  }
0x58: {  	_ =	shalt  }
0x59: {  	_ =	shalt  }
0x5a: {  	_ =	shalt  }
0x5b: {  	_ =	shalt  }
0x5c: {  	_ =	shalt  }
0x5d: {  	_ =	shalt  }
0x5e: {  	_ =	shalt  }
0x5f: {  	_ =	shalt  }
0x60: {  	_ =	shalt  }
0x61: {  	_ =	shalt  }
0x62: {  	_ =	shalt  }
0x63: {  	_ =	shalt  }
0x64: {  	_ =	shalt  }
0x65: {  	_ =	shalt  }
0x66: {  	_ =	shalt  }
0x67: {  	_ =	shalt  }
0x68: {  	_ =	shalt  }
0x69: {  	_ =	shalt  }
0x6a: {  	_ =	shalt  }
0x6b: {  	_ =	shalt  }
0x6c: {  	_ =	shalt  }
0x6d: {  	_ =	shalt  }
0x6e: {  	_ =	shalt  }
0x6f: {  	_ =	shalt  }
0x70: {  	_ =	shalt  }
0x71: {  	_ =	shalt  }
0x72: {  	_ =	shalt  }
0x73: {  	_ =	shalt  }
0x74: {  	_ =	shalt  }
0x75: {  	_ =	shalt  }
0x76: {  	_ =	shalt  }
0x77: {  	_ =	shalt  }
0x78: {  	_ =	shalt  }
0x79: {  	_ =	shalt  }
0x7a: {  	_ =	shalt  }
0x7b: {  	_ =	shalt  }
0x7c: {  	_ =	shalt  }
0x7d: {  	_ =	shalt  }
0x7e: {  	_ =	shalt  }
0x7f: {  	_ =	shalt  }
0x80: {  	_ =	shalt  }
0x81: {  	_ =	shalt  }
0x82: {  	_ =	shalt  }
0x83: {  	_ =	shalt  }
0x84: {  	_ =	shalt  }
0x85: {  	_ =	shalt  }
0x86: {  	_ =	shalt  }
0x87: {  	_ =	shalt  }
.Lfunc_end0:
.L_simem_size_0:
called_computation_lowered:
.L_overlay_start_0:
0x88: {  	s2 =	sld [smem:$0x3FD9]  }
0x89: {  	s3 =	sld [smem:$0x3FFE];
	_ =	sdelay $0x1  }
0x8a: {  	s1 =	srdreg.scid  }
0x8b: {  	s0 =	sand.u32 $0x1, s1  }
0x8c: {  	s16 =	sshll.u32 s0, $0xA;
	s2 =	sadd.s32 s3, s2  }
0x8d: {  	s2 =	sadd.s32 s2, s16  }
0x8e: {  	[smem:$0x3FBC] =	sst s2  }
0x8f: {  	_ = 	snop  }
0x90: {  	(tm) =	ssettm $0x1  }
0x91: {  	s17 =	sld [smem:$0x3FFB];
	_ =	sdelay $0x3  }
0x92: {  	_ =	strace s17  }
0x93: {  	s2 =	sld [smem:$0x3FFC];
	_ =	sdelay $0x3  }
0x94: {  	_ =	strace s2  }
0x95: {  	s2 =	sld [smem:$0x3FFD];
	_ =	sdelay $0x3  }
0x96: {  	_ =	strace s2  }
0x97: {  	_ =	strace $0x8FFFFFFF  }
0x98: {  	s18 =	sld [smem:$0x3FDB];
	_ =	sdelay $0x1  }
0x99: {  	s19 =	simm.s32 $_scs_section_size  }
0x9a: {  	s4 =	simm.s32 $_size__tile_overlayer_lowered;
	s5 =	simm.s32 $_tile_overlayer_lowered  }
0x9b: {  	s22 =	simm.s32 $0x1BFF;
	s21 =	sshll.u32 s5, $0x1;
	s2 =	sadd.s32 s19, s18  }
0x9c: {  	s6 =	simm.s32 $0x0;
	s20 =	sshll.u32 s4, $0x1;
	s4 =	sadd.s32 s21, s2  }
0x9d: {  	[timem:s6], [sflag:s22] =	dma.local [hbm:s4], s20  }
0x9e: {  	_ =	swait.ge [sflag:s22], s20  }
0x9f: {  	s3 =	ssub.s32 $0x0, s20;
	[sflag:s22] =	ssyncset.done $0x0  }
0xa0: {  	[sflag:s22] =	ssyncadd.s32 s3;
	_ =	sdelay $0x1  }
0xa1: {  	s23 =	simm.s32 $0x1B8B  }
0xa2: {  	_ =	swait.ge [sflag:s23], $0x1  }
0xa3: {  	[sflag:s23] =	ssyncset.done $0x0  }
0xa4: {  	s25 =	simm.s32 $0x1B8E;
	s24 =	sld [smem:$0x3FFE];
	[sflag:s23] =	ssyncadd.s32 $0xFFFFFFFF  }
0xa5: {  	s26 =	simm.s32 $execute0_lowered;
	[smem:$0x3FD2] =	sst s25  }
0xa6: {  	s4 =	sshll.u32 s26, $0x1;
	_ =	strace $0x80000046;
	[dreg:$0x1] =	wrdreg $0xFFFFFFFF  }
0xa7: {  	s28 =	simm.s32 $_size_execute0_lowered;
	s2 =	sadd.s32 s2, s4;
	[dreg:$0x0] =	wrdreg $0x0  }
0xa8: {  	s4 =	sshll.u32 s28, $0x1;
	[dreg:$0x2] =	wrdreg s2  }
0xa9: {  	[dreg:$0x3] =	wrdreg s4  }
0xaa: {  	[dreg:$0x4] =	wrdreg $0xC0  }
0xab: {  	_ =	task [dreg:s6], $0x5FFFF  }
0xac: {  	[dreg:$0x1] =	wrdreg $0xFFFFFFFF  }
0xad: {  	[dreg:$0x0] =	wrdreg $0x60  }
0xae: {  	[dreg:$0x2] =	wrdreg s24  }
0xaf: {  	[dreg:$0x3] =	wrdreg $0x2C000  }
0xb0: {  	[dreg:$0x4] =	wrdreg $0x9  }
0xb1: {  	_ =	task.clear_ibuf [dreg:s6], $0x5FFFF;
	_ =	strace $0x90000046  }
0xb2: {  	s29 =	simm.s32 $0x9;
	_ =	strace $0x80000048  }
0xb3: {  	_ =	swait.ge [sflag:s29], $0x1  }
0xb4: {  	[sflag:s29] =	ssyncadd.s32 $0xFFFFFFFF  }
0xb5: {  	_ =	strace $0x90000048  }
0xb6: {  	_ =	sfence  }
0xb7: {  	s30 =	sld [smem:$0x0];
	_ =	sdelay $0x2  }
0xb8: {  	s31 =	sshll.u32 s1, $0xD;
	s1 =	sshrl.u32 s1, $0x2  }
0xb9: {  	s3 =	sand.u32 $0x4000, s31;
	s1 =	sadd.s32 s1, s30  }
0xba: {  	s0 =	sor.u32 s3, s0;
	s1 =	sshll.u32 s1, $0x11  }
0xbb: {  	s0 =	sor.u32 s1, s0  }
0xbc: {  	s0 =	sadd.s32 $0x8F2B, s0  }
0xbd: {  	[sflag:s0] =	ssyncadd.remote.s32 $0x1  }
0xbe: {  	_ =	sfence.sel $0xFFFF  }
0xbf: {  	[dreg:$0x0] =	wrdreg $0xFFFFFFFF;
	(pc) =	sbr.abs _section_cstart, $3  }
0xc0: {  	[dreg:$0x1] =	wrdreg $0xFFFFFFFF  }
0xc1: {  	_ =	task.clear_ibuf [dreg:s6], $0x2FFFF;
	_ =	strace $0x9FFFFFFF  }
0xc2: {  	(tm) =	ssettm $0x7FFFFFFF  }
0xc3: {  	_ =	shalt  }
tec
execute0_lowered:
.L_overlay_start_1:
0x0: {  	(tag) =	ssettag $0x1  }
0x1: {  	s4 =	rddreg [dreg:$0x0]  }
0x2: {  	s0 =	srdreg.scid;
	s2 =	rddreg [dreg:$0x1]  }
0x3: {  	s1 =	stileid.u32;
	s3 =	simm.s32 $0x0;
	s13 =	simm.s32 $0x1  }
0x4: {  	s14 =	simm.s32 $0x80;
	s5 =	sand.u32 $0x1, s0;
	s0 =	rddreg [dreg:$0x2]  }
0x5: {  	s15 =	simm.s32 $0x0;
	s7 =	smul.u32 $0x1390, s1;
	[smem:$0x7FF] =	sst s3  }
0x6: {  	s31 =	sshll.u32 s1, $0x6;
	s6 =	sshll.u32 s5, $0x4;
	_ =	strace $0x80000047  }
0x7: {  	s9 =	ssub.s32 $0x2, s5;
	p0 =	seq.s32 s5, $0x1;
	s6 =	sor.u32 s1, s6  }
0x8: {  	s8 =	sshrl.u32 s7, $0x3;
	s29 =	sshrl.u32 s9, $0x1;
	s6 =	smul.u32 $0x500, s6  }
0x9: {  	s11 =	sadd.s32 s8, s4;
	s30 =	ssub.s32 s9, s29;
	s9 =	simm.s32 $0xFE00  }
0xa: {  	s12 =	sadd.s32 s7, s2;
	s5 =	sadd.s32 $0xD400, s11;
	s9 =	simm.s32 @!p0 $0x12600  }
0xb: {  	s8 =	smax.u32 s30, $0x1;
	s10 =	sadd.s32 s6, s4;
	s4 =	sadd.s32 $0xFC00, s4  }
0xc: {  	s6 =	sor.u32 $0x1C02, s31;
	s9 =	sadd.s32 s9, s11;
	s11 =	simm.s32 $0x2  }
0xd: {  	s7 =	sadd.s32 $0x3400, s10;
	s10 =	sshrl.u32 s12, $0x3;
	s12 =	simm.s32 $0x2800  }
.LBB2_1:
0xe: {  	[spmem:s10], [sflag:s6] =	dma.local [hbm:s5], $0x272  }
0xf: {  	_ =	swait.ge [sflag:s11], $0x272  }
0x10: {  	[sflag:s11] =	ssyncset.done $0x0  }
0x11: {  	[sflag:s11] =	ssyncadd.s32 $0xFFFFFD8E  }
0x12: {  	[tilespmem:s12], [sflag:$0x2] =	stream.linear.gather [hbm4b:s4+s3], $0x400, $0x38;
	[tilespmem:$0x3F90] =	vst v63  }
0x13: {  	_ =	swait.ge [sflag:s11], $0x400  }
0x14: {  	[sflag:s11] =	ssyncset.done $0x0  }
0x15: {  	[sflag:s11] =	ssyncadd.s32 $0xFFFFFC00  }
0x16: {  	[tilespmem:s3], [sflag:$0x1] =	stream.linear.gather [hbm4b:s7+s3], $0x2800, $0x38;
	[tilespmem:$0x3F90] =	vst v63  }
0x17: {  	_ =	swait.ge [sflag:s13], $0x2800  }
0x18: {  	[sflag:s13] =	ssyncset.done $0x0  }
0x19: {  	p0 =	por $0x1, $0x1;
	[sflag:s13] =	ssyncadd.s32 $0xFFFFD800  }
0x1a: {  	s18 =	simm.s32 @!p0 $0x1;
	[bflag:$0x0] =	sbarrier.arrive $0xFFFF  }
0x1b: {  	[spmem:s2] =	stream.indirect.scatter.add.f32 [tilespmem:s12], [sflag:$0x1], $0x8, s3, s14, $0xb8;
	[tilespmem:$0x3F90] =	vst v63  }
0x1c: {  	_ =	swait.ge @!p0 [sflag:s18], $0x400  }
0x1d: {  	s16 =	simm.s32 $0x1;
	s17 =	simm.s32 $0x0;
	[sflag:s18] =	ssyncset.done @!p0 $0x0  }
.LBB2_2:
0x1e: {  	[sflag:s18] =	ssyncadd.s32 @!p0 $0xFFFFFC00  }
0x1f: {  	s17 =	sadd.s32 $0x80, s17;
	s18 =	smov.u32 s16;
	s16 =	sadd.s32 $0x1, s16  }
0x20: {  	p1 =	sne.s32 s16, $0x50  }
0x21: {  	[spmem:s2] =	stream.indirect.scatter.add.f32 [tilespmem:s12], [sflag:$0x1], $0x8, s17, s14, $0xb8;
	[tilespmem:$0x3F90] =	vst v63  }
.Ltmp0:
0x22: {  	_ = 	snop;
	(pc) =	sbr.rel @p1 .LBB2_2-.Ltmp0, $4  }
0x23: {  	p0 =	slt.u32 s18, $0x8  }
0x24: {  	s18 =	simm.s32 @!p0 $0x1  }
0x25: {  	_ =	swait.ge @!p0 [sflag:s18], $0x400  }
0x26: {  	[sflag:s18] =	ssyncset.done @!p0 $0x0  }
0x27: {  	[sflag:s18] =	ssyncadd.s32 @!p0 $0xFFFFFC00  }
0x28: {  	_ =	swait.ge [sflag:s13], $0x400  }
0x29: {  	[sflag:s13] =	ssyncset.done $0x0  }
0x2a: {  	[sflag:s13] =	ssyncadd.s32 $0xFFFFFC00  }
0x2b: {  	_ =	swait.ge [sflag:s13], $0x400  }
0x2c: {  	[sflag:s13] =	ssyncset.done $0x0  }
0x2d: {  	[sflag:s13] =	ssyncadd.s32 $0xFFFFFC00  }
0x2e: {  	_ =	swait.ge [sflag:s13], $0x400  }
0x2f: {  	[sflag:s13] =	ssyncset.done $0x0  }
0x30: {  	[sflag:s13] =	ssyncadd.s32 $0xFFFFFC00  }
0x31: {  	_ =	swait.ge [sflag:s13], $0x400  }
0x32: {  	[sflag:s13] =	ssyncset.done $0x0  }
0x33: {  	[sflag:s13] =	ssyncadd.s32 $0xFFFFFC00  }
0x34: {  	_ =	swait.ge [sflag:s13], $0x400  }
0x35: {  	[sflag:s13] =	ssyncset.done $0x0  }
0x36: {  	[sflag:s13] =	ssyncadd.s32 $0xFFFFFC00  }
0x37: {  	_ =	swait.ge [sflag:s13], $0x400  }
0x38: {  	[sflag:s13] =	ssyncset.done $0x0  }
0x39: {  	[sflag:s13] =	ssyncadd.s32 $0xFFFFFC00  }
0x3a: {  	_ =	swait.ge [sflag:s13], $0x400  }
0x3b: {  	[sflag:s13] =	ssyncset.done $0x0  }
0x3c: {  	[sflag:s13] =	ssyncadd.s32 $0xFFFFFC00  }
0x3d: {  	_ =	swait.ge [sflag:s13], $0x400  }
0x3e: {  	s15 =	sadd.s32 $0x1, s15;
	[sflag:s13] =	ssyncset.done $0x0  }
0x3f: {  	p0 =	sne.s32 s15, s8;
	[sflag:s13] =	ssyncadd.s32 $0xFFFFFC00  }
.Ltmp1:
0x40: {  	[bflag:$0x0] =	sbarrier.arrive $0xFFFF;
	(pc) =	sbr.rel @p0 .LBB2_1-.Ltmp1, $4  }
0x41: {  	[hbm:s9], [sflag:s6] =	dma.local [spmem:s10], $0x272  }
0x42: {  	_ =	swait.ge [sflag:s11], $0x272  }
0x43: {  	[sflag:s11] =	ssyncset.done $0x0  }
0x44: {  	[sflag:s11] =	ssyncadd.s32 $0xFFFFFD8E  }
0x45: {  	_ =	sfence.sel $0x180000  }
0x46: {  	[bflag:$0x0] =	sbarrier.arrive $0xFFFF  }
0x47: {  	p0 =	sne.s32 s1, $0x0;
	_ =	strace $0x90000047  }
0x48: {  	s0 =	sadd.s32 @!p0 $0x100000, s0;
	[bflag:$0x2] =	sbarrier.arrive $0xFFFF  }
0x49: {  	[sflag:s0] =	ssyncadd.tile.s32 @!p0 $0x1;
	_ =	shalt  }
.Lfunc_end2:
_tile_overlayer_lowered:
.L_overlay_start_2:
0x4a: {  	(tag) =	ssettag $0x2  }
0x4b: {  	s0 =	rddreg [dreg:$0x0];
	s2 =	stileid.u32  }
0x4c: {  	s1 =	rddreg [dreg:$0x1];
	p0 =	sne.s32 s2, $0x0  }
0x4d: {  	s3 =	rddreg [dreg:$0x2];
	[bflag:$0x3] =	sbarrier.arrive $0xFFFF;
	s2 =	simm.s32 @!p0 $0x1C02  }
0x4e: {  	[timem:s3], [sflag:s2] =	dma.local @!p0 [hbm:s0], s1  }
0x4f: {  	s0 =	simm.s32 @!p0 $0x2  }
0x50: {  	_ =	swait.ge @!p0 [sflag:s0], s1  }
0x51: {  	s1 =	ssub.s32 @!p0 $0x0, s1;
	[sflag:s0] =	ssyncset.done @!p0 $0x0  }
0x52: {  	[sflag:s0] =	ssyncadd.s32 @!p0 s1  }
0x53: {  	[bflag:$0x3] =	sbarrier.arrive $0xFFFF  }
0x54: {  	_ =	shalt  }

</sc_bundles>
